<compile_context>
chip_gen: v7x
topology: tpu7x:2x2x1
jax: 0.10.2.dev20260603
libtpu: 0.0.44.dev20260713+nightly
codegen_flags: <defaults>
</compile_context>

<pallas_src>
import jax
import jax.numpy as jnp
from jax import lax
from jax.experimental import pallas as pl
from jax.experimental.pallas import tpu as pltpu
from jax.experimental.pallas import tpu_sc as plsc

N = 10000
E = 320000
EL = 100000
D = 128
R_DEC = 2.0
T_DEC = 1.0

NC = 2
NS = 16
NW = NC * NS
CH = 128

NCHE = 2560
E2 = NCHE * CH
KH = NCHE // NW
KAF = 104
KAS = 84
CHS = 80
BA = NS * KAF * CH
KDF = 49
KDS = 0
BD = NS * KDF * CH
EL2 = BD + NS * KDS * CHS

NBIN = N + 8
ROWS_PT = 624

_SC_MESH = plsc.VectorSubcoreMesh(core_axis_name="c", subcore_axis_name="s")


def _row_split(sid, fn):
    @pl.when(sid < NS - 1)
    def _():
        fn(sid * ROWS_PT, ROWS_PT)

    @pl.when(sid == NS - 1)
    def _():
        fn((NS - 1) * ROWS_PT, N - (NS - 1) * ROWS_PT)


def _hist_body(dst_hbm, zeros_hbm, deg0_hbm, deg1_hbm,
               acc, didx, ones_v, sem):
    del sem
    cid = lax.axis_index("c")
    sid = lax.axis_index("s")
    wid = cid * NS + sid

    ones = jnp.full((16,), 1.0, dtype=jnp.float32)
    for j in range(CH // 16):
        ones_v[pl.ds(j * 16, 16)] = ones
    pltpu.sync_copy(dst_hbm.at[pl.ds(wid * KH, KH)], didx)

    @pl.when(sid == 0)
    def _():
        pltpu.sync_copy(zeros_hbm, acc)

    plsc.subcore_barrier()

    def chunk(k, carry):
        pltpu.sync_copy(ones_v, acc.at[didx.at[k]], add=True)
        return carry

    lax.fori_loop(0, KH, chunk, 0)
    plsc.subcore_barrier()

    @pl.when(sid == 0)
    def _():
        @pl.when(cid == 0)
        def _():
            pltpu.sync_copy(acc, deg0_hbm)

        @pl.when(cid == 1)
        def _():
            pltpu.sync_copy(acc, deg1_hbm)


_hist_kernel = pl.kernel(
    _hist_body,
    out_type=(jax.ShapeDtypeStruct((NBIN,), jnp.float32),
              jax.ShapeDtypeStruct((NBIN,), jnp.float32)),
    mesh=_SC_MESH,
    scratch_types=[
        pltpu.VMEM_SHARED((NBIN,), jnp.float32),
        pltpu.VMEM((KH, CH), jnp.int32),
        pltpu.VMEM((CH,), jnp.float32),
        pltpu.SemaphoreType.DMA,
    ],
)


def _agg_body(y_hbm, src_hbm, dst_hbm, zeros_hbm, outa_hbm, outb_hbm,
              acc, s0, s1, d0, d1, s0s, d0s, rows0, rows1, rows_s,
              sem0, sem1, sems0, sems1, semd0, semd1):
    cid = lax.axis_index("c")
    sid = lax.axis_index("s")

    def init(base, cnt):
        @pl.when(cid == 0)
        def _():
            pltpu.sync_copy(y_hbm.at[pl.ds(base, cnt)],
                            acc.at[pl.ds(base, cnt)])

        @pl.when(cid == 1)
        def _():
            pltpu.sync_copy(zeros_hbm.at[pl.ds(base, cnt)],
                            acc.at[pl.ds(base, cnt)])

    _row_split(sid, init)
    plsc.subcore_barrier()

    def run(start, cnt):
        def iload(k, sbuf, dbuf, sems, semd):
            pltpu.async_copy(src_hbm.at[pl.ds((start + k) * CH, CH)],
                             sbuf, sems)
            pltpu.async_copy(dst_hbm.at[pl.ds((start + k) * CH, CH)],
                             dbuf, semd)

        def iwait(k, sbuf, dbuf, sems, semd):
            pltpu.make_async_copy(src_hbm.at[pl.ds((start + k) * CH, CH)],
                                  sbuf, sems).wait()
            pltpu.make_async_copy(dst_hbm.at[pl.ds((start + k) * CH, CH)],
                                  dbuf, semd).wait()

        def gather(sbuf, buf, sem):
            pltpu.async_copy(y_hbm.at[sbuf], buf, sem)

        def gwait(sbuf, buf, sem):
            pltpu.make_async_copy(y_hbm.at[sbuf], buf, sem).wait()

        iload(0, s0, d0, sems0, semd0)
        iwait(0, s0, d0, sems0, semd0)
        gather(s0, rows0, sem0)

        @pl.when(1 < cnt)
        def _():
            iload(1, s1, d1, sems1, semd1)
            iwait(1, s1, d1, sems1, semd1)
            gather(s1, rows1, sem1)

        def pair(j, carry):
            k0 = 2 * j
            gwait(s0, rows0, sem0)
            pltpu.sync_copy(rows0, acc.at[d0], add=True)

            @pl.when(k0 + 2 < cnt)
            def _():
                iload(k0 + 2, s0, d0, sems0, semd0)
                iwait(k0 + 2, s0, d0, sems0, semd0)
                gather(s0, rows0, sem0)

            gwait(s1, rows1, sem1)
            pltpu.sync_copy(rows1, acc.at[d1], add=True)

            @pl.when(k0 + 3 < cnt)
            def _():
                iload(k0 + 3, s1, d1, sems1, semd1)
                iwait(k0 + 3, s1, d1, sems1, semd1)
                gather(s1, rows1, sem1)

            return carry

        lax.fori_loop(0, cnt // 2, pair, 0)
        if cnt % 2:
            gwait(s0, rows0, sem0)
            pltpu.sync_copy(rows0, acc.at[d0], add=True)

    def run_serial(start_edge, cnt):
        def chunk(k, carry):
            off = start_edge + k * CHS
            pltpu.sync_copy(src_hbm.at[pl.ds(off, CHS)], s0s)
            pltpu.sync_copy(dst_hbm.at[pl.ds(off, CHS)], d0s)
            pltpu.async_copy(y_hbm.at[s0s], rows_s, sem0).wait()
            pltpu.sync_copy(rows_s, acc.at[d0s], add=True)
            return carry

        lax.fori_loop(0, cnt, chunk, 0)

    @pl.when(cid == 0)
    def _():
        run(sid * KAF, KAF)

    @pl.when(cid == 1)
    def _():
        run_serial(BA + sid * (KAS * CHS), KAS)

    plsc.subcore_barrier()

    def flush(base, cnt):
        @pl.when(cid == 0)
        def _():
            pltpu.sync_copy(acc.at[pl.ds(base, cnt)],
                            outa_hbm.at[pl.ds(base, cnt)])

        @pl.when(cid == 1)
        def _():
            pltpu.sync_copy(acc.at[pl.ds(base, cnt)],
                            outb_hbm.at[pl.ds(base, cnt)])

    _row_split(sid, flush)


_agg_kernel = pl.kernel(
    _agg_body,
    out_type=(jax.ShapeDtypeStruct((N, D), jnp.float32),
              jax.ShapeDtypeStruct((N, D), jnp.float32)),
    mesh=_SC_MESH,
    scratch_types=[
        pltpu.VMEM_SHARED((NBIN, D), jnp.float32),
        pltpu.VMEM((CH,), jnp.int32),
        pltpu.VMEM((CH,), jnp.int32),
        pltpu.VMEM((CH,), jnp.int32),
        pltpu.VMEM((CH,), jnp.int32),
        pltpu.VMEM((CHS,), jnp.int32),
        pltpu.VMEM((CHS,), jnp.int32),
        pltpu.VMEM((CH, D), jnp.float32),
        pltpu.VMEM((CH, D), jnp.float32),
        pltpu.VMEM((CHS, D), jnp.float32),
        pltpu.SemaphoreType.DMA,
        pltpu.SemaphoreType.DMA,
        pltpu.SemaphoreType.DMA,
        pltpu.SemaphoreType.DMA,
        pltpu.SemaphoreType.DMA,
        pltpu.SemaphoreType.DMA,
    ],
)


def _dec_body(h_hbm, ein_hbm, eout_hbm, embi_hbm, embo_hbm,
              ia0, ia1, ib0, ib1, ias, ibs, ra0, ra1, rb0, rb1, ras, rbs,
              sa0, sa1, sb0, sb1, sia0, sia1, sib0, sib1):
    cid = lax.axis_index("c")
    sid = lax.axis_index("s")

    def run(start, cnt):
        def iload(k, ba, bb, sema, semb):
            pltpu.async_copy(ein_hbm.at[pl.ds((start + k) * CH, CH)],
                             ba, sema)
            pltpu.async_copy(eout_hbm.at[pl.ds((start + k) * CH, CH)],
                             bb, semb)

        def iwait(k, ba, bb, sema, semb):
            pltpu.make_async_copy(ein_hbm.at[pl.ds((start + k) * CH, CH)],
                                  ba, sema).wait()
            pltpu.make_async_copy(eout_hbm.at[pl.ds((start + k) * CH, CH)],
                                  bb, semb).wait()

        def gather(ba, bb, bufa, bufb, sema, semb):
            pltpu.async_copy(h_hbm.at[ba], bufa, sema)
            pltpu.async_copy(h_hbm.at[bb], bufb, semb)

        def gwait(ba, bb, bufa, bufb, sema, semb):
            pltpu.make_async_copy(h_hbm.at[ba], bufa, sema).wait()
            pltpu.make_async_copy(h_hbm.at[bb], bufb, semb).wait()

        def emit(bufa, bufb, k):
            base = (start + k) * CH
            pltpu.sync_copy(bufa, embi_hbm.at[pl.ds(base, CH)])
            pltpu.sync_copy(bufb, embo_hbm.at[pl.ds(base, CH)])

        iload(0, ia0, ib0, sia0, sib0)
        iwait(0, ia0, ib0, sia0, sib0)
        gather(ia0, ib0, ra0, rb0, sa0, sb0)

        @pl.when(1 < cnt)
        def _():
            iload(1, ia1, ib1, sia1, sib1)
            iwait(1, ia1, ib1, sia1, sib1)
            gather(ia1, ib1, ra1, rb1, sa1, sb1)

        def pair(j, carry):
            k0 = 2 * j
            gwait(ia0, ib0, ra0, rb0, sa0, sb0)
            emit(ra0, rb0, k0)

            @pl.when(k0 + 2 < cnt)
            def _():
                iload(k0 + 2, ia0, ib0, sia0, sib0)
                iwait(k0 + 2, ia0, ib0, sia0, sib0)
                gather(ia0, ib0, ra0, rb0, sa0, sb0)

            gwait(ia1, ib1, ra1, rb1, sa1, sb1)
            emit(ra1, rb1, k0 + 1)

            @pl.when(k0 + 3 < cnt)
            def _():
                iload(k0 + 3, ia1, ib1, sia1, sib1)
                iwait(k0 + 3, ia1, ib1, sia1, sib1)
                gather(ia1, ib1, ra1, rb1, sa1, sb1)

            return carry

        lax.fori_loop(0, cnt // 2, pair, 0)
        if cnt % 2:
            gwait(ia0, ib0, ra0, rb0, sa0, sb0)
            emit(ra0, rb0, cnt - 1)

    def run_serial(start_pair, cnt):
        def chunk(k, carry):
            off = start_pair + k * CHS
            pltpu.sync_copy(ein_hbm.at[pl.ds(off, CHS)], ias)
            pltpu.sync_copy(eout_hbm.at[pl.ds(off, CHS)], ibs)
            cpa = pltpu.async_copy(h_hbm.at[ias], ras, sa0)
            cpb = pltpu.async_copy(h_hbm.at[ibs], rbs, sb0)
            cpa.wait()
            cpb.wait()
            pltpu.sync_copy(ras, embi_hbm.at[pl.ds(off, CHS)])
            pltpu.sync_copy(rbs, embo_hbm.at[pl.ds(off, CHS)])
            return carry

        lax.fori_loop(0, cnt, chunk, 0)

    @pl.when(cid == 0)
    def _():
        run(sid * KDF, KDF)

    if KDS:
        @pl.when(cid == 1)
        def _():
            run_serial(BD + sid * (KDS * CHS), KDS)


_dec_kernel = pl.kernel(
    _dec_body,
    out_type=(jax.ShapeDtypeStruct((EL2, D), jnp.float32),
              jax.ShapeDtypeStruct((EL2, D), jnp.float32)),
    mesh=_SC_MESH,
    scratch_types=[
        pltpu.VMEM((CH,), jnp.int32),
        pltpu.VMEM((CH,), jnp.int32),
        pltpu.VMEM((CH,), jnp.int32),
        pltpu.VMEM((CH,), jnp.int32),
        pltpu.VMEM((CHS,), jnp.int32),
        pltpu.VMEM((CHS,), jnp.int32),
        pltpu.VMEM((CH, D), jnp.float32),
        pltpu.VMEM((CH, D), jnp.float32),
        pltpu.VMEM((CH, D), jnp.float32),
        pltpu.VMEM((CH, D), jnp.float32),
        pltpu.VMEM((CHS, D), jnp.float32),
        pltpu.VMEM((CHS, D), jnp.float32),
        pltpu.SemaphoreType.DMA,
        pltpu.SemaphoreType.DMA,
        pltpu.SemaphoreType.DMA,
        pltpu.SemaphoreType.DMA,
        pltpu.SemaphoreType.DMA,
        pltpu.SemaphoreType.DMA,
        pltpu.SemaphoreType.DMA,
        pltpu.SemaphoreType.DMA,
    ],
)


BLK = 1000


def _dinv(da_ref, db_ref):
    return lax.rsqrt(da_ref[...] + db_ref[...] + 1.0)


def _tc1_call(x, W1, dega, degb):
    def body(x_ref, w_ref, da_ref, db_ref, y_ref):
        xw = jnp.dot(x_ref[...], w_ref[...],
                     preferred_element_type=jnp.float32)
        y_ref[...] = xw * _dinv(da_ref, db_ref)

    return pl.pallas_call(
        body,
        grid=(N // BLK,),
        in_specs=[pl.BlockSpec((BLK, D), lambda i: (i, 0)),
                  pl.BlockSpec((D, D), lambda i: (0, 0)),
                  pl.BlockSpec((BLK, 1), lambda i: (i, 0)),
                  pl.BlockSpec((BLK, 1), lambda i: (i, 0))],
        out_specs=pl.BlockSpec((BLK, D), lambda i: (i, 0)),
        out_shape=jax.ShapeDtypeStruct((N, D), jnp.float32),
    )(x, W1, dega, degb)


def _tc2_call(a0, a1, dega, degb, b1, W2):
    def body(a0_ref, a1_ref, da_ref, db_ref, b_ref, w_ref, y_ref):
        dinv = _dinv(da_ref, db_ref)
        h = jnp.maximum(dinv * (a0_ref[...] + a1_ref[...]) + b_ref[...], 0.0)
        y_ref[...] = jnp.dot(h, w_ref[...],
                             preferred_element_type=jnp.float32) * dinv

    return pl.pallas_call(
        body,
        grid=(N // BLK,),
        in_specs=[pl.BlockSpec((BLK, D), lambda i: (i, 0)),
                  pl.BlockSpec((BLK, D), lambda i: (i, 0)),
                  pl.BlockSpec((BLK, 1), lambda i: (i, 0)),
                  pl.BlockSpec((BLK, 1), lambda i: (i, 0)),
                  pl.BlockSpec((D,), lambda i: (0,)),
                  pl.BlockSpec((D, D), lambda i: (0, 0))],
        out_specs=pl.BlockSpec((BLK, D), lambda i: (i, 0)),
        out_shape=jax.ShapeDtypeStruct((N, D), jnp.float32),
    )(a0, a1, dega, degb, b1, W2)


def _tc3_call(c0, c1, dega, degb, b2):
    def body(c0_ref, c1_ref, da_ref, db_ref, b_ref, h_ref):
        h_ref[...] = (_dinv(da_ref, db_ref) * (c0_ref[...] + c1_ref[...])
                      + b_ref[...])

    return pl.pallas_call(
        body,
        grid=(N // BLK,),
        in_specs=[pl.BlockSpec((BLK, D), lambda i: (i, 0)),
                  pl.BlockSpec((BLK, D), lambda i: (i, 0)),
                  pl.BlockSpec((BLK, 1), lambda i: (i, 0)),
                  pl.BlockSpec((BLK, 1), lambda i: (i, 0)),
                  pl.BlockSpec((D,), lambda i: (0,))],
        out_specs=pl.BlockSpec((BLK, D), lambda i: (i, 0)),
        out_shape=jax.ShapeDtypeStruct((N, D), jnp.float32),
    )(c0, c1, dega, degb, b2)


DBLK = 4096


def _tc4_call(embi, embo):
    def body(a_ref, b_ref, p_ref):
        d = a_ref[...] - b_ref[...]
        ones = jnp.ones((D, 1), jnp.float32)
        sq = jnp.dot(d * d, ones, preferred_element_type=jnp.float32)
        p_ref[...] = 1.0 / (jnp.exp((sq + 1e-12 - R_DEC) / T_DEC) + 1.0)

    return pl.pallas_call(
        body,
        grid=((EL + DBLK - 1) // DBLK,),
        in_specs=[pl.BlockSpec((DBLK, D), lambda i: (i, 0)),
                  pl.BlockSpec((DBLK, D), lambda i: (i, 0))],
        out_specs=pl.BlockSpec((DBLK, 1), lambda i: (i, 0)),
        out_shape=jax.ShapeDtypeStruct((EL, 1), jnp.float32),
    )(embi, embo)


def kernel(node_features, edge_index, edge_label_index, W1, b1, W2, b2):
    x = node_features.astype(jnp.float32)
    srcp = jnp.concatenate(
        [edge_index[0], jnp.zeros((E2 - E,), jnp.int32)])
    dstp = jnp.concatenate(
        [edge_index[1], jnp.full((E2 - E,), N, jnp.int32)])
    dstp2 = dstp.reshape(NCHE, CH)
    einp = jnp.concatenate(
        [edge_label_index[0], jnp.zeros((EL2 - EL,), jnp.int32)])
    eoutp = jnp.concatenate(
        [edge_label_index[1], jnp.zeros((EL2 - EL,), jnp.int32)])
    zeros_nd = jnp.zeros((N, D), jnp.float32)
    zeros_n = jnp.zeros((NBIN,), jnp.float32)

    deg0, deg1 = _hist_kernel(dstp2, zeros_n)
    dega = deg0[:N].reshape(N, 1)
    degb = deg1[:N].reshape(N, 1)

    y1 = _tc1_call(x, W1, dega, degb)
    a0, a1 = _agg_kernel(y1, srcp, dstp, zeros_nd)
    y2 = _tc2_call(a0, a1, dega, degb, b1, W2)
    c0, c1 = _agg_kernel(y2, srcp, dstp, zeros_nd)
    h2 = _tc3_call(c0, c1, dega, degb, b2)

    embi, embo = _dec_kernel(h2, einp, eoutp)
    return _tc4_call(embi, embo).reshape(EL)

# --- scband reference (transcript-rebuilt; emitter-appended) ---
"""Pipeline reference for scband-lpmodel-gnn-70626442215705 (READ-ONLY COPY).

The authoritative reference and input builder live on the scoring server;
editing this copy changes nothing except your own understanding.
"""

import jax, jax.numpy as jnp
import numpy as np

N = 10000
E = 320000
EL = 100000
D_IN = 128
D_HID = 128
R = 2.0
T = 1.0


def setup_inputs(seed: int = 0) -> dict:
    key = jax.random.key(seed)
    k1, k2, k3, k4, k5, k6, k7 = jax.random.split(key, 7)
    x = jax.random.normal(k1, (N, D_IN), dtype=jnp.float32)
    edge_index = jax.random.randint(k2, (2, E), 0, N, dtype=jnp.int32)
    edge_label_index = jax.random.randint(k3, (2, EL), 0, N, dtype=jnp.int32)
    s1 = 1.0 / np.sqrt(D_IN)
    s2 = 1.0 / np.sqrt(D_HID)
    W1 = jax.random.uniform(k4, (D_IN, D_HID), dtype=jnp.float32, minval=-s1, maxval=s1)
    b1 = jnp.zeros((D_HID,), dtype=jnp.float32)
    W2 = jax.random.uniform(k5, (D_HID, D_HID), dtype=jnp.float32, minval=-s2, maxval=s2)
    b2 = jnp.zeros((D_HID,), dtype=jnp.float32)
    return {"node_features": x, "edge_index": edge_index, "edge_label_index": edge_label_index,
            "W1": W1, "b1": b1, "W2": W2, "b2": b2}


def gcn_conv(x, edge_index, W, b, n_nodes):
    # add self loops
    loops = jnp.arange(n_nodes, dtype=edge_index.dtype)
    src = jnp.concatenate([edge_index[0], loops])
    dst = jnp.concatenate([edge_index[1], loops])
    ones = jnp.ones(src.shape[0], dtype=jnp.float32)
    deg = jax.ops.segment_sum(ones, dst, num_segments=n_nodes)
    deg_inv_sqrt = jnp.where(deg > 0, jax.lax.rsqrt(jnp.maximum(deg, 1e-12)), 0.0)
    norm = deg_inv_sqrt[src] * deg_inv_sqrt[dst]
    xw = x @ W
    msg = xw[src] * norm[:, None]
    out = jax.ops.segment_sum(msg, dst, num_segments=n_nodes)
    return out + b


def reference(node_features, edge_index, edge_label_index, W1, b1, W2, b2):
    # encode
    h = gcn_conv(node_features.astype(jnp.float32), edge_index, W1, b1, N)
    h = jax.nn.relu(h)
    h = gcn_conv(h, edge_index, W2, b2, N)
    # decode (Euclidean manifold: normalize is identity, dist is L2 distance)
    emb_in = h[edge_label_index[0]]
    emb_out = h[edge_label_index[1]]
    diff = emb_in - emb_out
    dist = jnp.sqrt(jnp.sum(diff * diff, axis=-1) + 1e-12)
    sqdist = dist ** 2
    probs = 1.0 / (jnp.exp((sqdist - R) / T) + 1.0)
    return probs

if __name__ == "__main__":
    import jax
    _d = setup_inputs()
    print(jax.jit(kernel)(*tuple(_d.values())))

</pallas_src>

<mosaic_0001>
#map = affine_map<(d0, d1) -> (0, 0)>
#map1 = affine_map<(d0, d1) -> (0)>
module attributes {stable_mosaic.version = 14 : i64} {
  func.func @_agg_body(%arg0: i32, %arg1: i32, %arg2: memref<10000x128xf32, #tpu.memory_space<hbm>>, %arg3: memref<327680xi32, #tpu.memory_space<hbm>>, %arg4: memref<327680xi32, #tpu.memory_space<hbm>>, %arg5: memref<10000x128xf32, #tpu.memory_space<hbm>>, %arg6: memref<10000x128xf32, #tpu.memory_space<hbm>>, %arg7: memref<10000x128xf32, #tpu.memory_space<hbm>>, %arg8: memref<10008x128xf32, #tpu.memory_space<vmem_shared>>, %arg9: memref<128xi32, #tpu.memory_space<vmem>>, %arg10: memref<128xi32, #tpu.memory_space<vmem>>, %arg11: memref<128xi32, #tpu.memory_space<vmem>>, %arg12: memref<128xi32, #tpu.memory_space<vmem>>, %arg13: memref<80xi32, #tpu.memory_space<vmem>>, %arg14: memref<80xi32, #tpu.memory_space<vmem>>, %arg15: memref<128x128xf32, #tpu.memory_space<vmem>>, %arg16: memref<128x128xf32, #tpu.memory_space<vmem>>, %arg17: memref<80x128xf32, #tpu.memory_space<vmem>>, %arg18: memref<!tpu.dma_semaphore, #tpu.memory_space<semaphore_mem>>, %arg19: memref<!tpu.dma_semaphore, #tpu.memory_space<semaphore_mem>>, %arg20: memref<!tpu.dma_semaphore, #tpu.memory_space<semaphore_mem>>, %arg21: memref<!tpu.dma_semaphore, #tpu.memory_space<semaphore_mem>>, %arg22: memref<!tpu.dma_semaphore, #tpu.memory_space<semaphore_mem>>, %arg23: memref<!tpu.dma_semaphore, #tpu.memory_space<semaphore_mem>>) attributes {dimension_semantics = [#tpu.dimension_semantics<core_parallel>, #tpu.dimension_semantics<subcore_parallel>], iteration_bounds = array<i64: 2, 16>, scalar_prefetch = 0 : i64, scratch_operands = 16 : i64, tpu.core_type = #tpu.core_type<sc_vector_subcore>, window_params = [{transform_indices = #map}, {transform_indices = #map1}, {transform_indices = #map1}, {transform_indices = #map}, {transform_indices = #map}, {transform_indices = #map}]} {
    %lt3A = arith.constant 15 : i32
    %lt3A_0 = arith.cmpi slt, %arg1, %lt3A : i32
    %convert_element_type3A = arith.extui %lt3A_0 : i1 to i32
    %cond3A = arith.constant 0 : i32
    %cond3A_1 = arith.cmpi ne, %convert_element_type3A, %cond3A : i32
    scf.if %cond3A_1 {
      %mul3A = arith.constant 624 : i32
      %mul3A_27 = arith.muli %arg1, %mul3A : i32
      %eq3A_28 = arith.constant 0 : i32
      %eq3A_29 = arith.cmpi eq, %arg0, %eq3A_28 : i32
      %convert_element_type3A_30 = arith.extui %eq3A_29 : i1 to i32
      %cond3A_31 = arith.constant 0 : i32
      %cond3A_32 = arith.cmpi ne, %convert_element_type3A_30, %cond3A_31 : i32
      scf.if %cond3A_32 {
        "tpu.region"() ({
          %run_scoped3A = tpu.sem_alloc : memref<!tpu.dma_semaphore, #tpu.memory_space<semaphore_mem>>
          %dma_start3A = arith.constant 0 : i32
          %dma_start3A_38 = tpu.memref_slice %arg8[%mul3A_27, %dma_start3A] : memref<10008x128xf32, #tpu.memory_space<vmem_shared>> -> memref<624x128xf32, #tpu.memory_space<vmem_shared>>
          %dma_start3A_39 = arith.constant 0 : i32
          %dma_start3A_40 = tpu.memref_slice %arg2[%mul3A_27, %dma_start3A_39] : memref<10000x128xf32, #tpu.memory_space<hbm>> -> memref<624x128xf32, #tpu.memory_space<hbm>>
          tpu.enqueue_dma source(%dma_start3A_40 : memref<624x128xf32, #tpu.memory_space<hbm>>) target(%dma_start3A_38 : memref<624x128xf32, #tpu.memory_space<vmem_shared>>) target_semaphore(%run_scoped3A : memref<!tpu.dma_semaphore, #tpu.memory_space<semaphore_mem>>)
          %dma_wait3A = arith.constant 0 : i32
          %dma_wait3A_41 = tpu.memref_slice %arg8[%mul3A_27, %dma_wait3A] : memref<10008x128xf32, #tpu.memory_space<vmem_shared>> -> memref<624x128xf32, #tpu.memory_space<vmem_shared>>
          %dma_wait3A_42 = arith.constant 0 : i32
          %dma_wait3A_43 = tpu.memref_slice %arg2[%mul3A_27, %dma_wait3A_42] : memref<10000x128xf32, #tpu.memory_space<hbm>> -> memref<624x128xf32, #tpu.memory_space<hbm>>
          tpu.wait_dma2 semaphore(%run_scoped3A : memref<!tpu.dma_semaphore, #tpu.memory_space<semaphore_mem>>) src(%dma_wait3A_43 : memref<624x128xf32, #tpu.memory_space<hbm>>) dst(%dma_wait3A_41 : memref<624x128xf32, #tpu.memory_space<vmem_shared>>)
          tpu.yield
        }) : () -> ()
      } else {
      }
      %eq3A_33 = arith.constant 1 : i32
      %eq3A_34 = arith.cmpi eq, %arg0, %eq3A_33 : i32
      %convert_element_type3A_35 = arith.extui %eq3A_34 : i1 to i32
      %cond3A_36 = arith.constant 0 : i32
      %cond3A_37 = arith.cmpi ne, %convert_element_type3A_35, %cond3A_36 : i32
      scf.if %cond3A_37 {
        "tpu.region"() ({
          %run_scoped3A = tpu.sem_alloc : memref<!tpu.dma_semaphore, #tpu.memory_space<semaphore_mem>>
          %dma_start3A = arith.constant 0 : i32
          %dma_start3A_38 = tpu.memref_slice %arg8[%mul3A_27, %dma_start3A] : memref<10008x128xf32, #tpu.memory_space<vmem_shared>> -> memref<624x128xf32, #tpu.memory_space<vmem_shared>>
          %dma_start3A_39 = arith.constant 0 : i32
          %dma_start3A_40 = tpu.memref_slice %arg5[%mul3A_27, %dma_start3A_39] : memref<10000x128xf32, #tpu.memory_space<hbm>> -> memref<624x128xf32, #tpu.memory_space<hbm>>
          tpu.enqueue_dma source(%dma_start3A_40 : memref<624x128xf32, #tpu.memory_space<hbm>>) target(%dma_start3A_38 : memref<624x128xf32, #tpu.memory_space<vmem_shared>>) target_semaphore(%run_scoped3A : memref<!tpu.dma_semaphore, #tpu.memory_space<semaphore_mem>>)
          %dma_wait3A = arith.constant 0 : i32
          %dma_wait3A_41 = tpu.memref_slice %arg8[%mul3A_27, %dma_wait3A] : memref<10008x128xf32, #tpu.memory_space<vmem_shared>> -> memref<624x128xf32, #tpu.memory_space<vmem_shared>>
          %dma_wait3A_42 = arith.constant 0 : i32
          %dma_wait3A_43 = tpu.memref_slice %arg5[%mul3A_27, %dma_wait3A_42] : memref<10000x128xf32, #tpu.memory_space<hbm>> -> memref<624x128xf32, #tpu.memory_space<hbm>>
          tpu.wait_dma2 semaphore(%run_scoped3A : memref<!tpu.dma_semaphore, #tpu.memory_space<semaphore_mem>>) src(%dma_wait3A_43 : memref<624x128xf32, #tpu.memory_space<hbm>>) dst(%dma_wait3A_41 : memref<624x128xf32, #tpu.memory_space<vmem_shared>>)
          tpu.yield
        }) : () -> ()
      } else {
      }
    } else {
    }
    %eq3A = arith.constant 15 : i32
    %eq3A_2 = arith.cmpi eq, %arg1, %eq3A : i32
    %convert_element_type3A_3 = arith.extui %eq3A_2 : i1 to i32
    %cond3A_4 = arith.constant 0 : i32
    %cond3A_5 = arith.cmpi ne, %convert_element_type3A_3, %cond3A_4 : i32
    scf.if %cond3A_5 {
      %eq3A_27 = arith.constant 0 : i32
      %eq3A_28 = arith.cmpi eq, %arg0, %eq3A_27 : i32
      %convert_element_type3A_29 = arith.extui %eq3A_28 : i1 to i32
      %cond3A_30 = arith.constant 0 : i32
      %cond3A_31 = arith.cmpi ne, %convert_element_type3A_29, %cond3A_30 : i32
      scf.if %cond3A_31 {
        "tpu.region"() ({
          %run_scoped3A = tpu.sem_alloc : memref<!tpu.dma_semaphore, #tpu.memory_space<semaphore_mem>>
          %dma_start3A = arith.constant 9360 : i32
          %dma_start3A_37 = arith.constant 0 : i32
          %dma_start3A_38 = tpu.memref_slice %arg8[%dma_start3A, %dma_start3A_37] : memref<10008x128xf32, #tpu.memory_space<vmem_shared>> -> memref<640x128xf32, #tpu.memory_space<vmem_shared>>
          %dma_start3A_39 = arith.constant 9360 : i32
          %dma_start3A_40 = arith.constant 0 : i32
          %dma_start3A_41 = tpu.memref_slice %arg2[%dma_start3A_39, %dma_start3A_40] : memref<10000x128xf32, #tpu.memory_space<hbm>> -> memref<640x128xf32, #tpu.memory_space<hbm>>
          tpu.enqueue_dma source(%dma_start3A_41 : memref<640x128xf32, #tpu.memory_space<hbm>>) target(%dma_start3A_38 : memref<640x128xf32, #tpu.memory_space<vmem_shared>>) target_semaphore(%run_scoped3A : memref<!tpu.dma_semaphore, #tpu.memory_space<semaphore_mem>>)
          %dma_wait3A = arith.constant 9360 : i32
          %dma_wait3A_42 = arith.constant 0 : i32
          %dma_wait3A_43 = tpu.memref_slice %arg8[%dma_wait3A, %dma_wait3A_42] : memref<10008x128xf32, #tpu.memory_space<vmem_shared>> -> memref<640x128xf32, #tpu.memory_space<vmem_shared>>
          %dma_wait3A_44 = arith.constant 9360 : i32
          %dma_wait3A_45 = arith.constant 0 : i32
          %dma_wait3A_46 = tpu.memref_slice %arg2[%dma_wait3A_44, %dma_wait3A_45] : memref<10000x128xf32, #tpu.memory_space<hbm>> -> memref<640x128xf32, #tpu.memory_space<hbm>>
          tpu.wait_dma2 semaphore(%run_scoped3A : memref<!tpu.dma_semaphore, #tpu.memory_space<semaphore_mem>>) src(%dma_wait3A_46 : memref<640x128xf32, #tpu.memory_space<hbm>>) dst(%dma_wait3A_43 : memref<640x128xf32, #tpu.memory_space<vmem_shared>>)
          tpu.yield
        }) : () -> ()
      } else {
      }
      %eq3A_32 = arith.constant 1 : i32
      %eq3A_33 = arith.cmpi eq, %arg0, %eq3A_32 : i32
      %convert_element_type3A_34 = arith.extui %eq3A_33 : i1 to i32
      %cond3A_35 = arith.constant 0 : i32
      %cond3A_36 = arith.cmpi ne, %convert_element_type3A_34, %cond3A_35 : i32
      scf.if %cond3A_36 {
        "tpu.region"() ({
          %run_scoped3A = tpu.sem_alloc : memref<!tpu.dma_semaphore, #tpu.memory_space<semaphore_mem>>
          %dma_start3A = arith.constant 9360 : i32
          %dma_start3A_37 = arith.constant 0 : i32
          %dma_start3A_38 = tpu.memref_slice %arg8[%dma_start3A, %dma_start3A_37] : memref<10008x128xf32, #tpu.memory_space<vmem_shared>> -> memref<640x128xf32, #tpu.memory_space<vmem_shared>>
          %dma_start3A_39 = arith.constant 9360 : i32
          %dma_start3A_40 = arith.constant 0 : i32
          %dma_start3A_41 = tpu.memref_slice %arg5[%dma_start3A_39, %dma_start3A_40] : memref<10000x128xf32, #tpu.memory_space<hbm>> -> memref<640x128xf32, #tpu.memory_space<hbm>>
          tpu.enqueue_dma source(%dma_start3A_41 : memref<640x128xf32, #tpu.memory_space<hbm>>) target(%dma_start3A_38 : memref<640x128xf32, #tpu.memory_space<vmem_shared>>) target_semaphore(%run_scoped3A : memref<!tpu.dma_semaphore, #tpu.memory_space<semaphore_mem>>)
          %dma_wait3A = arith.constant 9360 : i32
          %dma_wait3A_42 = arith.constant 0 : i32
          %dma_wait3A_43 = tpu.memref_slice %arg8[%dma_wait3A, %dma_wait3A_42] : memref<10008x128xf32, #tpu.memory_space<vmem_shared>> -> memref<640x128xf32, #tpu.memory_space<vmem_shared>>
          %dma_wait3A_44 = arith.constant 9360 : i32
          %dma_wait3A_45 = arith.constant 0 : i32
          %dma_wait3A_46 = tpu.memref_slice %arg5[%dma_wait3A_44, %dma_wait3A_45] : memref<10000x128xf32, #tpu.memory_space<hbm>> -> memref<640x128xf32, #tpu.memory_space<hbm>>
          tpu.wait_dma2 semaphore(%run_scoped3A : memref<!tpu.dma_semaphore, #tpu.memory_space<semaphore_mem>>) src(%dma_wait3A_46 : memref<640x128xf32, #tpu.memory_space<hbm>>) dst(%dma_wait3A_43 : memref<640x128xf32, #tpu.memory_space<vmem_shared>>)
          tpu.yield
        }) : () -> ()
      } else {
      }
    } else {
    }
    %barrier3A = arith.constant 0 : index
    tpu.barrier barrier_id(%barrier3A)
    %eq3A_6 = arith.constant 0 : i32
    %eq3A_7 = arith.cmpi eq, %arg0, %eq3A_6 : i32
    %convert_element_type3A_8 = arith.extui %eq3A_7 : i1 to i32
    %cond3A_9 = arith.constant 0 : i32
    %cond3A_10 = arith.cmpi ne, %convert_element_type3A_8, %cond3A_9 : i32
    scf.if %cond3A_10 {
      %mul3A = arith.constant 104 : i32
      %mul3A_27 = arith.muli %arg1, %mul3A : i32
      %add3A = arith.constant 0 : i32
      %add3A_28 = arith.addi %mul3A_27, %add3A : i32
      %mul3A_29 = arith.constant 128 : i32
      %mul3A_30 = arith.muli %add3A_28, %mul3A_29 : i32
      %dma_start3A = tpu.memref_slice %arg3[%mul3A_30] : memref<327680xi32, #tpu.memory_space<hbm>> -> memref<128xi32, #tpu.memory_space<hbm>>
      %dma_start3A_31 = tpu.memref_slice %arg3[%mul3A_30] : memref<327680xi32, #tpu.memory_space<hbm>> -> memref<128xi32, #tpu.memory_space<hbm>>
      tpu.enqueue_dma source(%dma_start3A_31 : memref<128xi32, #tpu.memory_space<hbm>>) target(%arg9 : memref<128xi32, #tpu.memory_space<vmem>>) target_semaphore(%arg20 : memref<!tpu.dma_semaphore, #tpu.memory_space<semaphore_mem>>)
      %add3A_32 = arith.constant 0 : i32
      %add3A_33 = arith.addi %mul3A_27, %add3A_32 : i32
      %mul3A_34 = arith.constant 128 : i32
      %mul3A_35 = arith.muli %add3A_33, %mul3A_34 : i32
      %dma_start3A_36 = tpu.memref_slice %arg4[%mul3A_35] : memref<327680xi32, #tpu.memory_space<hbm>> -> memref<128xi32, #tpu.memory_space<hbm>>
      %dma_start3A_37 = tpu.memref_slice %arg4[%mul3A_35] : memref<327680xi32, #tpu.memory_space<hbm>> -> memref<128xi32, #tpu.memory_space<hbm>>
      tpu.enqueue_dma source(%dma_start3A_37 : memref<128xi32, #tpu.memory_space<hbm>>) target(%arg11 : memref<128xi32, #tpu.memory_space<vmem>>) target_semaphore(%arg22 : memref<!tpu.dma_semaphore, #tpu.memory_space<semaphore_mem>>)
      %add3A_38 = arith.constant 0 : i32
      %add3A_39 = arith.addi %mul3A_27, %add3A_38 : i32
      %mul3A_40 = arith.constant 128 : i32
      %mul3A_41 = arith.muli %add3A_39, %mul3A_40 : i32
      %dma_wait3A = tpu.memref_slice %arg3[%mul3A_41] : memref<327680xi32, #tpu.memory_space<hbm>> -> memref<128xi32, #tpu.memory_space<hbm>>
      %dma_wait3A_42 = tpu.memref_slice %arg3[%mul3A_41] : memref<327680xi32, #tpu.memory_space<hbm>> -> memref<128xi32, #tpu.memory_space<hbm>>
      tpu.wait_dma2 semaphore(%arg20 : memref<!tpu.dma_semaphore, #tpu.memory_space<semaphore_mem>>) src(%dma_wait3A_42 : memref<128xi32, #tpu.memory_space<hbm>>) dst(%arg9 : memref<128xi32, #tpu.memory_space<vmem>>)
      %add3A_43 = arith.constant 0 : i32
      %add3A_44 = arith.addi %mul3A_27, %add3A_43 : i32
      %mul3A_45 = arith.constant 128 : i32
      %mul3A_46 = arith.muli %add3A_44, %mul3A_45 : i32
      %dma_wait3A_47 = tpu.memref_slice %arg4[%mul3A_46] : memref<327680xi32, #tpu.memory_space<hbm>> -> memref<128xi32, #tpu.memory_space<hbm>>
      %dma_wait3A_48 = tpu.memref_slice %arg4[%mul3A_46] : memref<327680xi32, #tpu.memory_space<hbm>> -> memref<128xi32, #tpu.memory_space<hbm>>
      tpu.wait_dma2 semaphore(%arg22 : memref<!tpu.dma_semaphore, #tpu.memory_space<semaphore_mem>>) src(%dma_wait3A_48 : memref<128xi32, #tpu.memory_space<hbm>>) dst(%arg11 : memref<128xi32, #tpu.memory_space<vmem>>)
      %dma_start3A_49 = arith.constant 0 : i32
      %dma_start3A_50 = arith.constant 0 : i32
      %dma_start3A_51 = tpu.memref_slice %arg2[%dma_start3A_49, %dma_start3A_50] : memref<10000x128xf32, #tpu.memory_space<hbm>> -> memref<10000x128xf32, #tpu.memory_space<hbm>>
      tpu.enqueue_indirect_dma source(%dma_start3A_51 : memref<10000x128xf32, #tpu.memory_space<hbm>>) target(%arg15 : memref<128x128xf32, #tpu.memory_space<vmem>>) offsets(%arg9 : memref<128xi32, #tpu.memory_space<vmem>>) semaphore(%arg18 : memref<!tpu.dma_semaphore, #tpu.memory_space<semaphore_mem>>)
      %add3A_52 = arith.constant 1 : i32
      %add3A_53 = arith.addi %mul3A_27, %add3A_52 : i32
      %mul3A_54 = arith.constant 128 : i32
      %mul3A_55 = arith.muli %add3A_53, %mul3A_54 : i32
      %dma_start3A_56 = tpu.memref_slice %arg3[%mul3A_55] : memref<327680xi32, #tpu.memory_space<hbm>> -> memref<128xi32, #tpu.memory_space<hbm>>
      %dma_start3A_57 = tpu.memref_slice %arg3[%mul3A_55] : memref<327680xi32, #tpu.memory_space<hbm>> -> memref<128xi32, #tpu.memory_space<hbm>>
      tpu.enqueue_dma source(%dma_start3A_57 : memref<128xi32, #tpu.memory_space<hbm>>) target(%arg10 : memref<128xi32, #tpu.memory_space<vmem>>) target_semaphore(%arg21 : memref<!tpu.dma_semaphore, #tpu.memory_space<semaphore_mem>>)
      %add3A_58 = arith.constant 1 : i32
      %add3A_59 = arith.addi %mul3A_27, %add3A_58 : i32
      %mul3A_60 = arith.constant 128 : i32
      %mul3A_61 = arith.muli %add3A_59, %mul3A_60 : i32
      %dma_start3A_62 = tpu.memref_slice %arg4[%mul3A_61] : memref<327680xi32, #tpu.memory_space<hbm>> -> memref<128xi32, #tpu.memory_space<hbm>>
      %dma_start3A_63 = tpu.memref_slice %arg4[%mul3A_61] : memref<327680xi32, #tpu.memory_space<hbm>> -> memref<128xi32, #tpu.memory_space<hbm>>
      tpu.enqueue_dma source(%dma_start3A_63 : memref<128xi32, #tpu.memory_space<hbm>>) target(%arg12 : memref<128xi32, #tpu.memory_space<vmem>>) target_semaphore(%arg23 : memref<!tpu.dma_semaphore, #tpu.memory_space<semaphore_mem>>)
      %add3A_64 = arith.constant 1 : i32
      %add3A_65 = arith.addi %mul3A_27, %add3A_64 : i32
      %mul3A_66 = arith.constant 128 : i32
      %mul3A_67 = arith.muli %add3A_65, %mul3A_66 : i32
      %dma_wait3A_68 = tpu.memref_slice %arg3[%mul3A_67] : memref<327680xi32, #tpu.memory_space<hbm>> -> memref<128xi32, #tpu.memory_space<hbm>>
      %dma_wait3A_69 = tpu.memref_slice %arg3[%mul3A_67] : memref<327680xi32, #tpu.memory_space<hbm>> -> memref<128xi32, #tpu.memory_space<hbm>>
      tpu.wait_dma2 semaphore(%arg21 : memref<!tpu.dma_semaphore, #tpu.memory_space<semaphore_mem>>) src(%dma_wait3A_69 : memref<128xi32, #tpu.memory_space<hbm>>) dst(%arg10 : memref<128xi32, #tpu.memory_space<vmem>>)
      %add3A_70 = arith.constant 1 : i32
      %add3A_71 = arith.addi %mul3A_27, %add3A_70 : i32
      %mul3A_72 = arith.constant 128 : i32
      %mul3A_73 = arith.muli %add3A_71, %mul3A_72 : i32
      %dma_wait3A_74 = tpu.memref_slice %arg4[%mul3A_73] : memref<327680xi32, #tpu.memory_space<hbm>> -> memref<128xi32, #tpu.memory_space<hbm>>
      %dma_wait3A_75 = tpu.memref_slice %arg4[%mul3A_73] : memref<327680xi32, #tpu.memory_space<hbm>> -> memref<128xi32, #tpu.memory_space<hbm>>
      tpu.wait_dma2 semaphore(%arg23 : memref<!tpu.dma_semaphore, #tpu.memory_space<semaphore_mem>>) src(%dma_wait3A_75 : memref<128xi32, #tpu.memory_space<hbm>>) dst(%arg12 : memref<128xi32, #tpu.memory_space<vmem>>)
      %dma_start3A_76 = arith.constant 0 : i32
      %dma_start3A_77 = arith.constant 0 : i32
      %dma_start3A_78 = tpu.memref_slice %arg2[%dma_start3A_76, %dma_start3A_77] : memref<10000x128xf32, #tpu.memory_space<hbm>> -> memref<10000x128xf32, #tpu.memory_space<hbm>>
      tpu.enqueue_indirect_dma source(%dma_start3A_78 : memref<10000x128xf32, #tpu.memory_space<hbm>>) target(%arg16 : memref<128x128xf32, #tpu.memory_space<vmem>>) offsets(%arg10 : memref<128xi32, #tpu.memory_space<vmem>>) semaphore(%arg19 : memref<!tpu.dma_semaphore, #tpu.memory_space<semaphore_mem>>)
      %scan3A = arith.constant 0 : i32
      %scan3A_79 = arith.constant 0 : i32
      %scan3A_80 = arith.constant 52 : i32
      %scan3A_81 = arith.addi %scan3A_79, %scan3A_80 : i32
      %scan3A_82 = arith.constant 1 : i32
      scf.for %scan3A_84 = %scan3A_79 to %scan3A_81 step %scan3A_82  : i32 {
        %mul3A_85 = arith.constant 2 : i32
        %mul3A_86 = arith.muli %mul3A_85, %scan3A_84 : i32
        %dma_wait3A_87 = arith.constant 0 : i32
        %dma_wait3A_88 = arith.constant 0 : i32
        %dma_wait3A_89 = tpu.memref_slice %arg2[%dma_wait3A_87, %dma_wait3A_88] : memref<10000x128xf32, #tpu.memory_space<hbm>> -> memref<10000x128xf32, #tpu.memory_space<hbm>>
        tpu.wait_indirect_dma semaphore(%arg18 : memref<!tpu.dma_semaphore, #tpu.memory_space<semaphore_mem>>) src(%dma_wait3A_89 : memref<10000x128xf32, #tpu.memory_space<hbm>>) dst(%arg15 : memref<128x128xf32, #tpu.memory_space<vmem>>)
        "tpu.region"() ({
          %run_scoped3A = tpu.sem_alloc : memref<!tpu.dma_semaphore, #tpu.memory_space<semaphore_mem>>
          %dma_start3A_107 = arith.constant 0 : i32
          %dma_start3A_108 = arith.constant 0 : i32
          %dma_start3A_109 = tpu.memref_slice %arg8[%dma_start3A_107, %dma_start3A_108] : memref<10008x128xf32, #tpu.memory_space<vmem_shared>> -> memref<10008x128xf32, #tpu.memory_space<vmem_shared>>
          tpu.enqueue_indirect_dma source(%arg15 : memref<128x128xf32, #tpu.memory_space<vmem>>) target(%dma_start3A_109 : memref<10008x128xf32, #tpu.memory_space<vmem_shared>>) offsets(%arg11 : memref<128xi32, #tpu.memory_space<vmem>>) semaphore(%run_scoped3A : memref<!tpu.dma_semaphore, #tpu.memory_space<semaphore_mem>>) {add = true}
          %dma_wait3A_110 = arith.constant 0 : i32
          %dma_wait3A_111 = arith.constant 0 : i32
          %dma_wait3A_112 = tpu.memref_slice %arg8[%dma_wait3A_110, %dma_wait3A_111] : memref<10008x128xf32, #tpu.memory_space<vmem_shared>> -> memref<10008x128xf32, #tpu.memory_space<vmem_shared>>
          tpu.wait_indirect_dma semaphore(%run_scoped3A : memref<!tpu.dma_semaphore, #tpu.memory_space<semaphore_mem>>) src(%arg15 : memref<128x128xf32, #tpu.memory_space<vmem>>) dst(%dma_wait3A_112 : memref<10008x128xf32, #tpu.memory_space<vmem_shared>>)
          tpu.yield
        }) : () -> ()
        %add3A_90 = arith.constant 2 : i32
        %add3A_91 = arith.addi %mul3A_86, %add3A_90 : i32
        %lt3A_92 = arith.constant 104 : i32
        %lt3A_93 = arith.cmpi slt, %add3A_91, %lt3A_92 : i32
        %convert_element_type3A_94 = arith.extui %lt3A_93 : i1 to i32
        %cond3A_95 = arith.constant 0 : i32
        %cond3A_96 = arith.cmpi ne, %convert_element_type3A_94, %cond3A_95 : i32
        scf.if %cond3A_96 {
          %add3A_107 = arith.constant 2 : i32
          %add3A_108 = arith.addi %mul3A_86, %add3A_107 : i32
          %add3A_109 = arith.addi %mul3A_27, %add3A_108 : i32
          %mul3A_110 = arith.constant 128 : i32
          %mul3A_111 = arith.muli %add3A_109, %mul3A_110 : i32
          %dma_start3A_112 = tpu.memref_slice %arg3[%mul3A_111] : memref<327680xi32, #tpu.memory_space<hbm>> -> memref<128xi32, #tpu.memory_space<hbm>>
          %dma_start3A_113 = tpu.memref_slice %arg3[%mul3A_111] : memref<327680xi32, #tpu.memory_space<hbm>> -> memref<128xi32, #tpu.memory_space<hbm>>
          tpu.enqueue_dma source(%dma_start3A_113 : memref<128xi32, #tpu.memory_space<hbm>>) target(%arg9 : memref<128xi32, #tpu.memory_space<vmem>>) target_semaphore(%arg20 : memref<!tpu.dma_semaphore, #tpu.memory_space<semaphore_mem>>)
          %add3A_114 = arith.addi %mul3A_27, %add3A_108 : i32
          %mul3A_115 = arith.constant 128 : i32
          %mul3A_116 = arith.muli %add3A_114, %mul3A_115 : i32
          %dma_start3A_117 = tpu.memref_slice %arg4[%mul3A_116] : memref<327680xi32, #tpu.memory_space<hbm>> -> memref<128xi32, #tpu.memory_space<hbm>>
          %dma_start3A_118 = tpu.memref_slice %arg4[%mul3A_116] : memref<327680xi32, #tpu.memory_space<hbm>> -> memref<128xi32, #tpu.memory_space<hbm>>
          tpu.enqueue_dma source(%dma_start3A_118 : memref<128xi32, #tpu.memory_space<hbm>>) target(%arg11 : memref<128xi32, #tpu.memory_space<vmem>>) target_semaphore(%arg22 : memref<!tpu.dma_semaphore, #tpu.memory_space<semaphore_mem>>)
          %add3A_119 = arith.constant 2 : i32
          %add3A_120 = arith.addi %mul3A_86, %add3A_119 : i32
          %add3A_121 = arith.addi %mul3A_27, %add3A_120 : i32
          %mul3A_122 = arith.constant 128 : i32
          %mul3A_123 = arith.muli %add3A_121, %mul3A_122 : i32
          %dma_wait3A_124 = tpu.memref_slice %arg3[%mul3A_123] : memref<327680xi32, #tpu.memory_space<hbm>> -> memref<128xi32, #tpu.memory_space<hbm>>
          %dma_wait3A_125 = tpu.memref_slice %arg3[%mul3A_123] : memref<327680xi32, #tpu.memory_space<hbm>> -> memref<128xi32, #tpu.memory_space<hbm>>
          tpu.wait_dma2 semaphore(%arg20 : memref<!tpu.dma_semaphore, #tpu.memory_space<semaphore_mem>>) src(%dma_wait3A_125 : memref<128xi32, #tpu.memory_space<hbm>>) dst(%arg9 : memref<128xi32, #tpu.memory_space<vmem>>)
          %add3A_126 = arith.addi %mul3A_27, %add3A_120 : i32
          %mul3A_127 = arith.constant 128 : i32
          %mul3A_128 = arith.muli %add3A_126, %mul3A_127 : i32
          %dma_wait3A_129 = tpu.memref_slice %arg4[%mul3A_128] : memref<327680xi32, #tpu.memory_space<hbm>> -> memref<128xi32, #tpu.memory_space<hbm>>
          %dma_wait3A_130 = tpu.memref_slice %arg4[%mul3A_128] : memref<327680xi32, #tpu.memory_space<hbm>> -> memref<128xi32, #tpu.memory_space<hbm>>
          tpu.wait_dma2 semaphore(%arg22 : memref<!tpu.dma_semaphore, #tpu.memory_space<semaphore_mem>>) src(%dma_wait3A_130 : memref<128xi32, #tpu.memory_space<hbm>>) dst(%arg11 : memref<128xi32, #tpu.memory_space<vmem>>)
          %dma_start3A_131 = arith.constant 0 : i32
          %dma_start3A_132 = arith.constant 0 : i32
          %dma_start3A_133 = tpu.memref_slice %arg2[%dma_start3A_131, %dma_start3A_132] : memref<10000x128xf32, #tpu.memory_space<hbm>> -> memref<10000x128xf32, #tpu.memory_space<hbm>>
          tpu.enqueue_indirect_dma source(%dma_start3A_133 : memref<10000x128xf32, #tpu.memory_space<hbm>>) target(%arg15 : memref<128x128xf32, #tpu.memory_space<vmem>>) offsets(%arg9 : memref<128xi32, #tpu.memory_space<vmem>>) semaphore(%arg18 : memref<!tpu.dma_semaphore, #tpu.memory_space<semaphore_mem>>)
        } else {
        }
        %dma_wait3A_97 = arith.constant 0 : i32
        %dma_wait3A_98 = arith.constant 0 : i32
        %dma_wait3A_99 = tpu.memref_slice %arg2[%dma_wait3A_97, %dma_wait3A_98] : memref<10000x128xf32, #tpu.memory_space<hbm>> -> memref<10000x128xf32, #tpu.memory_space<hbm>>
        tpu.wait_indirect_dma semaphore(%arg19 : memref<!tpu.dma_semaphore, #tpu.memory_space<semaphore_mem>>) src(%dma_wait3A_99 : memref<10000x128xf32, #tpu.memory_space<hbm>>) dst(%arg16 : memref<128x128xf32, #tpu.memory_space<vmem>>)
        "tpu.region"() ({
          %run_scoped3A = tpu.sem_alloc : memref<!tpu.dma_semaphore, #tpu.memory_space<semaphore_mem>>
          %dma_start3A_107 = arith.constant 0 : i32
          %dma_start3A_108 = arith.constant 0 : i32
          %dma_start3A_109 = tpu.memref_slice %arg8[%dma_start3A_107, %dma_start3A_108] : memref<10008x128xf32, #tpu.memory_space<vmem_shared>> -> memref<10008x128xf32, #tpu.memory_space<vmem_shared>>
          tpu.enqueue_indirect_dma source(%arg16 : memref<128x128xf32, #tpu.memory_space<vmem>>) target(%dma_start3A_109 : memref<10008x128xf32, #tpu.memory_space<vmem_shared>>) offsets(%arg12 : memref<128xi32, #tpu.memory_space<vmem>>) semaphore(%run_scoped3A : memref<!tpu.dma_semaphore, #tpu.memory_space<semaphore_mem>>) {add = true}
          %dma_wait3A_110 = arith.constant 0 : i32
          %dma_wait3A_111 = arith.constant 0 : i32
          %dma_wait3A_112 = tpu.memref_slice %arg8[%dma_wait3A_110, %dma_wait3A_111] : memref<10008x128xf32, #tpu.memory_space<vmem_shared>> -> memref<10008x128xf32, #tpu.memory_space<vmem_shared>>
          tpu.wait_indirect_dma semaphore(%run_scoped3A : memref<!tpu.dma_semaphore, #tpu.memory_space<semaphore_mem>>) src(%arg16 : memref<128x128xf32, #tpu.memory_space<vmem>>) dst(%dma_wait3A_112 : memref<10008x128xf32, #tpu.memory_space<vmem_shared>>)
          tpu.yield
        }) : () -> ()
        %add3A_100 = arith.constant 3 : i32
        %add3A_101 = arith.addi %mul3A_86, %add3A_100 : i32
        %lt3A_102 = arith.constant 104 : i32
        %lt3A_103 = arith.cmpi slt, %add3A_101, %lt3A_102 : i32
        %convert_element_type3A_104 = arith.extui %lt3A_103 : i1 to i32
        %cond3A_105 = arith.constant 0 : i32
        %cond3A_106 = arith.cmpi ne, %convert_element_type3A_104, %cond3A_105 : i32
        scf.if %cond3A_106 {
          %add3A_107 = arith.constant 3 : i32
          %add3A_108 = arith.addi %mul3A_86, %add3A_107 : i32
          %add3A_109 = arith.addi %mul3A_27, %add3A_108 : i32
          %mul3A_110 = arith.constant 128 : i32
          %mul3A_111 = arith.muli %add3A_109, %mul3A_110 : i32
          %dma_start3A_112 = tpu.memref_slice %arg3[%mul3A_111] : memref<327680xi32, #tpu.memory_space<hbm>> -> memref<128xi32, #tpu.memory_space<hbm>>
          %dma_start3A_113 = tpu.memref_slice %arg3[%mul3A_111] : memref<327680xi32, #tpu.memory_space<hbm>> -> memref<128xi32, #tpu.memory_space<hbm>>
          tpu.enqueue_dma source(%dma_start3A_113 : memref<128xi32, #tpu.memory_space<hbm>>) target(%arg10 : memref<128xi32, #tpu.memory_space<vmem>>) target_semaphore(%arg21 : memref<!tpu.dma_semaphore, #tpu.memory_space<semaphore_mem>>)
          %add3A_114 = arith.addi %mul3A_27, %add3A_108 : i32
          %mul3A_115 = arith.constant 128 : i32
          %mul3A_116 = arith.muli %add3A_114, %mul3A_115 : i32
          %dma_start3A_117 = tpu.memref_slice %arg4[%mul3A_116] : memref<327680xi32, #tpu.memory_space<hbm>> -> memref<128xi32, #tpu.memory_space<hbm>>
          %dma_start3A_118 = tpu.memref_slice %arg4[%mul3A_116] : memref<327680xi32, #tpu.memory_space<hbm>> -> memref<128xi32, #tpu.memory_space<hbm>>
          tpu.enqueue_dma source(%dma_start3A_118 : memref<128xi32, #tpu.memory_space<hbm>>) target(%arg12 : memref<128xi32, #tpu.memory_space<vmem>>) target_semaphore(%arg23 : memref<!tpu.dma_semaphore, #tpu.memory_space<semaphore_mem>>)
          %add3A_119 = arith.constant 3 : i32
          %add3A_120 = arith.addi %mul3A_86, %add3A_119 : i32
          %add3A_121 = arith.addi %mul3A_27, %add3A_120 : i32
          %mul3A_122 = arith.constant 128 : i32
          %mul3A_123 = arith.muli %add3A_121, %mul3A_122 : i32
          %dma_wait3A_124 = tpu.memref_slice %arg3[%mul3A_123] : memref<327680xi32, #tpu.memory_space<hbm>> -> memref<128xi32, #tpu.memory_space<hbm>>
          %dma_wait3A_125 = tpu.memref_slice %arg3[%mul3A_123] : memref<327680xi32, #tpu.memory_space<hbm>> -> memref<128xi32, #tpu.memory_space<hbm>>
          tpu.wait_dma2 semaphore(%arg21 : memref<!tpu.dma_semaphore, #tpu.memory_space<semaphore_mem>>) src(%dma_wait3A_125 : memref<128xi32, #tpu.memory_space<hbm>>) dst(%arg10 : memref<128xi32, #tpu.memory_space<vmem>>)
          %add3A_126 = arith.addi %mul3A_27, %add3A_120 : i32
          %mul3A_127 = arith.constant 128 : i32
          %mul3A_128 = arith.muli %add3A_126, %mul3A_127 : i32
          %dma_wait3A_129 = tpu.memref_slice %arg4[%mul3A_128] : memref<327680xi32, #tpu.memory_space<hbm>> -> memref<128xi32, #tpu.memory_space<hbm>>
          %dma_wait3A_130 = tpu.memref_slice %arg4[%mul3A_128] : memref<327680xi32, #tpu.memory_space<hbm>> -> memref<128xi32, #tpu.memory_space<hbm>>
          tpu.wait_dma2 semaphore(%arg23 : memref<!tpu.dma_semaphore, #tpu.memory_space<semaphore_mem>>) src(%dma_wait3A_130 : memref<128xi32, #tpu.memory_space<hbm>>) dst(%arg12 : memref<128xi32, #tpu.memory_space<vmem>>)
          %dma_start3A_131 = arith.constant 0 : i32
          %dma_start3A_132 = arith.constant 0 : i32
          %dma_start3A_133 = tpu.memref_slice %arg2[%dma_start3A_131, %dma_start3A_132] : memref<10000x128xf32, #tpu.memory_space<hbm>> -> memref<10000x128xf32, #tpu.memory_space<hbm>>
          tpu.enqueue_indirect_dma source(%dma_start3A_133 : memref<10000x128xf32, #tpu.memory_space<hbm>>) target(%arg16 : memref<128x128xf32, #tpu.memory_space<vmem>>) offsets(%arg10 : memref<128xi32, #tpu.memory_space<vmem>>) semaphore(%arg19 : memref<!tpu.dma_semaphore, #tpu.memory_space<semaphore_mem>>)
        } else {
        }
      }
      %scan3A_83 = arith.constant 52 : i32
    } else {
    }
    %eq3A_11 = arith.constant 1 : i32
    %eq3A_12 = arith.cmpi eq, %arg0, %eq3A_11 : i32
    %convert_element_type3A_13 = arith.extui %eq3A_12 : i1 to i32
    %cond3A_14 = arith.constant 0 : i32
    %cond3A_15 = arith.cmpi ne, %convert_element_type3A_13, %cond3A_14 : i32
    scf.if %cond3A_15 {
      %mul3A = arith.constant 6720 : i32
      %mul3A_27 = arith.muli %arg1, %mul3A : i32
      %add3A = arith.constant 212992 : i32
      %add3A_28 = arith.addi %add3A, %mul3A_27 : i32
      %scan3A = arith.constant 0 : i32
      %scan3A_29 = arith.constant 0 : i32
      %scan3A_30 = arith.constant 84 : i32
      %scan3A_31 = arith.addi %scan3A_29, %scan3A_30 : i32
      %scan3A_32 = arith.constant 1 : i32
      scf.for %scan3A_34 = %scan3A_29 to %scan3A_31 step %scan3A_32  : i32 {
        %mul3A_35 = arith.constant 80 : i32
        %mul3A_36 = arith.muli %scan3A_34, %mul3A_35 : i32
        %add3A_37 = arith.addi %add3A_28, %mul3A_36 : i32
        "tpu.region"() ({
          %run_scoped3A = tpu.sem_alloc : memref<!tpu.dma_semaphore, #tpu.memory_space<semaphore_mem>>
          %dma_start3A_42 = tpu.memref_slice %arg3[%add3A_37] : memref<327680xi32, #tpu.memory_space<hbm>> -> memref<80xi32, #tpu.memory_space<hbm>>
          %dma_start3A_43 = tpu.memref_slice %arg3[%add3A_37] : memref<327680xi32, #tpu.memory_space<hbm>> -> memref<80xi32, #tpu.memory_space<hbm>>
          tpu.enqueue_dma source(%dma_start3A_43 : memref<80xi32, #tpu.memory_space<hbm>>) target(%arg13 : memref<80xi32, #tpu.memory_space<vmem>>) target_semaphore(%run_scoped3A : memref<!tpu.dma_semaphore, #tpu.memory_space<semaphore_mem>>)
          %dma_wait3A_44 = tpu.memref_slice %arg3[%add3A_37] : memref<327680xi32, #tpu.memory_space<hbm>> -> memref<80xi32, #tpu.memory_space<hbm>>
          %dma_wait3A_45 = tpu.memref_slice %arg3[%add3A_37] : memref<327680xi32, #tpu.memory_space<hbm>> -> memref<80xi32, #tpu.memory_space<hbm>>
          tpu.wait_dma2 semaphore(%run_scoped3A : memref<!tpu.dma_semaphore, #tpu.memory_space<semaphore_mem>>) src(%dma_wait3A_45 : memref<80xi32, #tpu.memory_space<hbm>>) dst(%arg13 : memref<80xi32, #tpu.memory_space<vmem>>)
          tpu.yield
        }) : () -> ()
        "tpu.region"() ({
          %run_scoped3A = tpu.sem_alloc : memref<!tpu.dma_semaphore, #tpu.memory_space<semaphore_mem>>
          %dma_start3A_42 = tpu.memref_slice %arg4[%add3A_37] : memref<327680xi32, #tpu.memory_space<hbm>> -> memref<80xi32, #tpu.memory_space<hbm>>
          %dma_start3A_43 = tpu.memref_slice %arg4[%add3A_37] : memref<327680xi32, #tpu.memory_space<hbm>> -> memref<80xi32, #tpu.memory_space<hbm>>
          tpu.enqueue_dma source(%dma_start3A_43 : memref<80xi32, #tpu.memory_space<hbm>>) target(%arg14 : memref<80xi32, #tpu.memory_space<vmem>>) target_semaphore(%run_scoped3A : memref<!tpu.dma_semaphore, #tpu.memory_space<semaphore_mem>>)
          %dma_wait3A_44 = tpu.memref_slice %arg4[%add3A_37] : memref<327680xi32, #tpu.memory_space<hbm>> -> memref<80xi32, #tpu.memory_space<hbm>>
          %dma_wait3A_45 = tpu.memref_slice %arg4[%add3A_37] : memref<327680xi32, #tpu.memory_space<hbm>> -> memref<80xi32, #tpu.memory_space<hbm>>
          tpu.wait_dma2 semaphore(%run_scoped3A : memref<!tpu.dma_semaphore, #tpu.memory_space<semaphore_mem>>) src(%dma_wait3A_45 : memref<80xi32, #tpu.memory_space<hbm>>) dst(%arg14 : memref<80xi32, #tpu.memory_space<vmem>>)
          tpu.yield
        }) : () -> ()
        %dma_start3A = arith.constant 0 : i32
        %dma_start3A_38 = arith.constant 0 : i32
        %dma_start3A_39 = tpu.memref_slice %arg2[%dma_start3A, %dma_start3A_38] : memref<10000x128xf32, #tpu.memory_space<hbm>> -> memref<10000x128xf32, #tpu.memory_space<hbm>>
        tpu.enqueue_indirect_dma source(%dma_start3A_39 : memref<10000x128xf32, #tpu.memory_space<hbm>>) target(%arg17 : memref<80x128xf32, #tpu.memory_space<vmem>>) offsets(%arg13 : memref<80xi32, #tpu.memory_space<vmem>>) semaphore(%arg18 : memref<!tpu.dma_semaphore, #tpu.memory_space<semaphore_mem>>)
        %dma_wait3A = arith.constant 0 : i32
        %dma_wait3A_40 = arith.constant 0 : i32
        %dma_wait3A_41 = tpu.memref_slice %arg2[%dma_wait3A, %dma_wait3A_40] : memref<10000x128xf32, #tpu.memory_space<hbm>> -> memref<10000x128xf32, #tpu.memory_space<hbm>>
        tpu.wait_indirect_dma semaphore(%arg18 : memref<!tpu.dma_semaphore, #tpu.memory_space<semaphore_mem>>) src(%dma_wait3A_41 : memref<10000x128xf32, #tpu.memory_space<hbm>>) dst(%arg17 : memref<80x128xf32, #tpu.memory_space<vmem>>)
        "tpu.region"() ({
          %run_scoped3A = tpu.sem_alloc : memref<!tpu.dma_semaphore, #tpu.memory_space<semaphore_mem>>
          %dma_start3A_42 = arith.constant 0 : i32
          %dma_start3A_43 = arith.constant 0 : i32
          %dma_start3A_44 = tpu.memref_slice %arg8[%dma_start3A_42, %dma_start3A_43] : memref<10008x128xf32, #tpu.memory_space<vmem_shared>> -> memref<10008x128xf32, #tpu.memory_space<vmem_shared>>
          tpu.enqueue_indirect_dma source(%arg17 : memref<80x128xf32, #tpu.memory_space<vmem>>) target(%dma_start3A_44 : memref<10008x128xf32, #tpu.memory_space<vmem_shared>>) offsets(%arg14 : memref<80xi32, #tpu.memory_space<vmem>>) semaphore(%run_scoped3A : memref<!tpu.dma_semaphore, #tpu.memory_space<semaphore_mem>>) {add = true}
          %dma_wait3A_45 = arith.constant 0 : i32
          %dma_wait3A_46 = arith.constant 0 : i32
          %dma_wait3A_47 = tpu.memref_slice %arg8[%dma_wait3A_45, %dma_wait3A_46] : memref<10008x128xf32, #tpu.memory_space<vmem_shared>> -> memref<10008x128xf32, #tpu.memory_space<vmem_shared>>
          tpu.wait_indirect_dma semaphore(%run_scoped3A : memref<!tpu.dma_semaphore, #tpu.memory_space<semaphore_mem>>) src(%arg17 : memref<80x128xf32, #tpu.memory_space<vmem>>) dst(%dma_wait3A_47 : memref<10008x128xf32, #tpu.memory_space<vmem_shared>>)
          tpu.yield
        }) : () -> ()
      }
      %scan3A_33 = arith.constant 84 : i32
    } else {
    }
    %barrier3A_16 = arith.constant 0 : index
    tpu.barrier barrier_id(%barrier3A_16)
    %lt3A_17 = arith.constant 15 : i32
    %lt3A_18 = arith.cmpi slt, %arg1, %lt3A_17 : i32
    %convert_element_type3A_19 = arith.extui %lt3A_18 : i1 to i32
    %cond3A_20 = arith.constant 0 : i32
    %cond3A_21 = arith.cmpi ne, %convert_element_type3A_19, %cond3A_20 : i32
    scf.if %cond3A_21 {
      %mul3A = arith.constant 624 : i32
      %mul3A_27 = arith.muli %arg1, %mul3A : i32
      %eq3A_28 = arith.constant 0 : i32
      %eq3A_29 = arith.cmpi eq, %arg0, %eq3A_28 : i32
      %convert_element_type3A_30 = arith.extui %eq3A_29 : i1 to i32
      %cond3A_31 = arith.constant 0 : i32
      %cond3A_32 = arith.cmpi ne, %convert_element_type3A_30, %cond3A_31 : i32
      scf.if %cond3A_32 {
        "tpu.region"() ({
          %run_scoped3A = tpu.sem_alloc : memref<!tpu.dma_semaphore, #tpu.memory_space<semaphore_mem>>
          %dma_start3A = arith.constant 0 : i32
          %dma_start3A_38 = tpu.memref_slice %arg6[%mul3A_27, %dma_start3A] : memref<10000x128xf32, #tpu.memory_space<hbm>> -> memref<624x128xf32, #tpu.memory_space<hbm>>
          %dma_start3A_39 = arith.constant 0 : i32
          %dma_start3A_40 = tpu.memref_slice %arg8[%mul3A_27, %dma_start3A_39] : memref<10008x128xf32, #tpu.memory_space<vmem_shared>> -> memref<624x128xf32, #tpu.memory_space<vmem_shared>>
          tpu.enqueue_dma source(%dma_start3A_40 : memref<624x128xf32, #tpu.memory_space<vmem_shared>>) target(%dma_start3A_38 : memref<624x128xf32, #tpu.memory_space<hbm>>) target_semaphore(%run_scoped3A : memref<!tpu.dma_semaphore, #tpu.memory_space<semaphore_mem>>)
          %dma_wait3A = arith.constant 0 : i32
          %dma_wait3A_41 = tpu.memref_slice %arg6[%mul3A_27, %dma_wait3A] : memref<10000x128xf32, #tpu.memory_space<hbm>> -> memref<624x128xf32, #tpu.memory_space<hbm>>
          %dma_wait3A_42 = arith.constant 0 : i32
          %dma_wait3A_43 = tpu.memref_slice %arg8[%mul3A_27, %dma_wait3A_42] : memref<10008x128xf32, #tpu.memory_space<vmem_shared>> -> memref<624x128xf32, #tpu.memory_space<vmem_shared>>
          tpu.wait_dma2 semaphore(%run_scoped3A : memref<!tpu.dma_semaphore, #tpu.memory_space<semaphore_mem>>) src(%dma_wait3A_43 : memref<624x128xf32, #tpu.memory_space<vmem_shared>>) dst(%dma_wait3A_41 : memref<624x128xf32, #tpu.memory_space<hbm>>)
          tpu.yield
        }) : () -> ()
      } else {
      }
      %eq3A_33 = arith.constant 1 : i32
      %eq3A_34 = arith.cmpi eq, %arg0, %eq3A_33 : i32
      %convert_element_type3A_35 = arith.extui %eq3A_34 : i1 to i32
      %cond3A_36 = arith.constant 0 : i32
      %cond3A_37 = arith.cmpi ne, %convert_element_type3A_35, %cond3A_36 : i32
      scf.if %cond3A_37 {
        "tpu.region"() ({
          %run_scoped3A = tpu.sem_alloc : memref<!tpu.dma_semaphore, #tpu.memory_space<semaphore_mem>>
          %dma_start3A = arith.constant 0 : i32
          %dma_start3A_38 = tpu.memref_slice %arg7[%mul3A_27, %dma_start3A] : memref<10000x128xf32, #tpu.memory_space<hbm>> -> memref<624x128xf32, #tpu.memory_space<hbm>>
          %dma_start3A_39 = arith.constant 0 : i32
          %dma_start3A_40 = tpu.memref_slice %arg8[%mul3A_27, %dma_start3A_39] : memref<10008x128xf32, #tpu.memory_space<vmem_shared>> -> memref<624x128xf32, #tpu.memory_space<vmem_shared>>
          tpu.enqueue_dma source(%dma_start3A_40 : memref<624x128xf32, #tpu.memory_space<vmem_shared>>) target(%dma_start3A_38 : memref<624x128xf32, #tpu.memory_space<hbm>>) target_semaphore(%run_scoped3A : memref<!tpu.dma_semaphore, #tpu.memory_space<semaphore_mem>>)
          %dma_wait3A = arith.constant 0 : i32
          %dma_wait3A_41 = tpu.memref_slice %arg7[%mul3A_27, %dma_wait3A] : memref<10000x128xf32, #tpu.memory_space<hbm>> -> memref<624x128xf32, #tpu.memory_space<hbm>>
          %dma_wait3A_42 = arith.constant 0 : i32
          %dma_wait3A_43 = tpu.memref_slice %arg8[%mul3A_27, %dma_wait3A_42] : memref<10008x128xf32, #tpu.memory_space<vmem_shared>> -> memref<624x128xf32, #tpu.memory_space<vmem_shared>>
          tpu.wait_dma2 semaphore(%run_scoped3A : memref<!tpu.dma_semaphore, #tpu.memory_space<semaphore_mem>>) src(%dma_wait3A_43 : memref<624x128xf32, #tpu.memory_space<vmem_shared>>) dst(%dma_wait3A_41 : memref<624x128xf32, #tpu.memory_space<hbm>>)
          tpu.yield
        }) : () -> ()
      } else {
      }
    } else {
    }
    %eq3A_22 = arith.constant 15 : i32
    %eq3A_23 = arith.cmpi eq, %arg1, %eq3A_22 : i32
    %convert_element_type3A_24 = arith.extui %eq3A_23 : i1 to i32
    %cond3A_25 = arith.constant 0 : i32
    %cond3A_26 = arith.cmpi ne, %convert_element_type3A_24, %cond3A_25 : i32
    scf.if %cond3A_26 {
      %eq3A_27 = arith.constant 0 : i32
      %eq3A_28 = arith.cmpi eq, %arg0, %eq3A_27 : i32
      %convert_element_type3A_29 = arith.extui %eq3A_28 : i1 to i32
      %cond3A_30 = arith.constant 0 : i32
      %cond3A_31 = arith.cmpi ne, %convert_element_type3A_29, %cond3A_30 : i32
      scf.if %cond3A_31 {
        "tpu.region"() ({
          %run_scoped3A = tpu.sem_alloc : memref<!tpu.dma_semaphore, #tpu.memory_space<semaphore_mem>>
          %dma_start3A = arith.constant 9360 : i32
          %dma_start3A_37 = arith.constant 0 : i32
          %dma_start3A_38 = tpu.memref_slice %arg6[%dma_start3A, %dma_start3A_37] : memref<10000x128xf32, #tpu.memory_space<hbm>> -> memref<640x128xf32, #tpu.memory_space<hbm>>
          %dma_start3A_39 = arith.constant 9360 : i32
          %dma_start3A_40 = arith.constant 0 : i32
          %dma_start3A_41 = tpu.memref_slice %arg8[%dma_start3A_39, %dma_start3A_40] : memref<10008x128xf32, #tpu.memory_space<vmem_shared>> -> memref<640x128xf32, #tpu.memory_space<vmem_shared>>
          tpu.enqueue_dma source(%dma_start3A_41 : memref<640x128xf32, #tpu.memory_space<vmem_shared>>) target(%dma_start3A_38 : memref<640x128xf32, #tpu.memory_space<hbm>>) target_semaphore(%run_scoped3A : memref<!tpu.dma_semaphore, #tpu.memory_space<semaphore_mem>>)
          %dma_wait3A = arith.constant 9360 : i32
          %dma_wait3A_42 = arith.constant 0 : i32
          %dma_wait3A_43 = tpu.memref_slice %arg6[%dma_wait3A, %dma_wait3A_42] : memref<10000x128xf32, #tpu.memory_space<hbm>> -> memref<640x128xf32, #tpu.memory_space<hbm>>
          %dma_wait3A_44 = arith.constant 9360 : i32
          %dma_wait3A_45 = arith.constant 0 : i32
          %dma_wait3A_46 = tpu.memref_slice %arg8[%dma_wait3A_44, %dma_wait3A_45] : memref<10008x128xf32, #tpu.memory_space<vmem_shared>> -> memref<640x128xf32, #tpu.memory_space<vmem_shared>>
          tpu.wait_dma2 semaphore(%run_scoped3A : memref<!tpu.dma_semaphore, #tpu.memory_space<semaphore_mem>>) src(%dma_wait3A_46 : memref<640x128xf32, #tpu.memory_space<vmem_shared>>) dst(%dma_wait3A_43 : memref<640x128xf32, #tpu.memory_space<hbm>>)
          tpu.yield
        }) : () -> ()
      } else {
      }
      %eq3A_32 = arith.constant 1 : i32
      %eq3A_33 = arith.cmpi eq, %arg0, %eq3A_32 : i32
      %convert_element_type3A_34 = arith.extui %eq3A_33 : i1 to i32
      %cond3A_35 = arith.constant 0 : i32
      %cond3A_36 = arith.cmpi ne, %convert_element_type3A_34, %cond3A_35 : i32
      scf.if %cond3A_36 {
        "tpu.region"() ({
          %run_scoped3A = tpu.sem_alloc : memref<!tpu.dma_semaphore, #tpu.memory_space<semaphore_mem>>
          %dma_start3A = arith.constant 9360 : i32
          %dma_start3A_37 = arith.constant 0 : i32
          %dma_start3A_38 = tpu.memref_slice %arg7[%dma_start3A, %dma_start3A_37] : memref<10000x128xf32, #tpu.memory_space<hbm>> -> memref<640x128xf32, #tpu.memory_space<hbm>>
          %dma_start3A_39 = arith.constant 9360 : i32
          %dma_start3A_40 = arith.constant 0 : i32
          %dma_start3A_41 = tpu.memref_slice %arg8[%dma_start3A_39, %dma_start3A_40] : memref<10008x128xf32, #tpu.memory_space<vmem_shared>> -> memref<640x128xf32, #tpu.memory_space<vmem_shared>>
          tpu.enqueue_dma source(%dma_start3A_41 : memref<640x128xf32, #tpu.memory_space<vmem_shared>>) target(%dma_start3A_38 : memref<640x128xf32, #tpu.memory_space<hbm>>) target_semaphore(%run_scoped3A : memref<!tpu.dma_semaphore, #tpu.memory_space<semaphore_mem>>)
          %dma_wait3A = arith.constant 9360 : i32
          %dma_wait3A_42 = arith.constant 0 : i32
          %dma_wait3A_43 = tpu.memref_slice %arg7[%dma_wait3A, %dma_wait3A_42] : memref<10000x128xf32, #tpu.memory_space<hbm>> -> memref<640x128xf32, #tpu.memory_space<hbm>>
          %dma_wait3A_44 = arith.constant 9360 : i32
          %dma_wait3A_45 = arith.constant 0 : i32
          %dma_wait3A_46 = tpu.memref_slice %arg8[%dma_wait3A_44, %dma_wait3A_45] : memref<10008x128xf32, #tpu.memory_space<vmem_shared>> -> memref<640x128xf32, #tpu.memory_space<vmem_shared>>
          tpu.wait_dma2 semaphore(%run_scoped3A : memref<!tpu.dma_semaphore, #tpu.memory_space<semaphore_mem>>) src(%dma_wait3A_46 : memref<640x128xf32, #tpu.memory_space<vmem_shared>>) dst(%dma_wait3A_43 : memref<640x128xf32, #tpu.memory_space<hbm>>)
          tpu.yield
        }) : () -> ()
      } else {
      }
    } else {
    }
    return
  }
}

#map = affine_map<(d0, d1) -> (0, 0)>
#map1 = affine_map<(d0, d1) -> (0)>
module attributes {stable_mosaic.version = 14 : i64} {
  func.func @_hist_body(%arg0: i32, %arg1: i32, %arg2: memref<2560x128xi32, #tpu.memory_space<hbm>>, %arg3: memref<10008xf32, #tpu.memory_space<hbm>>, %arg4: memref<10008xf32, #tpu.memory_space<hbm>>, %arg5: memref<10008xf32, #tpu.memory_space<hbm>>, %arg6: memref<10008xf32, #tpu.memory_space<vmem_shared>>, %arg7: memref<80x128xi32, #tpu.memory_space<vmem>>, %arg8: memref<128xf32, #tpu.memory_space<vmem>>, %arg9: memref<!tpu.dma_semaphore, #tpu.memory_space<semaphore_mem>>) attributes {dimension_semantics = [#tpu.dimension_semantics<core_parallel>, #tpu.dimension_semantics<subcore_parallel>], iteration_bounds = array<i64: 2, 16>, scalar_prefetch = 0 : i64, scratch_operands = 4 : i64, tpu.core_type = #tpu.core_type<sc_vector_subcore>, window_params = [{transform_indices = #map}, {transform_indices = #map1}, {transform_indices = #map1}, {transform_indices = #map1}]} {
    %mul3A = arith.constant 16 : i32
    %mul3A_0 = arith.muli %arg0, %mul3A : i32
    %add3A = arith.addi %mul3A_0, %arg1 : i32
    %broadcast_in_dim3A = arith.constant 1.000000e+00 : f32
    %broadcast_in_dim3A_1 = vector.broadcast %broadcast_in_dim3A : f32 to vector<16xf32>
    %swap3A = arith.constant 0 : index
    %swap3A_2 = tpu.vector_load %arg8[%swap3A] {strides = array<i32>} : memref<128xf32, #tpu.memory_space<vmem>>, vector<16xf32>,
    %swap3A_3 = vector.shape_cast %swap3A_2 : vector<16xf32> to vector<16xf32>
    %swap3A_4 = vector.shape_cast %broadcast_in_dim3A_1 : vector<16xf32> to vector<16xf32>
    tpu.vector_store %arg8[%swap3A], %swap3A_4 {strides = array<i32>} : memref<128xf32, #tpu.memory_space<vmem>>, vector<16xf32>,
    %swap3A_5 = arith.constant 16 : index
    %swap3A_6 = tpu.vector_load %arg8[%swap3A_5] {strides = array<i32>} : memref<128xf32, #tpu.memory_space<vmem>>, vector<16xf32>,
    %swap3A_7 = vector.shape_cast %swap3A_6 : vector<16xf32> to vector<16xf32>
    %swap3A_8 = vector.shape_cast %broadcast_in_dim3A_1 : vector<16xf32> to vector<16xf32>
    tpu.vector_store %arg8[%swap3A_5], %swap3A_8 {strides = array<i32>} : memref<128xf32, #tpu.memory_space<vmem>>, vector<16xf32>,
    %swap3A_9 = arith.constant 32 : index
    %swap3A_10 = tpu.vector_load %arg8[%swap3A_9] {strides = array<i32>} : memref<128xf32, #tpu.memory_space<vmem>>, vector<16xf32>,
    %swap3A_11 = vector.shape_cast %swap3A_10 : vector<16xf32> to vector<16xf32>
    %swap3A_12 = vector.shape_cast %broadcast_in_dim3A_1 : vector<16xf32> to vector<16xf32>
    tpu.vector_store %arg8[%swap3A_9], %swap3A_12 {strides = array<i32>} : memref<128xf32, #tpu.memory_space<vmem>>, vector<16xf32>,
    %swap3A_13 = arith.constant 48 : index
    %swap3A_14 = tpu.vector_load %arg8[%swap3A_13] {strides = array<i32>} : memref<128xf32, #tpu.memory_space<vmem>>, vector<16xf32>,
    %swap3A_15 = vector.shape_cast %swap3A_14 : vector<16xf32> to vector<16xf32>
    %swap3A_16 = vector.shape_cast %broadcast_in_dim3A_1 : vector<16xf32> to vector<16xf32>
    tpu.vector_store %arg8[%swap3A_13], %swap3A_16 {strides = array<i32>} : memref<128xf32, #tpu.memory_space<vmem>>, vector<16xf32>,
    %swap3A_17 = arith.constant 64 : index
    %swap3A_18 = tpu.vector_load %arg8[%swap3A_17] {strides = array<i32>} : memref<128xf32, #tpu.memory_space<vmem>>, vector<16xf32>,
    %swap3A_19 = vector.shape_cast %swap3A_18 : vector<16xf32> to vector<16xf32>
    %swap3A_20 = vector.shape_cast %broadcast_in_dim3A_1 : vector<16xf32> to vector<16xf32>
    tpu.vector_store %arg8[%swap3A_17], %swap3A_20 {strides = array<i32>} : memref<128xf32, #tpu.memory_space<vmem>>, vector<16xf32>,
    %swap3A_21 = arith.constant 80 : index
    %swap3A_22 = tpu.vector_load %arg8[%swap3A_21] {strides = array<i32>} : memref<128xf32, #tpu.memory_space<vmem>>, vector<16xf32>,
    %swap3A_23 = vector.shape_cast %swap3A_22 : vector<16xf32> to vector<16xf32>
    %swap3A_24 = vector.shape_cast %broadcast_in_dim3A_1 : vector<16xf32> to vector<16xf32>
    tpu.vector_store %arg8[%swap3A_21], %swap3A_24 {strides = array<i32>} : memref<128xf32, #tpu.memory_space<vmem>>, vector<16xf32>,
    %swap3A_25 = arith.constant 96 : index
    %swap3A_26 = tpu.vector_load %arg8[%swap3A_25] {strides = array<i32>} : memref<128xf32, #tpu.memory_space<vmem>>, vector<16xf32>,
    %swap3A_27 = vector.shape_cast %swap3A_26 : vector<16xf32> to vector<16xf32>
    %swap3A_28 = vector.shape_cast %broadcast_in_dim3A_1 : vector<16xf32> to vector<16xf32>
    tpu.vector_store %arg8[%swap3A_25], %swap3A_28 {strides = array<i32>} : memref<128xf32, #tpu.memory_space<vmem>>, vector<16xf32>,
    %swap3A_29 = arith.constant 112 : index
    %swap3A_30 = tpu.vector_load %arg8[%swap3A_29] {strides = array<i32>} : memref<128xf32, #tpu.memory_space<vmem>>, vector<16xf32>,
    %swap3A_31 = vector.shape_cast %swap3A_30 : vector<16xf32> to vector<16xf32>
    %swap3A_32 = vector.shape_cast %broadcast_in_dim3A_1 : vector<16xf32> to vector<16xf32>
    tpu.vector_store %arg8[%swap3A_29], %swap3A_32 {strides = array<i32>} : memref<128xf32, #tpu.memory_space<vmem>>, vector<16xf32>,
    %mul3A_33 = arith.constant 80 : i32
    %mul3A_34 = arith.muli %add3A, %mul3A_33 : i32
    "tpu.region"() ({
      %run_scoped3A = tpu.sem_alloc : memref<!tpu.dma_semaphore, #tpu.memory_space<semaphore_mem>>
      %dma_start3A = arith.constant 0 : i32
      %dma_start3A_48 = tpu.memref_slice %arg2[%mul3A_34, %dma_start3A] : memref<2560x128xi32, #tpu.memory_space<hbm>> -> memref<80x128xi32, #tpu.memory_space<hbm>>
      %dma_start3A_49 = arith.constant 0 : i32
      %dma_start3A_50 = tpu.memref_slice %arg2[%mul3A_34, %dma_start3A_49] : memref<2560x128xi32, #tpu.memory_space<hbm>> -> memref<80x128xi32, #tpu.memory_space<hbm>>
      tpu.enqueue_dma source(%dma_start3A_50 : memref<80x128xi32, #tpu.memory_space<hbm>>) target(%arg7 : memref<80x128xi32, #tpu.memory_space<vmem>>) target_semaphore(%run_scoped3A : memref<!tpu.dma_semaphore, #tpu.memory_space<semaphore_mem>>)
      %dma_wait3A = arith.constant 0 : i32
      %dma_wait3A_51 = tpu.memref_slice %arg2[%mul3A_34, %dma_wait3A] : memref<2560x128xi32, #tpu.memory_space<hbm>> -> memref<80x128xi32, #tpu.memory_space<hbm>>
      %dma_wait3A_52 = arith.constant 0 : i32
      %dma_wait3A_53 = tpu.memref_slice %arg2[%mul3A_34, %dma_wait3A_52] : memref<2560x128xi32, #tpu.memory_space<hbm>> -> memref<80x128xi32, #tpu.memory_space<hbm>>
      tpu.wait_dma2 semaphore(%run_scoped3A : memref<!tpu.dma_semaphore, #tpu.memory_space<semaphore_mem>>) src(%dma_wait3A_53 : memref<80x128xi32, #tpu.memory_space<hbm>>) dst(%arg7 : memref<80x128xi32, #tpu.memory_space<vmem>>)
      tpu.yield
    }) : () -> ()
    %eq3A = arith.constant 0 : i32
    %eq3A_35 = arith.cmpi eq, %arg1, %eq3A : i32
    %convert_element_type3A = arith.extui %eq3A_35 : i1 to i32
    %cond3A = arith.constant 0 : i32
    %cond3A_36 = arith.cmpi ne, %convert_element_type3A, %cond3A : i32
    scf.if %cond3A_36 {
      "tpu.region"() ({
        %run_scoped3A = tpu.sem_alloc : memref<!tpu.dma_semaphore, #tpu.memory_space<semaphore_mem>>
        tpu.enqueue_dma source(%arg3 : memref<10008xf32, #tpu.memory_space<hbm>>) target(%arg6 : memref<10008xf32, #tpu.memory_space<vmem_shared>>) target_semaphore(%run_scoped3A : memref<!tpu.dma_semaphore, #tpu.memory_space<semaphore_mem>>)
        tpu.wait_dma2 semaphore(%run_scoped3A : memref<!tpu.dma_semaphore, #tpu.memory_space<semaphore_mem>>) src(%arg3 : memref<10008xf32, #tpu.memory_space<hbm>>) dst(%arg6 : memref<10008xf32, #tpu.memory_space<vmem_shared>>)
        tpu.yield
      }) : () -> ()
    } else {
    }
    %barrier3A = arith.constant 0 : index
    tpu.barrier barrier_id(%barrier3A)
    %scan3A = arith.constant 0 : i32
    %scan3A_37 = arith.constant 0 : i32
    %scan3A_38 = arith.constant 80 : i32
    %scan3A_39 = arith.addi %scan3A_37, %scan3A_38 : i32
    %scan3A_40 = arith.constant 1 : i32
    scf.for %scan3A_48 = %scan3A_37 to %scan3A_39 step %scan3A_40  : i32 {
      "tpu.region"() ({
        %run_scoped3A = tpu.sem_alloc : memref<!tpu.dma_semaphore, #tpu.memory_space<semaphore_mem>>
        %dma_start3A = arith.constant 0 : i32
        %dma_start3A_49 = tpu.memref_slice %arg7[%scan3A_48, %dma_start3A] : memref<80x128xi32, #tpu.memory_space<vmem>> -> memref<1x128xi32, #tpu.memory_space<vmem>>
        %dma_start3A_50 = tpu.memref_squeeze %dma_start3A_49 : memref<1x128xi32, #tpu.memory_space<vmem>> -> memref<128xi32, #tpu.memory_space<vmem>>
        %dma_start3A_51 = arith.constant 0 : i32
        %dma_start3A_52 = tpu.memref_slice %arg6[%dma_start3A_51] : memref<10008xf32, #tpu.memory_space<vmem_shared>> -> memref<10008xf32, #tpu.memory_space<vmem_shared>>
        tpu.enqueue_indirect_dma source(%arg8 : memref<128xf32, #tpu.memory_space<vmem>>) target(%dma_start3A_52 : memref<10008xf32, #tpu.memory_space<vmem_shared>>) offsets(%dma_start3A_50 : memref<128xi32, #tpu.memory_space<vmem>>) semaphore(%run_scoped3A : memref<!tpu.dma_semaphore, #tpu.memory_space<semaphore_mem>>) {add = true}
        %dma_wait3A = arith.constant 0 : i32
        %dma_wait3A_53 = tpu.memref_slice %arg7[%scan3A_48, %dma_wait3A] : memref<80x128xi32, #tpu.memory_space<vmem>> -> memref<1x128xi32, #tpu.memory_space<vmem>>
        %dma_wait3A_54 = tpu.memref_squeeze %dma_wait3A_53 : memref<1x128xi32, #tpu.memory_space<vmem>> -> memref<128xi32, #tpu.memory_space<vmem>>
        %dma_wait3A_55 = arith.constant 0 : i32
        %dma_wait3A_56 = tpu.memref_slice %arg6[%dma_wait3A_55] : memref<10008xf32, #tpu.memory_space<vmem_shared>> -> memref<10008xf32, #tpu.memory_space<vmem_shared>>
        tpu.wait_indirect_dma semaphore(%run_scoped3A : memref<!tpu.dma_semaphore, #tpu.memory_space<semaphore_mem>>) src(%arg8 : memref<128xf32, #tpu.memory_space<vmem>>) dst(%dma_wait3A_56 : memref<10008xf32, #tpu.memory_space<vmem_shared>>)
        tpu.yield
      }) : () -> ()
    }
    %scan3A_41 = arith.constant 80 : i32
    %barrier3A_42 = arith.constant 0 : index
    tpu.barrier barrier_id(%barrier3A_42)
    %eq3A_43 = arith.constant 0 : i32
    %eq3A_44 = arith.cmpi eq, %arg1, %eq3A_43 : i32
    %convert_element_type3A_45 = arith.extui %eq3A_44 : i1 to i32
    %cond3A_46 = arith.constant 0 : i32
    %cond3A_47 = arith.cmpi ne, %convert_element_type3A_45, %cond3A_46 : i32
    scf.if %cond3A_47 {
      %eq3A_48 = arith.constant 0 : i32
      %eq3A_49 = arith.cmpi eq, %arg0, %eq3A_48 : i32
      %convert_element_type3A_50 = arith.extui %eq3A_49 : i1 to i32
      %cond3A_51 = arith.constant 0 : i32
      %cond3A_52 = arith.cmpi ne, %convert_element_type3A_50, %cond3A_51 : i32
      scf.if %cond3A_52 {
        "tpu.region"() ({
          %run_scoped3A = tpu.sem_alloc : memref<!tpu.dma_semaphore, #tpu.memory_space<semaphore_mem>>
          tpu.enqueue_dma source(%arg6 : memref<10008xf32, #tpu.memory_space<vmem_shared>>) target(%arg4 : memref<10008xf32, #tpu.memory_space<hbm>>) target_semaphore(%run_scoped3A : memref<!tpu.dma_semaphore, #tpu.memory_space<semaphore_mem>>)
          tpu.wait_dma2 semaphore(%run_scoped3A : memref<!tpu.dma_semaphore, #tpu.memory_space<semaphore_mem>>) src(%arg6 : memref<10008xf32, #tpu.memory_space<vmem_shared>>) dst(%arg4 : memref<10008xf32, #tpu.memory_space<hbm>>)
          tpu.yield
        }) : () -> ()
      } else {
      }
      %eq3A_53 = arith.constant 1 : i32
      %eq3A_54 = arith.cmpi eq, %arg0, %eq3A_53 : i32
      %convert_element_type3A_55 = arith.extui %eq3A_54 : i1 to i32
      %cond3A_56 = arith.constant 0 : i32
      %cond3A_57 = arith.cmpi ne, %convert_element_type3A_55, %cond3A_56 : i32
      scf.if %cond3A_57 {
        "tpu.region"() ({
          %run_scoped3A = tpu.sem_alloc : memref<!tpu.dma_semaphore, #tpu.memory_space<semaphore_mem>>
          tpu.enqueue_dma source(%arg6 : memref<10008xf32, #tpu.memory_space<vmem_shared>>) target(%arg5 : memref<10008xf32, #tpu.memory_space<hbm>>) target_semaphore(%run_scoped3A : memref<!tpu.dma_semaphore, #tpu.memory_space<semaphore_mem>>)
          tpu.wait_dma2 semaphore(%run_scoped3A : memref<!tpu.dma_semaphore, #tpu.memory_space<semaphore_mem>>) src(%arg6 : memref<10008xf32, #tpu.memory_space<vmem_shared>>) dst(%arg5 : memref<10008xf32, #tpu.memory_space<hbm>>)
          tpu.yield
        }) : () -> ()
      } else {
      }
    } else {
    }
    return
  }
}

#map = affine_map<(d0, d1) -> (0, 0)>
#map1 = affine_map<(d0, d1) -> (0)>
module attributes {stable_mosaic.version = 14 : i64} {
  func.func @_agg_body(%arg0: i32, %arg1: i32, %arg2: memref<10000x128xf32, #tpu.memory_space<hbm>>, %arg3: memref<327680xi32, #tpu.memory_space<hbm>>, %arg4: memref<327680xi32, #tpu.memory_space<hbm>>, %arg5: memref<10000x128xf32, #tpu.memory_space<hbm>>, %arg6: memref<10000x128xf32, #tpu.memory_space<hbm>>, %arg7: memref<10000x128xf32, #tpu.memory_space<hbm>>, %arg8: memref<10008x128xf32, #tpu.memory_space<vmem_shared>>, %arg9: memref<128xi32, #tpu.memory_space<vmem>>, %arg10: memref<128xi32, #tpu.memory_space<vmem>>, %arg11: memref<128xi32, #tpu.memory_space<vmem>>, %arg12: memref<128xi32, #tpu.memory_space<vmem>>, %arg13: memref<80xi32, #tpu.memory_space<vmem>>, %arg14: memref<80xi32, #tpu.memory_space<vmem>>, %arg15: memref<128x128xf32, #tpu.memory_space<vmem>>, %arg16: memref<128x128xf32, #tpu.memory_space<vmem>>, %arg17: memref<80x128xf32, #tpu.memory_space<vmem>>, %arg18: memref<!tpu.dma_semaphore, #tpu.memory_space<semaphore_mem>>, %arg19: memref<!tpu.dma_semaphore, #tpu.memory_space<semaphore_mem>>, %arg20: memref<!tpu.dma_semaphore, #tpu.memory_space<semaphore_mem>>, %arg21: memref<!tpu.dma_semaphore, #tpu.memory_space<semaphore_mem>>, %arg22: memref<!tpu.dma_semaphore, #tpu.memory_space<semaphore_mem>>, %arg23: memref<!tpu.dma_semaphore, #tpu.memory_space<semaphore_mem>>) attributes {dimension_semantics = [#tpu.dimension_semantics<core_parallel>, #tpu.dimension_semantics<subcore_parallel>], iteration_bounds = array<i64: 2, 16>, scalar_prefetch = 0 : i64, scratch_operands = 16 : i64, tpu.core_type = #tpu.core_type<sc_vector_subcore>, window_params = [{transform_indices = #map}, {transform_indices = #map1}, {transform_indices = #map1}, {transform_indices = #map}, {transform_indices = #map}, {transform_indices = #map}]} {
    %lt3A = arith.constant 15 : i32
    %lt3A_0 = arith.cmpi slt, %arg1, %lt3A : i32
    %convert_element_type3A = arith.extui %lt3A_0 : i1 to i32
    %cond3A = arith.constant 0 : i32
    %cond3A_1 = arith.cmpi ne, %convert_element_type3A, %cond3A : i32
    scf.if %cond3A_1 {
      %mul3A = arith.constant 624 : i32
      %mul3A_27 = arith.muli %arg1, %mul3A : i32
      %eq3A_28 = arith.constant 0 : i32
      %eq3A_29 = arith.cmpi eq, %arg0, %eq3A_28 : i32
      %convert_element_type3A_30 = arith.extui %eq3A_29 : i1 to i32
      %cond3A_31 = arith.constant 0 : i32
      %cond3A_32 = arith.cmpi ne, %convert_element_type3A_30, %cond3A_31 : i32
      scf.if %cond3A_32 {
        "tpu.region"() ({
          %run_scoped3A = tpu.sem_alloc : memref<!tpu.dma_semaphore, #tpu.memory_space<semaphore_mem>>
          %dma_start3A = arith.constant 0 : i32
          %dma_start3A_38 = tpu.memref_slice %arg8[%mul3A_27, %dma_start3A] : memref<10008x128xf32, #tpu.memory_space<vmem_shared>> -> memref<624x128xf32, #tpu.memory_space<vmem_shared>>
          %dma_start3A_39 = arith.constant 0 : i32
          %dma_start3A_40 = tpu.memref_slice %arg2[%mul3A_27, %dma_start3A_39] : memref<10000x128xf32, #tpu.memory_space<hbm>> -> memref<624x128xf32, #tpu.memory_space<hbm>>
          tpu.enqueue_dma source(%dma_start3A_40 : memref<624x128xf32, #tpu.memory_space<hbm>>) target(%dma_start3A_38 : memref<624x128xf32, #tpu.memory_space<vmem_shared>>) target_semaphore(%run_scoped3A : memref<!tpu.dma_semaphore, #tpu.memory_space<semaphore_mem>>)
          %dma_wait3A = arith.constant 0 : i32
          %dma_wait3A_41 = tpu.memref_slice %arg8[%mul3A_27, %dma_wait3A] : memref<10008x128xf32, #tpu.memory_space<vmem_shared>> -> memref<624x128xf32, #tpu.memory_space<vmem_shared>>
          %dma_wait3A_42 = arith.constant 0 : i32
          %dma_wait3A_43 = tpu.memref_slice %arg2[%mul3A_27, %dma_wait3A_42] : memref<10000x128xf32, #tpu.memory_space<hbm>> -> memref<624x128xf32, #tpu.memory_space<hbm>>
          tpu.wait_dma2 semaphore(%run_scoped3A : memref<!tpu.dma_semaphore, #tpu.memory_space<semaphore_mem>>) src(%dma_wait3A_43 : memref<624x128xf32, #tpu.memory_space<hbm>>) dst(%dma_wait3A_41 : memref<624x128xf32, #tpu.memory_space<vmem_shared>>)
          tpu.yield
        }) : () -> ()
      } else {
      }
      %eq3A_33 = arith.constant 1 : i32
      %eq3A_34 = arith.cmpi eq, %arg0, %eq3A_33 : i32
      %convert_element_type3A_35 = arith.extui %eq3A_34 : i1 to i32
      %cond3A_36 = arith.constant 0 : i32
      %cond3A_37 = arith.cmpi ne, %convert_element_type3A_35, %cond3A_36 : i32
      scf.if %cond3A_37 {
        "tpu.region"() ({
          %run_scoped3A = tpu.sem_alloc : memref<!tpu.dma_semaphore, #tpu.memory_space<semaphore_mem>>
          %dma_start3A = arith.constant 0 : i32
          %dma_start3A_38 = tpu.memref_slice %arg8[%mul3A_27, %dma_start3A] : memref<10008x128xf32, #tpu.memory_space<vmem_shared>> -> memref<624x128xf32, #tpu.memory_space<vmem_shared>>
          %dma_start3A_39 = arith.constant 0 : i32
          %dma_start3A_40 = tpu.memref_slice %arg5[%mul3A_27, %dma_start3A_39] : memref<10000x128xf32, #tpu.memory_space<hbm>> -> memref<624x128xf32, #tpu.memory_space<hbm>>
          tpu.enqueue_dma source(%dma_start3A_40 : memref<624x128xf32, #tpu.memory_space<hbm>>) target(%dma_start3A_38 : memref<624x128xf32, #tpu.memory_space<vmem_shared>>) target_semaphore(%run_scoped3A : memref<!tpu.dma_semaphore, #tpu.memory_space<semaphore_mem>>)
          %dma_wait3A = arith.constant 0 : i32
          %dma_wait3A_41 = tpu.memref_slice %arg8[%mul3A_27, %dma_wait3A] : memref<10008x128xf32, #tpu.memory_space<vmem_shared>> -> memref<624x128xf32, #tpu.memory_space<vmem_shared>>
          %dma_wait3A_42 = arith.constant 0 : i32
          %dma_wait3A_43 = tpu.memref_slice %arg5[%mul3A_27, %dma_wait3A_42] : memref<10000x128xf32, #tpu.memory_space<hbm>> -> memref<624x128xf32, #tpu.memory_space<hbm>>
          tpu.wait_dma2 semaphore(%run_scoped3A : memref<!tpu.dma_semaphore, #tpu.memory_space<semaphore_mem>>) src(%dma_wait3A_43 : memref<624x128xf32, #tpu.memory_space<hbm>>) dst(%dma_wait3A_41 : memref<624x128xf32, #tpu.memory_space<vmem_shared>>)
          tpu.yield
        }) : () -> ()
      } else {
      }
    } else {
    }
    %eq3A = arith.constant 15 : i32
    %eq3A_2 = arith.cmpi eq, %arg1, %eq3A : i32
    %convert_element_type3A_3 = arith.extui %eq3A_2 : i1 to i32
    %cond3A_4 = arith.constant 0 : i32
    %cond3A_5 = arith.cmpi ne, %convert_element_type3A_3, %cond3A_4 : i32
    scf.if %cond3A_5 {
      %eq3A_27 = arith.constant 0 : i32
      %eq3A_28 = arith.cmpi eq, %arg0, %eq3A_27 : i32
      %convert_element_type3A_29 = arith.extui %eq3A_28 : i1 to i32
      %cond3A_30 = arith.constant 0 : i32
      %cond3A_31 = arith.cmpi ne, %convert_element_type3A_29, %cond3A_30 : i32
      scf.if %cond3A_31 {
        "tpu.region"() ({
          %run_scoped3A = tpu.sem_alloc : memref<!tpu.dma_semaphore, #tpu.memory_space<semaphore_mem>>
          %dma_start3A = arith.constant 9360 : i32
          %dma_start3A_37 = arith.constant 0 : i32
          %dma_start3A_38 = tpu.memref_slice %arg8[%dma_start3A, %dma_start3A_37] : memref<10008x128xf32, #tpu.memory_space<vmem_shared>> -> memref<640x128xf32, #tpu.memory_space<vmem_shared>>
          %dma_start3A_39 = arith.constant 9360 : i32
          %dma_start3A_40 = arith.constant 0 : i32
          %dma_start3A_41 = tpu.memref_slice %arg2[%dma_start3A_39, %dma_start3A_40] : memref<10000x128xf32, #tpu.memory_space<hbm>> -> memref<640x128xf32, #tpu.memory_space<hbm>>
          tpu.enqueue_dma source(%dma_start3A_41 : memref<640x128xf32, #tpu.memory_space<hbm>>) target(%dma_start3A_38 : memref<640x128xf32, #tpu.memory_space<vmem_shared>>) target_semaphore(%run_scoped3A : memref<!tpu.dma_semaphore, #tpu.memory_space<semaphore_mem>>)
          %dma_wait3A = arith.constant 9360 : i32
          %dma_wait3A_42 = arith.constant 0 : i32
          %dma_wait3A_43 = tpu.memref_slice %arg8[%dma_wait3A, %dma_wait3A_42] : memref<10008x128xf32, #tpu.memory_space<vmem_shared>> -> memref<640x128xf32, #tpu.memory_space<vmem_shared>>
          %dma_wait3A_44 = arith.constant 9360 : i32
          %dma_wait3A_45 = arith.constant 0 : i32
          %dma_wait3A_46 = tpu.memref_slice %arg2[%dma_wait3A_44, %dma_wait3A_45] : memref<10000x128xf32, #tpu.memory_space<hbm>> -> memref<640x128xf32, #tpu.memory_space<hbm>>
          tpu.wait_dma2 semaphore(%run_scoped3A : memref<!tpu.dma_semaphore, #tpu.memory_space<semaphore_mem>>) src(%dma_wait3A_46 : memref<640x128xf32, #tpu.memory_space<hbm>>) dst(%dma_wait3A_43 : memref<640x128xf32, #tpu.memory_space<vmem_shared>>)
          tpu.yield
        }) : () -> ()
      } else {
      }
      %eq3A_32 = arith.constant 1 : i32
      %eq3A_33 = arith.cmpi eq, %arg0, %eq3A_32 : i32
      %convert_element_type3A_34 = arith.extui %eq3A_33 : i1 to i32
      %cond3A_35 = arith.constant 0 : i32
      %cond3A_36 = arith.cmpi ne, %convert_element_type3A_34, %cond3A_35 : i32
      scf.if %cond3A_36 {
        "tpu.region"() ({
          %run_scoped3A = tpu.sem_alloc : memref<!tpu.dma_semaphore, #tpu.memory_space<semaphore_mem>>
          %dma_start3A = arith.constant 9360 : i32
          %dma_start3A_37 = arith.constant 0 : i32
          %dma_start3A_38 = tpu.memref_slice %arg8[%dma_start3A, %dma_start3A_37] : memref<10008x128xf32, #tpu.memory_space<vmem_shared>> -> memref<640x128xf32, #tpu.memory_space<vmem_shared>>
          %dma_start3A_39 = arith.constant 9360 : i32
          %dma_start3A_40 = arith.constant 0 : i32
          %dma_start3A_41 = tpu.memref_slice %arg5[%dma_start3A_39, %dma_start3A_40] : memref<10000x128xf32, #tpu.memory_space<hbm>> -> memref<640x128xf32, #tpu.memory_space<hbm>>
          tpu.enqueue_dma source(%dma_start3A_41 : memref<640x128xf32, #tpu.memory_space<hbm>>) target(%dma_start3A_38 : memref<640x128xf32, #tpu.memory_space<vmem_shared>>) target_semaphore(%run_scoped3A : memref<!tpu.dma_semaphore, #tpu.memory_space<semaphore_mem>>)
          %dma_wait3A = arith.constant 9360 : i32
          %dma_wait3A_42 = arith.constant 0 : i32
          %dma_wait3A_43 = tpu.memref_slice %arg8[%dma_wait3A, %dma_wait3A_42] : memref<10008x128xf32, #tpu.memory_space<vmem_shared>> -> memref<640x128xf32, #tpu.memory_space<vmem_shared>>
          %dma_wait3A_44 = arith.constant 9360 : i32
          %dma_wait3A_45 = arith.constant 0 : i32
          %dma_wait3A_46 = tpu.memref_slice %arg5[%dma_wait3A_44, %dma_wait3A_45] : memref<10000x128xf32, #tpu.memory_space<hbm>> -> memref<640x128xf32, #tpu.memory_space<hbm>>
          tpu.wait_dma2 semaphore(%run_scoped3A : memref<!tpu.dma_semaphore, #tpu.memory_space<semaphore_mem>>) src(%dma_wait3A_46 : memref<640x128xf32, #tpu.memory_space<hbm>>) dst(%dma_wait3A_43 : memref<640x128xf32, #tpu.memory_space<vmem_shared>>)
          tpu.yield
        }) : () -> ()
      } else {
      }
    } else {
    }
    %barrier3A = arith.constant 0 : index
    tpu.barrier barrier_id(%barrier3A)
    %eq3A_6 = arith.constant 0 : i32
    %eq3A_7 = arith.cmpi eq, %arg0, %eq3A_6 : i32
    %convert_element_type3A_8 = arith.extui %eq3A_7 : i1 to i32
    %cond3A_9 = arith.constant 0 : i32
    %cond3A_10 = arith.cmpi ne, %convert_element_type3A_8, %cond3A_9 : i32
    scf.if %cond3A_10 {
      %mul3A = arith.constant 104 : i32
      %mul3A_27 = arith.muli %arg1, %mul3A : i32
      %add3A = arith.constant 0 : i32
      %add3A_28 = arith.addi %mul3A_27, %add3A : i32
      %mul3A_29 = arith.constant 128 : i32
      %mul3A_30 = arith.muli %add3A_28, %mul3A_29 : i32
      %dma_start3A = tpu.memref_slice %arg3[%mul3A_30] : memref<327680xi32, #tpu.memory_space<hbm>> -> memref<128xi32, #tpu.memory_space<hbm>>
      %dma_start3A_31 = tpu.memref_slice %arg3[%mul3A_30] : memref<327680xi32, #tpu.memory_space<hbm>> -> memref<128xi32, #tpu.memory_space<hbm>>
      tpu.enqueue_dma source(%dma_start3A_31 : memref<128xi32, #tpu.memory_space<hbm>>) target(%arg9 : memref<128xi32, #tpu.memory_space<vmem>>) target_semaphore(%arg20 : memref<!tpu.dma_semaphore, #tpu.memory_space<semaphore_mem>>)
      %add3A_32 = arith.constant 0 : i32
      %add3A_33 = arith.addi %mul3A_27, %add3A_32 : i32
      %mul3A_34 = arith.constant 128 : i32
      %mul3A_35 = arith.muli %add3A_33, %mul3A_34 : i32
      %dma_start3A_36 = tpu.memref_slice %arg4[%mul3A_35] : memref<327680xi32, #tpu.memory_space<hbm>> -> memref<128xi32, #tpu.memory_space<hbm>>
      %dma_start3A_37 = tpu.memref_slice %arg4[%mul3A_35] : memref<327680xi32, #tpu.memory_space<hbm>> -> memref<128xi32, #tpu.memory_space<hbm>>
      tpu.enqueue_dma source(%dma_start3A_37 : memref<128xi32, #tpu.memory_space<hbm>>) target(%arg11 : memref<128xi32, #tpu.memory_space<vmem>>) target_semaphore(%arg22 : memref<!tpu.dma_semaphore, #tpu.memory_space<semaphore_mem>>)
      %add3A_38 = arith.constant 0 : i32
      %add3A_39 = arith.addi %mul3A_27, %add3A_38 : i32
      %mul3A_40 = arith.constant 128 : i32
      %mul3A_41 = arith.muli %add3A_39, %mul3A_40 : i32
      %dma_wait3A = tpu.memref_slice %arg3[%mul3A_41] : memref<327680xi32, #tpu.memory_space<hbm>> -> memref<128xi32, #tpu.memory_space<hbm>>
      %dma_wait3A_42 = tpu.memref_slice %arg3[%mul3A_41] : memref<327680xi32, #tpu.memory_space<hbm>> -> memref<128xi32, #tpu.memory_space<hbm>>
      tpu.wait_dma2 semaphore(%arg20 : memref<!tpu.dma_semaphore, #tpu.memory_space<semaphore_mem>>) src(%dma_wait3A_42 : memref<128xi32, #tpu.memory_space<hbm>>) dst(%arg9 : memref<128xi32, #tpu.memory_space<vmem>>)
      %add3A_43 = arith.constant 0 : i32
      %add3A_44 = arith.addi %mul3A_27, %add3A_43 : i32
      %mul3A_45 = arith.constant 128 : i32
      %mul3A_46 = arith.muli %add3A_44, %mul3A_45 : i32
      %dma_wait3A_47 = tpu.memref_slice %arg4[%mul3A_46] : memref<327680xi32, #tpu.memory_space<hbm>> -> memref<128xi32, #tpu.memory_space<hbm>>
      %dma_wait3A_48 = tpu.memref_slice %arg4[%mul3A_46] : memref<327680xi32, #tpu.memory_space<hbm>> -> memref<128xi32, #tpu.memory_space<hbm>>
      tpu.wait_dma2 semaphore(%arg22 : memref<!tpu.dma_semaphore, #tpu.memory_space<semaphore_mem>>) src(%dma_wait3A_48 : memref<128xi32, #tpu.memory_space<hbm>>) dst(%arg11 : memref<128xi32, #tpu.memory_space<vmem>>)
      %dma_start3A_49 = arith.constant 0 : i32
      %dma_start3A_50 = arith.constant 0 : i32
      %dma_start3A_51 = tpu.memref_slice %arg2[%dma_start3A_49, %dma_start3A_50] : memref<10000x128xf32, #tpu.memory_space<hbm>> -> memref<10000x128xf32, #tpu.memory_space<hbm>>
      tpu.enqueue_indirect_dma source(%dma_start3A_51 : memref<10000x128xf32, #tpu.memory_space<hbm>>) target(%arg15 : memref<128x128xf32, #tpu.memory_space<vmem>>) offsets(%arg9 : memref<128xi32, #tpu.memory_space<vmem>>) semaphore(%arg18 : memref<!tpu.dma_semaphore, #tpu.memory_space<semaphore_mem>>)
      %add3A_52 = arith.constant 1 : i32
      %add3A_53 = arith.addi %mul3A_27, %add3A_52 : i32
      %mul3A_54 = arith.constant 128 : i32
      %mul3A_55 = arith.muli %add3A_53, %mul3A_54 : i32
      %dma_start3A_56 = tpu.memref_slice %arg3[%mul3A_55] : memref<327680xi32, #tpu.memory_space<hbm>> -> memref<128xi32, #tpu.memory_space<hbm>>
      %dma_start3A_57 = tpu.memref_slice %arg3[%mul3A_55] : memref<327680xi32, #tpu.memory_space<hbm>> -> memref<128xi32, #tpu.memory_space<hbm>>
      tpu.enqueue_dma source(%dma_start3A_57 : memref<128xi32, #tpu.memory_space<hbm>>) target(%arg10 : memref<128xi32, #tpu.memory_space<vmem>>) target_semaphore(%arg21 : memref<!tpu.dma_semaphore, #tpu.memory_space<semaphore_mem>>)
      %add3A_58 = arith.constant 1 : i32
      %add3A_59 = arith.addi %mul3A_27, %add3A_58 : i32
      %mul3A_60 = arith.constant 128 : i32
      %mul3A_61 = arith.muli %add3A_59, %mul3A_60 : i32
      %dma_start3A_62 = tpu.memref_slice %arg4[%mul3A_61] : memref<327680xi32, #tpu.memory_space<hbm>> -> memref<128xi32, #tpu.memory_space<hbm>>
      %dma_start3A_63 = tpu.memref_slice %arg4[%mul3A_61] : memref<327680xi32, #tpu.memory_space<hbm>> -> memref<128xi32, #tpu.memory_space<hbm>>
      tpu.enqueue_dma source(%dma_start3A_63 : memref<128xi32, #tpu.memory_space<hbm>>) target(%arg12 : memref<128xi32, #tpu.memory_space<vmem>>) target_semaphore(%arg23 : memref<!tpu.dma_semaphore, #tpu.memory_space<semaphore_mem>>)
      %add3A_64 = arith.constant 1 : i32
      %add3A_65 = arith.addi %mul3A_27, %add3A_64 : i32
      %mul3A_66 = arith.constant 128 : i32
      %mul3A_67 = arith.muli %add3A_65, %mul3A_66 : i32
      %dma_wait3A_68 = tpu.memref_slice %arg3[%mul3A_67] : memref<327680xi32, #tpu.memory_space<hbm>> -> memref<128xi32, #tpu.memory_space<hbm>>
      %dma_wait3A_69 = tpu.memref_slice %arg3[%mul3A_67] : memref<327680xi32, #tpu.memory_space<hbm>> -> memref<128xi32, #tpu.memory_space<hbm>>
      tpu.wait_dma2 semaphore(%arg21 : memref<!tpu.dma_semaphore, #tpu.memory_space<semaphore_mem>>) src(%dma_wait3A_69 : memref<128xi32, #tpu.memory_space<hbm>>) dst(%arg10 : memref<128xi32, #tpu.memory_space<vmem>>)
      %add3A_70 = arith.constant 1 : i32
      %add3A_71 = arith.addi %mul3A_27, %add3A_70 : i32
      %mul3A_72 = arith.constant 128 : i32
      %mul3A_73 = arith.muli %add3A_71, %mul3A_72 : i32
      %dma_wait3A_74 = tpu.memref_slice %arg4[%mul3A_73] : memref<327680xi32, #tpu.memory_space<hbm>> -> memref<128xi32, #tpu.memory_space<hbm>>
      %dma_wait3A_75 = tpu.memref_slice %arg4[%mul3A_73] : memref<327680xi32, #tpu.memory_space<hbm>> -> memref<128xi32, #tpu.memory_space<hbm>>
      tpu.wait_dma2 semaphore(%arg23 : memref<!tpu.dma_semaphore, #tpu.memory_space<semaphore_mem>>) src(%dma_wait3A_75 : memref<128xi32, #tpu.memory_space<hbm>>) dst(%arg12 : memref<128xi32, #tpu.memory_space<vmem>>)
      %dma_start3A_76 = arith.constant 0 : i32
      %dma_start3A_77 = arith.constant 0 : i32
      %dma_start3A_78 = tpu.memref_slice %arg2[%dma_start3A_76, %dma_start3A_77] : memref<10000x128xf32, #tpu.memory_space<hbm>> -> memref<10000x128xf32, #tpu.memory_space<hbm>>
      tpu.enqueue_indirect_dma source(%dma_start3A_78 : memref<10000x128xf32, #tpu.memory_space<hbm>>) target(%arg16 : memref<128x128xf32, #tpu.memory_space<vmem>>) offsets(%arg10 : memref<128xi32, #tpu.memory_space<vmem>>) semaphore(%arg19 : memref<!tpu.dma_semaphore, #tpu.memory_space<semaphore_mem>>)
      %scan3A = arith.constant 0 : i32
      %scan3A_79 = arith.constant 0 : i32
      %scan3A_80 = arith.constant 52 : i32
      %scan3A_81 = arith.addi %scan3A_79, %scan3A_80 : i32
      %scan3A_82 = arith.constant 1 : i32
      scf.for %scan3A_84 = %scan3A_79 to %scan3A_81 step %scan3A_82  : i32 {
        %mul3A_85 = arith.constant 2 : i32
        %mul3A_86 = arith.muli %mul3A_85, %scan3A_84 : i32
        %dma_wait3A_87 = arith.constant 0 : i32
        %dma_wait3A_88 = arith.constant 0 : i32
        %dma_wait3A_89 = tpu.memref_slice %arg2[%dma_wait3A_87, %dma_wait3A_88] : memref<10000x128xf32, #tpu.memory_space<hbm>> -> memref<10000x128xf32, #tpu.memory_space<hbm>>
        tpu.wait_indirect_dma semaphore(%arg18 : memref<!tpu.dma_semaphore, #tpu.memory_space<semaphore_mem>>) src(%dma_wait3A_89 : memref<10000x128xf32, #tpu.memory_space<hbm>>) dst(%arg15 : memref<128x128xf32, #tpu.memory_space<vmem>>)
        "tpu.region"() ({
          %run_scoped3A = tpu.sem_alloc : memref<!tpu.dma_semaphore, #tpu.memory_space<semaphore_mem>>
          %dma_start3A_107 = arith.constant 0 : i32
          %dma_start3A_108 = arith.constant 0 : i32
          %dma_start3A_109 = tpu.memref_slice %arg8[%dma_start3A_107, %dma_start3A_108] : memref<10008x128xf32, #tpu.memory_space<vmem_shared>> -> memref<10008x128xf32, #tpu.memory_space<vmem_shared>>
          tpu.enqueue_indirect_dma source(%arg15 : memref<128x128xf32, #tpu.memory_space<vmem>>) target(%dma_start3A_109 : memref<10008x128xf32, #tpu.memory_space<vmem_shared>>) offsets(%arg11 : memref<128xi32, #tpu.memory_space<vmem>>) semaphore(%run_scoped3A : memref<!tpu.dma_semaphore, #tpu.memory_space<semaphore_mem>>) {add = true}
          %dma_wait3A_110 = arith.constant 0 : i32
          %dma_wait3A_111 = arith.constant 0 : i32
          %dma_wait3A_112 = tpu.memref_slice %arg8[%dma_wait3A_110, %dma_wait3A_111] : memref<10008x128xf32, #tpu.memory_space<vmem_shared>> -> memref<10008x128xf32, #tpu.memory_space<vmem_shared>>
          tpu.wait_indirect_dma semaphore(%run_scoped3A : memref<!tpu.dma_semaphore, #tpu.memory_space<semaphore_mem>>) src(%arg15 : memref<128x128xf32, #tpu.memory_space<vmem>>) dst(%dma_wait3A_112 : memref<10008x128xf32, #tpu.memory_space<vmem_shared>>)
          tpu.yield
        }) : () -> ()
        %add3A_90 = arith.constant 2 : i32
        %add3A_91 = arith.addi %mul3A_86, %add3A_90 : i32
        %lt3A_92 = arith.constant 104 : i32
        %lt3A_93 = arith.cmpi slt, %add3A_91, %lt3A_92 : i32
        %convert_element_type3A_94 = arith.extui %lt3A_93 : i1 to i32
        %cond3A_95 = arith.constant 0 : i32
        %cond3A_96 = arith.cmpi ne, %convert_element_type3A_94, %cond3A_95 : i32
        scf.if %cond3A_96 {
          %add3A_107 = arith.constant 2 : i32
          %add3A_108 = arith.addi %mul3A_86, %add3A_107 : i32
          %add3A_109 = arith.addi %mul3A_27, %add3A_108 : i32
          %mul3A_110 = arith.constant 128 : i32
          %mul3A_111 = arith.muli %add3A_109, %mul3A_110 : i32
          %dma_start3A_112 = tpu.memref_slice %arg3[%mul3A_111] : memref<327680xi32, #tpu.memory_space<hbm>> -> memref<128xi32, #tpu.memory_space<hbm>>
          %dma_start3A_113 = tpu.memref_slice %arg3[%mul3A_111] : memref<327680xi32, #tpu.memory_space<hbm>> -> memref<128xi32, #tpu.memory_space<hbm>>
          tpu.enqueue_dma source(%dma_start3A_113 : memref<128xi32, #tpu.memory_space<hbm>>) target(%arg9 : memref<128xi32, #tpu.memory_space<vmem>>) target_semaphore(%arg20 : memref<!tpu.dma_semaphore, #tpu.memory_space<semaphore_mem>>)
          %add3A_114 = arith.addi %mul3A_27, %add3A_108 : i32
          %mul3A_115 = arith.constant 128 : i32
          %mul3A_116 = arith.muli %add3A_114, %mul3A_115 : i32
          %dma_start3A_117 = tpu.memref_slice %arg4[%mul3A_116] : memref<327680xi32, #tpu.memory_space<hbm>> -> memref<128xi32, #tpu.memory_space<hbm>>
          %dma_start3A_118 = tpu.memref_slice %arg4[%mul3A_116] : memref<327680xi32, #tpu.memory_space<hbm>> -> memref<128xi32, #tpu.memory_space<hbm>>
          tpu.enqueue_dma source(%dma_start3A_118 : memref<128xi32, #tpu.memory_space<hbm>>) target(%arg11 : memref<128xi32, #tpu.memory_space<vmem>>) target_semaphore(%arg22 : memref<!tpu.dma_semaphore, #tpu.memory_space<semaphore_mem>>)
          %add3A_119 = arith.constant 2 : i32
          %add3A_120 = arith.addi %mul3A_86, %add3A_119 : i32
          %add3A_121 = arith.addi %mul3A_27, %add3A_120 : i32
          %mul3A_122 = arith.constant 128 : i32
          %mul3A_123 = arith.muli %add3A_121, %mul3A_122 : i32
          %dma_wait3A_124 = tpu.memref_slice %arg3[%mul3A_123] : memref<327680xi32, #tpu.memory_space<hbm>> -> memref<128xi32, #tpu.memory_space<hbm>>
          %dma_wait3A_125 = tpu.memref_slice %arg3[%mul3A_123] : memref<327680xi32, #tpu.memory_space<hbm>> -> memref<128xi32, #tpu.memory_space<hbm>>
          tpu.wait_dma2 semaphore(%arg20 : memref<!tpu.dma_semaphore, #tpu.memory_space<semaphore_mem>>) src(%dma_wait3A_125 : memref<128xi32, #tpu.memory_space<hbm>>) dst(%arg9 : memref<128xi32, #tpu.memory_space<vmem>>)
          %add3A_126 = arith.addi %mul3A_27, %add3A_120 : i32
          %mul3A_127 = arith.constant 128 : i32
          %mul3A_128 = arith.muli %add3A_126, %mul3A_127 : i32
          %dma_wait3A_129 = tpu.memref_slice %arg4[%mul3A_128] : memref<327680xi32, #tpu.memory_space<hbm>> -> memref<128xi32, #tpu.memory_space<hbm>>
          %dma_wait3A_130 = tpu.memref_slice %arg4[%mul3A_128] : memref<327680xi32, #tpu.memory_space<hbm>> -> memref<128xi32, #tpu.memory_space<hbm>>
          tpu.wait_dma2 semaphore(%arg22 : memref<!tpu.dma_semaphore, #tpu.memory_space<semaphore_mem>>) src(%dma_wait3A_130 : memref<128xi32, #tpu.memory_space<hbm>>) dst(%arg11 : memref<128xi32, #tpu.memory_space<vmem>>)
          %dma_start3A_131 = arith.constant 0 : i32
          %dma_start3A_132 = arith.constant 0 : i32
          %dma_start3A_133 = tpu.memref_slice %arg2[%dma_start3A_131, %dma_start3A_132] : memref<10000x128xf32, #tpu.memory_space<hbm>> -> memref<10000x128xf32, #tpu.memory_space<hbm>>
          tpu.enqueue_indirect_dma source(%dma_start3A_133 : memref<10000x128xf32, #tpu.memory_space<hbm>>) target(%arg15 : memref<128x128xf32, #tpu.memory_space<vmem>>) offsets(%arg9 : memref<128xi32, #tpu.memory_space<vmem>>) semaphore(%arg18 : memref<!tpu.dma_semaphore, #tpu.memory_space<semaphore_mem>>)
        } else {
        }
        %dma_wait3A_97 = arith.constant 0 : i32
        %dma_wait3A_98 = arith.constant 0 : i32
        %dma_wait3A_99 = tpu.memref_slice %arg2[%dma_wait3A_97, %dma_wait3A_98] : memref<10000x128xf32, #tpu.memory_space<hbm>> -> memref<10000x128xf32, #tpu.memory_space<hbm>>
        tpu.wait_indirect_dma semaphore(%arg19 : memref<!tpu.dma_semaphore, #tpu.memory_space<semaphore_mem>>) src(%dma_wait3A_99 : memref<10000x128xf32, #tpu.memory_space<hbm>>) dst(%arg16 : memref<128x128xf32, #tpu.memory_space<vmem>>)
        "tpu.region"() ({
          %run_scoped3A = tpu.sem_alloc : memref<!tpu.dma_semaphore, #tpu.memory_space<semaphore_mem>>
          %dma_start3A_107 = arith.constant 0 : i32
          %dma_start3A_108 = arith.constant 0 : i32
          %dma_start3A_109 = tpu.memref_slice %arg8[%dma_start3A_107, %dma_start3A_108] : memref<10008x128xf32, #tpu.memory_space<vmem_shared>> -> memref<10008x128xf32, #tpu.memory_space<vmem_shared>>
          tpu.enqueue_indirect_dma source(%arg16 : memref<128x128xf32, #tpu.memory_space<vmem>>) target(%dma_start3A_109 : memref<10008x128xf32, #tpu.memory_space<vmem_shared>>) offsets(%arg12 : memref<128xi32, #tpu.memory_space<vmem>>) semaphore(%run_scoped3A : memref<!tpu.dma_semaphore, #tpu.memory_space<semaphore_mem>>) {add = true}
          %dma_wait3A_110 = arith.constant 0 : i32
          %dma_wait3A_111 = arith.constant 0 : i32
          %dma_wait3A_112 = tpu.memref_slice %arg8[%dma_wait3A_110, %dma_wait3A_111] : memref<10008x128xf32, #tpu.memory_space<vmem_shared>> -> memref<10008x128xf32, #tpu.memory_space<vmem_shared>>
          tpu.wait_indirect_dma semaphore(%run_scoped3A : memref<!tpu.dma_semaphore, #tpu.memory_space<semaphore_mem>>) src(%arg16 : memref<128x128xf32, #tpu.memory_space<vmem>>) dst(%dma_wait3A_112 : memref<10008x128xf32, #tpu.memory_space<vmem_shared>>)
          tpu.yield
        }) : () -> ()
        %add3A_100 = arith.constant 3 : i32
        %add3A_101 = arith.addi %mul3A_86, %add3A_100 : i32
        %lt3A_102 = arith.constant 104 : i32
        %lt3A_103 = arith.cmpi slt, %add3A_101, %lt3A_102 : i32
        %convert_element_type3A_104 = arith.extui %lt3A_103 : i1 to i32
        %cond3A_105 = arith.constant 0 : i32
        %cond3A_106 = arith.cmpi ne, %convert_element_type3A_104, %cond3A_105 : i32
        scf.if %cond3A_106 {
          %add3A_107 = arith.constant 3 : i32
          %add3A_108 = arith.addi %mul3A_86, %add3A_107 : i32
          %add3A_109 = arith.addi %mul3A_27, %add3A_108 : i32
          %mul3A_110 = arith.constant 128 : i32
          %mul3A_111 = arith.muli %add3A_109, %mul3A_110 : i32
          %dma_start3A_112 = tpu.memref_slice %arg3[%mul3A_111] : memref<327680xi32, #tpu.memory_space<hbm>> -> memref<128xi32, #tpu.memory_space<hbm>>
          %dma_start3A_113 = tpu.memref_slice %arg3[%mul3A_111] : memref<327680xi32, #tpu.memory_space<hbm>> -> memref<128xi32, #tpu.memory_space<hbm>>
          tpu.enqueue_dma source(%dma_start3A_113 : memref<128xi32, #tpu.memory_space<hbm>>) target(%arg10 : memref<128xi32, #tpu.memory_space<vmem>>) target_semaphore(%arg21 : memref<!tpu.dma_semaphore, #tpu.memory_space<semaphore_mem>>)
          %add3A_114 = arith.addi %mul3A_27, %add3A_108 : i32
          %mul3A_115 = arith.constant 128 : i32
          %mul3A_116 = arith.muli %add3A_114, %mul3A_115 : i32
          %dma_start3A_117 = tpu.memref_slice %arg4[%mul3A_116] : memref<327680xi32, #tpu.memory_space<hbm>> -> memref<128xi32, #tpu.memory_space<hbm>>
          %dma_start3A_118 = tpu.memref_slice %arg4[%mul3A_116] : memref<327680xi32, #tpu.memory_space<hbm>> -> memref<128xi32, #tpu.memory_space<hbm>>
          tpu.enqueue_dma source(%dma_start3A_118 : memref<128xi32, #tpu.memory_space<hbm>>) target(%arg12 : memref<128xi32, #tpu.memory_space<vmem>>) target_semaphore(%arg23 : memref<!tpu.dma_semaphore, #tpu.memory_space<semaphore_mem>>)
          %add3A_119 = arith.constant 3 : i32
          %add3A_120 = arith.addi %mul3A_86, %add3A_119 : i32
          %add3A_121 = arith.addi %mul3A_27, %add3A_120 : i32
          %mul3A_122 = arith.constant 128 : i32
          %mul3A_123 = arith.muli %add3A_121, %mul3A_122 : i32
          %dma_wait3A_124 = tpu.memref_slice %arg3[%mul3A_123] : memref<327680xi32, #tpu.memory_space<hbm>> -> memref<128xi32, #tpu.memory_space<hbm>>
          %dma_wait3A_125 = tpu.memref_slice %arg3[%mul3A_123] : memref<327680xi32, #tpu.memory_space<hbm>> -> memref<128xi32, #tpu.memory_space<hbm>>
          tpu.wait_dma2 semaphore(%arg21 : memref<!tpu.dma_semaphore, #tpu.memory_space<semaphore_mem>>) src(%dma_wait3A_125 : memref<128xi32, #tpu.memory_space<hbm>>) dst(%arg10 : memref<128xi32, #tpu.memory_space<vmem>>)
          %add3A_126 = arith.addi %mul3A_27, %add3A_120 : i32
          %mul3A_127 = arith.constant 128 : i32
          %mul3A_128 = arith.muli %add3A_126, %mul3A_127 : i32
          %dma_wait3A_129 = tpu.memref_slice %arg4[%mul3A_128] : memref<327680xi32, #tpu.memory_space<hbm>> -> memref<128xi32, #tpu.memory_space<hbm>>
          %dma_wait3A_130 = tpu.memref_slice %arg4[%mul3A_128] : memref<327680xi32, #tpu.memory_space<hbm>> -> memref<128xi32, #tpu.memory_space<hbm>>
          tpu.wait_dma2 semaphore(%arg23 : memref<!tpu.dma_semaphore, #tpu.memory_space<semaphore_mem>>) src(%dma_wait3A_130 : memref<128xi32, #tpu.memory_space<hbm>>) dst(%arg12 : memref<128xi32, #tpu.memory_space<vmem>>)
          %dma_start3A_131 = arith.constant 0 : i32
          %dma_start3A_132 = arith.constant 0 : i32
          %dma_start3A_133 = tpu.memref_slice %arg2[%dma_start3A_131, %dma_start3A_132] : memref<10000x128xf32, #tpu.memory_space<hbm>> -> memref<10000x128xf32, #tpu.memory_space<hbm>>
          tpu.enqueue_indirect_dma source(%dma_start3A_133 : memref<10000x128xf32, #tpu.memory_space<hbm>>) target(%arg16 : memref<128x128xf32, #tpu.memory_space<vmem>>) offsets(%arg10 : memref<128xi32, #tpu.memory_space<vmem>>) semaphore(%arg19 : memref<!tpu.dma_semaphore, #tpu.memory_space<semaphore_mem>>)
        } else {
        }
      }
      %scan3A_83 = arith.constant 52 : i32
    } else {
    }
    %eq3A_11 = arith.constant 1 : i32
    %eq3A_12 = arith.cmpi eq, %arg0, %eq3A_11 : i32
    %convert_element_type3A_13 = arith.extui %eq3A_12 : i1 to i32
    %cond3A_14 = arith.constant 0 : i32
    %cond3A_15 = arith.cmpi ne, %convert_element_type3A_13, %cond3A_14 : i32
    scf.if %cond3A_15 {
      %mul3A = arith.constant 6720 : i32
      %mul3A_27 = arith.muli %arg1, %mul3A : i32
      %add3A = arith.constant 212992 : i32
      %add3A_28 = arith.addi %add3A, %mul3A_27 : i32
      %scan3A = arith.constant 0 : i32
      %scan3A_29 = arith.constant 0 : i32
      %scan3A_30 = arith.constant 84 : i32
      %scan3A_31 = arith.addi %scan3A_29, %scan3A_30 : i32
      %scan3A_32 = arith.constant 1 : i32
      scf.for %scan3A_34 = %scan3A_29 to %scan3A_31 step %scan3A_32  : i32 {
        %mul3A_35 = arith.constant 80 : i32
        %mul3A_36 = arith.muli %scan3A_34, %mul3A_35 : i32
        %add3A_37 = arith.addi %add3A_28, %mul3A_36 : i32
        "tpu.region"() ({
          %run_scoped3A = tpu.sem_alloc : memref<!tpu.dma_semaphore, #tpu.memory_space<semaphore_mem>>
          %dma_start3A_42 = tpu.memref_slice %arg3[%add3A_37] : memref<327680xi32, #tpu.memory_space<hbm>> -> memref<80xi32, #tpu.memory_space<hbm>>
          %dma_start3A_43 = tpu.memref_slice %arg3[%add3A_37] : memref<327680xi32, #tpu.memory_space<hbm>> -> memref<80xi32, #tpu.memory_space<hbm>>
          tpu.enqueue_dma source(%dma_start3A_43 : memref<80xi32, #tpu.memory_space<hbm>>) target(%arg13 : memref<80xi32, #tpu.memory_space<vmem>>) target_semaphore(%run_scoped3A : memref<!tpu.dma_semaphore, #tpu.memory_space<semaphore_mem>>)
          %dma_wait3A_44 = tpu.memref_slice %arg3[%add3A_37] : memref<327680xi32, #tpu.memory_space<hbm>> -> memref<80xi32, #tpu.memory_space<hbm>>
          %dma_wait3A_45 = tpu.memref_slice %arg3[%add3A_37] : memref<327680xi32, #tpu.memory_space<hbm>> -> memref<80xi32, #tpu.memory_space<hbm>>
          tpu.wait_dma2 semaphore(%run_scoped3A : memref<!tpu.dma_semaphore, #tpu.memory_space<semaphore_mem>>) src(%dma_wait3A_45 : memref<80xi32, #tpu.memory_space<hbm>>) dst(%arg13 : memref<80xi32, #tpu.memory_space<vmem>>)
          tpu.yield
        }) : () -> ()
        "tpu.region"() ({
          %run_scoped3A = tpu.sem_alloc : memref<!tpu.dma_semaphore, #tpu.memory_space<semaphore_mem>>
          %dma_start3A_42 = tpu.memref_slice %arg4[%add3A_37] : memref<327680xi32, #tpu.memory_space<hbm>> -> memref<80xi32, #tpu.memory_space<hbm>>
          %dma_start3A_43 = tpu.memref_slice %arg4[%add3A_37] : memref<327680xi32, #tpu.memory_space<hbm>> -> memref<80xi32, #tpu.memory_space<hbm>>
          tpu.enqueue_dma source(%dma_start3A_43 : memref<80xi32, #tpu.memory_space<hbm>>) target(%arg14 : memref<80xi32, #tpu.memory_space<vmem>>) target_semaphore(%run_scoped3A : memref<!tpu.dma_semaphore, #tpu.memory_space<semaphore_mem>>)
          %dma_wait3A_44 = tpu.memref_slice %arg4[%add3A_37] : memref<327680xi32, #tpu.memory_space<hbm>> -> memref<80xi32, #tpu.memory_space<hbm>>
          %dma_wait3A_45 = tpu.memref_slice %arg4[%add3A_37] : memref<327680xi32, #tpu.memory_space<hbm>> -> memref<80xi32, #tpu.memory_space<hbm>>
          tpu.wait_dma2 semaphore(%run_scoped3A : memref<!tpu.dma_semaphore, #tpu.memory_space<semaphore_mem>>) src(%dma_wait3A_45 : memref<80xi32, #tpu.memory_space<hbm>>) dst(%arg14 : memref<80xi32, #tpu.memory_space<vmem>>)
          tpu.yield
        }) : () -> ()
        %dma_start3A = arith.constant 0 : i32
        %dma_start3A_38 = arith.constant 0 : i32
        %dma_start3A_39 = tpu.memref_slice %arg2[%dma_start3A, %dma_start3A_38] : memref<10000x128xf32, #tpu.memory_space<hbm>> -> memref<10000x128xf32, #tpu.memory_space<hbm>>
        tpu.enqueue_indirect_dma source(%dma_start3A_39 : memref<10000x128xf32, #tpu.memory_space<hbm>>) target(%arg17 : memref<80x128xf32, #tpu.memory_space<vmem>>) offsets(%arg13 : memref<80xi32, #tpu.memory_space<vmem>>) semaphore(%arg18 : memref<!tpu.dma_semaphore, #tpu.memory_space<semaphore_mem>>)
        %dma_wait3A = arith.constant 0 : i32
        %dma_wait3A_40 = arith.constant 0 : i32
        %dma_wait3A_41 = tpu.memref_slice %arg2[%dma_wait3A, %dma_wait3A_40] : memref<10000x128xf32, #tpu.memory_space<hbm>> -> memref<10000x128xf32, #tpu.memory_space<hbm>>
        tpu.wait_indirect_dma semaphore(%arg18 : memref<!tpu.dma_semaphore, #tpu.memory_space<semaphore_mem>>) src(%dma_wait3A_41 : memref<10000x128xf32, #tpu.memory_space<hbm>>) dst(%arg17 : memref<80x128xf32, #tpu.memory_space<vmem>>)
        "tpu.region"() ({
          %run_scoped3A = tpu.sem_alloc : memref<!tpu.dma_semaphore, #tpu.memory_space<semaphore_mem>>
          %dma_start3A_42 = arith.constant 0 : i32
          %dma_start3A_43 = arith.constant 0 : i32
          %dma_start3A_44 = tpu.memref_slice %arg8[%dma_start3A_42, %dma_start3A_43] : memref<10008x128xf32, #tpu.memory_space<vmem_shared>> -> memref<10008x128xf32, #tpu.memory_space<vmem_shared>>
          tpu.enqueue_indirect_dma source(%arg17 : memref<80x128xf32, #tpu.memory_space<vmem>>) target(%dma_start3A_44 : memref<10008x128xf32, #tpu.memory_space<vmem_shared>>) offsets(%arg14 : memref<80xi32, #tpu.memory_space<vmem>>) semaphore(%run_scoped3A : memref<!tpu.dma_semaphore, #tpu.memory_space<semaphore_mem>>) {add = true}
          %dma_wait3A_45 = arith.constant 0 : i32
          %dma_wait3A_46 = arith.constant 0 : i32
          %dma_wait3A_47 = tpu.memref_slice %arg8[%dma_wait3A_45, %dma_wait3A_46] : memref<10008x128xf32, #tpu.memory_space<vmem_shared>> -> memref<10008x128xf32, #tpu.memory_space<vmem_shared>>
          tpu.wait_indirect_dma semaphore(%run_scoped3A : memref<!tpu.dma_semaphore, #tpu.memory_space<semaphore_mem>>) src(%arg17 : memref<80x128xf32, #tpu.memory_space<vmem>>) dst(%dma_wait3A_47 : memref<10008x128xf32, #tpu.memory_space<vmem_shared>>)
          tpu.yield
        }) : () -> ()
      }
      %scan3A_33 = arith.constant 84 : i32
    } else {
    }
    %barrier3A_16 = arith.constant 0 : index
    tpu.barrier barrier_id(%barrier3A_16)
    %lt3A_17 = arith.constant 15 : i32
    %lt3A_18 = arith.cmpi slt, %arg1, %lt3A_17 : i32
    %convert_element_type3A_19 = arith.extui %lt3A_18 : i1 to i32
    %cond3A_20 = arith.constant 0 : i32
    %cond3A_21 = arith.cmpi ne, %convert_element_type3A_19, %cond3A_20 : i32
    scf.if %cond3A_21 {
      %mul3A = arith.constant 624 : i32
      %mul3A_27 = arith.muli %arg1, %mul3A : i32
      %eq3A_28 = arith.constant 0 : i32
      %eq3A_29 = arith.cmpi eq, %arg0, %eq3A_28 : i32
      %convert_element_type3A_30 = arith.extui %eq3A_29 : i1 to i32
      %cond3A_31 = arith.constant 0 : i32
      %cond3A_32 = arith.cmpi ne, %convert_element_type3A_30, %cond3A_31 : i32
      scf.if %cond3A_32 {
        "tpu.region"() ({
          %run_scoped3A = tpu.sem_alloc : memref<!tpu.dma_semaphore, #tpu.memory_space<semaphore_mem>>
          %dma_start3A = arith.constant 0 : i32
          %dma_start3A_38 = tpu.memref_slice %arg6[%mul3A_27, %dma_start3A] : memref<10000x128xf32, #tpu.memory_space<hbm>> -> memref<624x128xf32, #tpu.memory_space<hbm>>
          %dma_start3A_39 = arith.constant 0 : i32
          %dma_start3A_40 = tpu.memref_slice %arg8[%mul3A_27, %dma_start3A_39] : memref<10008x128xf32, #tpu.memory_space<vmem_shared>> -> memref<624x128xf32, #tpu.memory_space<vmem_shared>>
          tpu.enqueue_dma source(%dma_start3A_40 : memref<624x128xf32, #tpu.memory_space<vmem_shared>>) target(%dma_start3A_38 : memref<624x128xf32, #tpu.memory_space<hbm>>) target_semaphore(%run_scoped3A : memref<!tpu.dma_semaphore, #tpu.memory_space<semaphore_mem>>)
          %dma_wait3A = arith.constant 0 : i32
          %dma_wait3A_41 = tpu.memref_slice %arg6[%mul3A_27, %dma_wait3A] : memref<10000x128xf32, #tpu.memory_space<hbm>> -> memref<624x128xf32, #tpu.memory_space<hbm>>
          %dma_wait3A_42 = arith.constant 0 : i32
          %dma_wait3A_43 = tpu.memref_slice %arg8[%mul3A_27, %dma_wait3A_42] : memref<10008x128xf32, #tpu.memory_space<vmem_shared>> -> memref<624x128xf32, #tpu.memory_space<vmem_shared>>
          tpu.wait_dma2 semaphore(%run_scoped3A : memref<!tpu.dma_semaphore, #tpu.memory_space<semaphore_mem>>) src(%dma_wait3A_43 : memref<624x128xf32, #tpu.memory_space<vmem_shared>>) dst(%dma_wait3A_41 : memref<624x128xf32, #tpu.memory_space<hbm>>)
          tpu.yield
        }) : () -> ()
      } else {
      }
      %eq3A_33 = arith.constant 1 : i32
      %eq3A_34 = arith.cmpi eq, %arg0, %eq3A_33 : i32
      %convert_element_type3A_35 = arith.extui %eq3A_34 : i1 to i32
      %cond3A_36 = arith.constant 0 : i32
      %cond3A_37 = arith.cmpi ne, %convert_element_type3A_35, %cond3A_36 : i32
      scf.if %cond3A_37 {
        "tpu.region"() ({
          %run_scoped3A = tpu.sem_alloc : memref<!tpu.dma_semaphore, #tpu.memory_space<semaphore_mem>>
          %dma_start3A = arith.constant 0 : i32
          %dma_start3A_38 = tpu.memref_slice %arg7[%mul3A_27, %dma_start3A] : memref<10000x128xf32, #tpu.memory_space<hbm>> -> memref<624x128xf32, #tpu.memory_space<hbm>>
          %dma_start3A_39 = arith.constant 0 : i32
          %dma_start3A_40 = tpu.memref_slice %arg8[%mul3A_27, %dma_start3A_39] : memref<10008x128xf32, #tpu.memory_space<vmem_shared>> -> memref<624x128xf32, #tpu.memory_space<vmem_shared>>
          tpu.enqueue_dma source(%dma_start3A_40 : memref<624x128xf32, #tpu.memory_space<vmem_shared>>) target(%dma_start3A_38 : memref<624x128xf32, #tpu.memory_space<hbm>>) target_semaphore(%run_scoped3A : memref<!tpu.dma_semaphore, #tpu.memory_space<semaphore_mem>>)
          %dma_wait3A = arith.constant 0 : i32
          %dma_wait3A_41 = tpu.memref_slice %arg7[%mul3A_27, %dma_wait3A] : memref<10000x128xf32, #tpu.memory_space<hbm>> -> memref<624x128xf32, #tpu.memory_space<hbm>>
          %dma_wait3A_42 = arith.constant 0 : i32
          %dma_wait3A_43 = tpu.memref_slice %arg8[%mul3A_27, %dma_wait3A_42] : memref<10008x128xf32, #tpu.memory_space<vmem_shared>> -> memref<624x128xf32, #tpu.memory_space<vmem_shared>>
          tpu.wait_dma2 semaphore(%run_scoped3A : memref<!tpu.dma_semaphore, #tpu.memory_space<semaphore_mem>>) src(%dma_wait3A_43 : memref<624x128xf32, #tpu.memory_space<vmem_shared>>) dst(%dma_wait3A_41 : memref<624x128xf32, #tpu.memory_space<hbm>>)
          tpu.yield
        }) : () -> ()
      } else {
      }
    } else {
    }
    %eq3A_22 = arith.constant 15 : i32
    %eq3A_23 = arith.cmpi eq, %arg1, %eq3A_22 : i32
    %convert_element_type3A_24 = arith.extui %eq3A_23 : i1 to i32
    %cond3A_25 = arith.constant 0 : i32
    %cond3A_26 = arith.cmpi ne, %convert_element_type3A_24, %cond3A_25 : i32
    scf.if %cond3A_26 {
      %eq3A_27 = arith.constant 0 : i32
      %eq3A_28 = arith.cmpi eq, %arg0, %eq3A_27 : i32
      %convert_element_type3A_29 = arith.extui %eq3A_28 : i1 to i32
      %cond3A_30 = arith.constant 0 : i32
      %cond3A_31 = arith.cmpi ne, %convert_element_type3A_29, %cond3A_30 : i32
      scf.if %cond3A_31 {
        "tpu.region"() ({
          %run_scoped3A = tpu.sem_alloc : memref<!tpu.dma_semaphore, #tpu.memory_space<semaphore_mem>>
          %dma_start3A = arith.constant 9360 : i32
          %dma_start3A_37 = arith.constant 0 : i32
          %dma_start3A_38 = tpu.memref_slice %arg6[%dma_start3A, %dma_start3A_37] : memref<10000x128xf32, #tpu.memory_space<hbm>> -> memref<640x128xf32, #tpu.memory_space<hbm>>
          %dma_start3A_39 = arith.constant 9360 : i32
          %dma_start3A_40 = arith.constant 0 : i32
          %dma_start3A_41 = tpu.memref_slice %arg8[%dma_start3A_39, %dma_start3A_40] : memref<10008x128xf32, #tpu.memory_space<vmem_shared>> -> memref<640x128xf32, #tpu.memory_space<vmem_shared>>
          tpu.enqueue_dma source(%dma_start3A_41 : memref<640x128xf32, #tpu.memory_space<vmem_shared>>) target(%dma_start3A_38 : memref<640x128xf32, #tpu.memory_space<hbm>>) target_semaphore(%run_scoped3A : memref<!tpu.dma_semaphore, #tpu.memory_space<semaphore_mem>>)
          %dma_wait3A = arith.constant 9360 : i32
          %dma_wait3A_42 = arith.constant 0 : i32
          %dma_wait3A_43 = tpu.memref_slice %arg6[%dma_wait3A, %dma_wait3A_42] : memref<10000x128xf32, #tpu.memory_space<hbm>> -> memref<640x128xf32, #tpu.memory_space<hbm>>
          %dma_wait3A_44 = arith.constant 9360 : i32
          %dma_wait3A_45 = arith.constant 0 : i32
          %dma_wait3A_46 = tpu.memref_slice %arg8[%dma_wait3A_44, %dma_wait3A_45] : memref<10008x128xf32, #tpu.memory_space<vmem_shared>> -> memref<640x128xf32, #tpu.memory_space<vmem_shared>>
          tpu.wait_dma2 semaphore(%run_scoped3A : memref<!tpu.dma_semaphore, #tpu.memory_space<semaphore_mem>>) src(%dma_wait3A_46 : memref<640x128xf32, #tpu.memory_space<vmem_shared>>) dst(%dma_wait3A_43 : memref<640x128xf32, #tpu.memory_space<hbm>>)
          tpu.yield
        }) : () -> ()
      } else {
      }
      %eq3A_32 = arith.constant 1 : i32
      %eq3A_33 = arith.cmpi eq, %arg0, %eq3A_32 : i32
      %convert_element_type3A_34 = arith.extui %eq3A_33 : i1 to i32
      %cond3A_35 = arith.constant 0 : i32
      %cond3A_36 = arith.cmpi ne, %convert_element_type3A_34, %cond3A_35 : i32
      scf.if %cond3A_36 {
        "tpu.region"() ({
          %run_scoped3A = tpu.sem_alloc : memref<!tpu.dma_semaphore, #tpu.memory_space<semaphore_mem>>
          %dma_start3A = arith.constant 9360 : i32
          %dma_start3A_37 = arith.constant 0 : i32
          %dma_start3A_38 = tpu.memref_slice %arg7[%dma_start3A, %dma_start3A_37] : memref<10000x128xf32, #tpu.memory_space<hbm>> -> memref<640x128xf32, #tpu.memory_space<hbm>>
          %dma_start3A_39 = arith.constant 9360 : i32
          %dma_start3A_40 = arith.constant 0 : i32
          %dma_start3A_41 = tpu.memref_slice %arg8[%dma_start3A_39, %dma_start3A_40] : memref<10008x128xf32, #tpu.memory_space<vmem_shared>> -> memref<640x128xf32, #tpu.memory_space<vmem_shared>>
          tpu.enqueue_dma source(%dma_start3A_41 : memref<640x128xf32, #tpu.memory_space<vmem_shared>>) target(%dma_start3A_38 : memref<640x128xf32, #tpu.memory_space<hbm>>) target_semaphore(%run_scoped3A : memref<!tpu.dma_semaphore, #tpu.memory_space<semaphore_mem>>)
          %dma_wait3A = arith.constant 9360 : i32
          %dma_wait3A_42 = arith.constant 0 : i32
          %dma_wait3A_43 = tpu.memref_slice %arg7[%dma_wait3A, %dma_wait3A_42] : memref<10000x128xf32, #tpu.memory_space<hbm>> -> memref<640x128xf32, #tpu.memory_space<hbm>>
          %dma_wait3A_44 = arith.constant 9360 : i32
          %dma_wait3A_45 = arith.constant 0 : i32
          %dma_wait3A_46 = tpu.memref_slice %arg8[%dma_wait3A_44, %dma_wait3A_45] : memref<10008x128xf32, #tpu.memory_space<vmem_shared>> -> memref<640x128xf32, #tpu.memory_space<vmem_shared>>
          tpu.wait_dma2 semaphore(%run_scoped3A : memref<!tpu.dma_semaphore, #tpu.memory_space<semaphore_mem>>) src(%dma_wait3A_46 : memref<640x128xf32, #tpu.memory_space<vmem_shared>>) dst(%dma_wait3A_43 : memref<640x128xf32, #tpu.memory_space<hbm>>)
          tpu.yield
        }) : () -> ()
      } else {
      }
    } else {
    }
    return
  }
}

#map = affine_map<(d0, d1) -> (0, 0)>
#map1 = affine_map<(d0, d1) -> (0)>
module attributes {stable_mosaic.version = 14 : i64} {
  func.func @_dec_body(%arg0: i32, %arg1: i32, %arg2: memref<10000x128xf32, #tpu.memory_space<hbm>>, %arg3: memref<100352xi32, #tpu.memory_space<hbm>>, %arg4: memref<100352xi32, #tpu.memory_space<hbm>>, %arg5: memref<100352x128xf32, #tpu.memory_space<hbm>>, %arg6: memref<100352x128xf32, #tpu.memory_space<hbm>>, %arg7: memref<128xi32, #tpu.memory_space<vmem>>, %arg8: memref<128xi32, #tpu.memory_space<vmem>>, %arg9: memref<128xi32, #tpu.memory_space<vmem>>, %arg10: memref<128xi32, #tpu.memory_space<vmem>>, %arg11: memref<80xi32, #tpu.memory_space<vmem>>, %arg12: memref<80xi32, #tpu.memory_space<vmem>>, %arg13: memref<128x128xf32, #tpu.memory_space<vmem>>, %arg14: memref<128x128xf32, #tpu.memory_space<vmem>>, %arg15: memref<128x128xf32, #tpu.memory_space<vmem>>, %arg16: memref<128x128xf32, #tpu.memory_space<vmem>>, %arg17: memref<80x128xf32, #tpu.memory_space<vmem>>, %arg18: memref<80x128xf32, #tpu.memory_space<vmem>>, %arg19: memref<!tpu.dma_semaphore, #tpu.memory_space<semaphore_mem>>, %arg20: memref<!tpu.dma_semaphore, #tpu.memory_space<semaphore_mem>>, %arg21: memref<!tpu.dma_semaphore, #tpu.memory_space<semaphore_mem>>, %arg22: memref<!tpu.dma_semaphore, #tpu.memory_space<semaphore_mem>>, %arg23: memref<!tpu.dma_semaphore, #tpu.memory_space<semaphore_mem>>, %arg24: memref<!tpu.dma_semaphore, #tpu.memory_space<semaphore_mem>>, %arg25: memref<!tpu.dma_semaphore, #tpu.memory_space<semaphore_mem>>, %arg26: memref<!tpu.dma_semaphore, #tpu.memory_space<semaphore_mem>>) attributes {dimension_semantics = [#tpu.dimension_semantics<core_parallel>, #tpu.dimension_semantics<subcore_parallel>], iteration_bounds = array<i64: 2, 16>, scalar_prefetch = 0 : i64, scratch_operands = 20 : i64, tpu.core_type = #tpu.core_type<sc_vector_subcore>, window_params = [{transform_indices = #map}, {transform_indices = #map1}, {transform_indices = #map1}, {transform_indices = #map}, {transform_indices = #map}]} {
    %eq3A = arith.constant 0 : i32
    %eq3A_0 = arith.cmpi eq, %arg0, %eq3A : i32
    %convert_element_type3A = arith.extui %eq3A_0 : i1 to i32
    %cond3A = arith.constant 0 : i32
    %cond3A_1 = arith.cmpi ne, %convert_element_type3A, %cond3A : i32
    scf.if %cond3A_1 {
      %mul3A = arith.constant 49 : i32
      %mul3A_2 = arith.muli %arg1, %mul3A : i32
      %add3A = arith.constant 0 : i32
      %add3A_3 = arith.addi %mul3A_2, %add3A : i32
      %mul3A_4 = arith.constant 128 : i32
      %mul3A_5 = arith.muli %add3A_3, %mul3A_4 : i32
      %dma_start3A = tpu.memref_slice %arg3[%mul3A_5] : memref<100352xi32, #tpu.memory_space<hbm>> -> memref<128xi32, #tpu.memory_space<hbm>>
      %dma_start3A_6 = tpu.memref_slice %arg3[%mul3A_5] : memref<100352xi32, #tpu.memory_space<hbm>> -> memref<128xi32, #tpu.memory_space<hbm>>
      tpu.enqueue_dma source(%dma_start3A_6 : memref<128xi32, #tpu.memory_space<hbm>>) target(%arg7 : memref<128xi32, #tpu.memory_space<vmem>>) target_semaphore(%arg23 : memref<!tpu.dma_semaphore, #tpu.memory_space<semaphore_mem>>)
      %add3A_7 = arith.constant 0 : i32
      %add3A_8 = arith.addi %mul3A_2, %add3A_7 : i32
      %mul3A_9 = arith.constant 128 : i32
      %mul3A_10 = arith.muli %add3A_8, %mul3A_9 : i32
      %dma_start3A_11 = tpu.memref_slice %arg4[%mul3A_10] : memref<100352xi32, #tpu.memory_space<hbm>> -> memref<128xi32, #tpu.memory_space<hbm>>
      %dma_start3A_12 = tpu.memref_slice %arg4[%mul3A_10] : memref<100352xi32, #tpu.memory_space<hbm>> -> memref<128xi32, #tpu.memory_space<hbm>>
      tpu.enqueue_dma source(%dma_start3A_12 : memref<128xi32, #tpu.memory_space<hbm>>) target(%arg9 : memref<128xi32, #tpu.memory_space<vmem>>) target_semaphore(%arg25 : memref<!tpu.dma_semaphore, #tpu.memory_space<semaphore_mem>>)
      %add3A_13 = arith.constant 0 : i32
      %add3A_14 = arith.addi %mul3A_2, %add3A_13 : i32
      %mul3A_15 = arith.constant 128 : i32
      %mul3A_16 = arith.muli %add3A_14, %mul3A_15 : i32
      %dma_wait3A = tpu.memref_slice %arg3[%mul3A_16] : memref<100352xi32, #tpu.memory_space<hbm>> -> memref<128xi32, #tpu.memory_space<hbm>>
      %dma_wait3A_17 = tpu.memref_slice %arg3[%mul3A_16] : memref<100352xi32, #tpu.memory_space<hbm>> -> memref<128xi32, #tpu.memory_space<hbm>>
      tpu.wait_dma2 semaphore(%arg23 : memref<!tpu.dma_semaphore, #tpu.memory_space<semaphore_mem>>) src(%dma_wait3A_17 : memref<128xi32, #tpu.memory_space<hbm>>) dst(%arg7 : memref<128xi32, #tpu.memory_space<vmem>>)
      %add3A_18 = arith.constant 0 : i32
      %add3A_19 = arith.addi %mul3A_2, %add3A_18 : i32
      %mul3A_20 = arith.constant 128 : i32
      %mul3A_21 = arith.muli %add3A_19, %mul3A_20 : i32
      %dma_wait3A_22 = tpu.memref_slice %arg4[%mul3A_21] : memref<100352xi32, #tpu.memory_space<hbm>> -> memref<128xi32, #tpu.memory_space<hbm>>
      %dma_wait3A_23 = tpu.memref_slice %arg4[%mul3A_21] : memref<100352xi32, #tpu.memory_space<hbm>> -> memref<128xi32, #tpu.memory_space<hbm>>
      tpu.wait_dma2 semaphore(%arg25 : memref<!tpu.dma_semaphore, #tpu.memory_space<semaphore_mem>>) src(%dma_wait3A_23 : memref<128xi32, #tpu.memory_space<hbm>>) dst(%arg9 : memref<128xi32, #tpu.memory_space<vmem>>)
      %dma_start3A_24 = arith.constant 0 : i32
      %dma_start3A_25 = arith.constant 0 : i32
      %dma_start3A_26 = tpu.memref_slice %arg2[%dma_start3A_24, %dma_start3A_25] : memref<10000x128xf32, #tpu.memory_space<hbm>> -> memref<10000x128xf32, #tpu.memory_space<hbm>>
      tpu.enqueue_indirect_dma source(%dma_start3A_26 : memref<10000x128xf32, #tpu.memory_space<hbm>>) target(%arg13 : memref<128x128xf32, #tpu.memory_space<vmem>>) offsets(%arg7 : memref<128xi32, #tpu.memory_space<vmem>>) semaphore(%arg19 : memref<!tpu.dma_semaphore, #tpu.memory_space<semaphore_mem>>)
      %dma_start3A_27 = arith.constant 0 : i32
      %dma_start3A_28 = arith.constant 0 : i32
      %dma_start3A_29 = tpu.memref_slice %arg2[%dma_start3A_27, %dma_start3A_28] : memref<10000x128xf32, #tpu.memory_space<hbm>> -> memref<10000x128xf32, #tpu.memory_space<hbm>>
      tpu.enqueue_indirect_dma source(%dma_start3A_29 : memref<10000x128xf32, #tpu.memory_space<hbm>>) target(%arg15 : memref<128x128xf32, #tpu.memory_space<vmem>>) offsets(%arg9 : memref<128xi32, #tpu.memory_space<vmem>>) semaphore(%arg21 : memref<!tpu.dma_semaphore, #tpu.memory_space<semaphore_mem>>)
      %add3A_30 = arith.constant 1 : i32
      %add3A_31 = arith.addi %mul3A_2, %add3A_30 : i32
      %mul3A_32 = arith.constant 128 : i32
      %mul3A_33 = arith.muli %add3A_31, %mul3A_32 : i32
      %dma_start3A_34 = tpu.memref_slice %arg3[%mul3A_33] : memref<100352xi32, #tpu.memory_space<hbm>> -> memref<128xi32, #tpu.memory_space<hbm>>
      %dma_start3A_35 = tpu.memref_slice %arg3[%mul3A_33] : memref<100352xi32, #tpu.memory_space<hbm>> -> memref<128xi32, #tpu.memory_space<hbm>>
      tpu.enqueue_dma source(%dma_start3A_35 : memref<128xi32, #tpu.memory_space<hbm>>) target(%arg8 : memref<128xi32, #tpu.memory_space<vmem>>) target_semaphore(%arg24 : memref<!tpu.dma_semaphore, #tpu.memory_space<semaphore_mem>>)
      %add3A_36 = arith.constant 1 : i32
      %add3A_37 = arith.addi %mul3A_2, %add3A_36 : i32
      %mul3A_38 = arith.constant 128 : i32
      %mul3A_39 = arith.muli %add3A_37, %mul3A_38 : i32
      %dma_start3A_40 = tpu.memref_slice %arg4[%mul3A_39] : memref<100352xi32, #tpu.memory_space<hbm>> -> memref<128xi32, #tpu.memory_space<hbm>>
      %dma_start3A_41 = tpu.memref_slice %arg4[%mul3A_39] : memref<100352xi32, #tpu.memory_space<hbm>> -> memref<128xi32, #tpu.memory_space<hbm>>
      tpu.enqueue_dma source(%dma_start3A_41 : memref<128xi32, #tpu.memory_space<hbm>>) target(%arg10 : memref<128xi32, #tpu.memory_space<vmem>>) target_semaphore(%arg26 : memref<!tpu.dma_semaphore, #tpu.memory_space<semaphore_mem>>)
      %add3A_42 = arith.constant 1 : i32
      %add3A_43 = arith.addi %mul3A_2, %add3A_42 : i32
      %mul3A_44 = arith.constant 128 : i32
      %mul3A_45 = arith.muli %add3A_43, %mul3A_44 : i32
      %dma_wait3A_46 = tpu.memref_slice %arg3[%mul3A_45] : memref<100352xi32, #tpu.memory_space<hbm>> -> memref<128xi32, #tpu.memory_space<hbm>>
      %dma_wait3A_47 = tpu.memref_slice %arg3[%mul3A_45] : memref<100352xi32, #tpu.memory_space<hbm>> -> memref<128xi32, #tpu.memory_space<hbm>>
      tpu.wait_dma2 semaphore(%arg24 : memref<!tpu.dma_semaphore, #tpu.memory_space<semaphore_mem>>) src(%dma_wait3A_47 : memref<128xi32, #tpu.memory_space<hbm>>) dst(%arg8 : memref<128xi32, #tpu.memory_space<vmem>>)
      %add3A_48 = arith.constant 1 : i32
      %add3A_49 = arith.addi %mul3A_2, %add3A_48 : i32
      %mul3A_50 = arith.constant 128 : i32
      %mul3A_51 = arith.muli %add3A_49, %mul3A_50 : i32
      %dma_wait3A_52 = tpu.memref_slice %arg4[%mul3A_51] : memref<100352xi32, #tpu.memory_space<hbm>> -> memref<128xi32, #tpu.memory_space<hbm>>
      %dma_wait3A_53 = tpu.memref_slice %arg4[%mul3A_51] : memref<100352xi32, #tpu.memory_space<hbm>> -> memref<128xi32, #tpu.memory_space<hbm>>
      tpu.wait_dma2 semaphore(%arg26 : memref<!tpu.dma_semaphore, #tpu.memory_space<semaphore_mem>>) src(%dma_wait3A_53 : memref<128xi32, #tpu.memory_space<hbm>>) dst(%arg10 : memref<128xi32, #tpu.memory_space<vmem>>)
      %dma_start3A_54 = arith.constant 0 : i32
      %dma_start3A_55 = arith.constant 0 : i32
      %dma_start3A_56 = tpu.memref_slice %arg2[%dma_start3A_54, %dma_start3A_55] : memref<10000x128xf32, #tpu.memory_space<hbm>> -> memref<10000x128xf32, #tpu.memory_space<hbm>>
      tpu.enqueue_indirect_dma source(%dma_start3A_56 : memref<10000x128xf32, #tpu.memory_space<hbm>>) target(%arg14 : memref<128x128xf32, #tpu.memory_space<vmem>>) offsets(%arg8 : memref<128xi32, #tpu.memory_space<vmem>>) semaphore(%arg20 : memref<!tpu.dma_semaphore, #tpu.memory_space<semaphore_mem>>)
      %dma_start3A_57 = arith.constant 0 : i32
      %dma_start3A_58 = arith.constant 0 : i32
      %dma_start3A_59 = tpu.memref_slice %arg2[%dma_start3A_57, %dma_start3A_58] : memref<10000x128xf32, #tpu.memory_space<hbm>> -> memref<10000x128xf32, #tpu.memory_space<hbm>>
      tpu.enqueue_indirect_dma source(%dma_start3A_59 : memref<10000x128xf32, #tpu.memory_space<hbm>>) target(%arg16 : memref<128x128xf32, #tpu.memory_space<vmem>>) offsets(%arg10 : memref<128xi32, #tpu.memory_space<vmem>>) semaphore(%arg22 : memref<!tpu.dma_semaphore, #tpu.memory_space<semaphore_mem>>)
      %scan3A = arith.constant 0 : i32
      %scan3A_60 = arith.constant 0 : i32
      %scan3A_61 = arith.constant 24 : i32
      %scan3A_62 = arith.addi %scan3A_60, %scan3A_61 : i32
      %scan3A_63 = arith.constant 1 : i32
      scf.for %scan3A_75 = %scan3A_60 to %scan3A_62 step %scan3A_63  : i32 {
        %mul3A_76 = arith.constant 2 : i32
        %mul3A_77 = arith.muli %mul3A_76, %scan3A_75 : i32
        %dma_wait3A_78 = arith.constant 0 : i32
        %dma_wait3A_79 = arith.constant 0 : i32
        %dma_wait3A_80 = tpu.memref_slice %arg2[%dma_wait3A_78, %dma_wait3A_79] : memref<10000x128xf32, #tpu.memory_space<hbm>> -> memref<10000x128xf32, #tpu.memory_space<hbm>>
        tpu.wait_indirect_dma semaphore(%arg19 : memref<!tpu.dma_semaphore, #tpu.memory_space<semaphore_mem>>) src(%dma_wait3A_80 : memref<10000x128xf32, #tpu.memory_space<hbm>>) dst(%arg13 : memref<128x128xf32, #tpu.memory_space<vmem>>)
        %dma_wait3A_81 = arith.constant 0 : i32
        %dma_wait3A_82 = arith.constant 0 : i32
        %dma_wait3A_83 = tpu.memref_slice %arg2[%dma_wait3A_81, %dma_wait3A_82] : memref<10000x128xf32, #tpu.memory_space<hbm>> -> memref<10000x128xf32, #tpu.memory_space<hbm>>
        tpu.wait_indirect_dma semaphore(%arg21 : memref<!tpu.dma_semaphore, #tpu.memory_space<semaphore_mem>>) src(%dma_wait3A_83 : memref<10000x128xf32, #tpu.memory_space<hbm>>) dst(%arg15 : memref<128x128xf32, #tpu.memory_space<vmem>>)
        %add3A_84 = arith.addi %mul3A_2, %mul3A_77 : i32
        %mul3A_85 = arith.constant 128 : i32
        %mul3A_86 = arith.muli %add3A_84, %mul3A_85 : i32
        "tpu.region"() ({
          %run_scoped3A = tpu.sem_alloc : memref<!tpu.dma_semaphore, #tpu.memory_space<semaphore_mem>>
          %dma_start3A_111 = arith.constant 0 : i32
          %dma_start3A_112 = tpu.memref_slice %arg5[%mul3A_86, %dma_start3A_111] : memref<100352x128xf32, #tpu.memory_space<hbm>> -> memref<128x128xf32, #tpu.memory_space<hbm>>
          %dma_start3A_113 = arith.constant 0 : i32
          %dma_start3A_114 = tpu.memref_slice %arg5[%mul3A_86, %dma_start3A_113] : memref<100352x128xf32, #tpu.memory_space<hbm>> -> memref<128x128xf32, #tpu.memory_space<hbm>>
          tpu.enqueue_dma source(%arg13 : memref<128x128xf32, #tpu.memory_space<vmem>>) target(%dma_start3A_114 : memref<128x128xf32, #tpu.memory_space<hbm>>) target_semaphore(%run_scoped3A : memref<!tpu.dma_semaphore, #tpu.memory_space<semaphore_mem>>)
          %dma_wait3A_115 = arith.constant 0 : i32
          %dma_wait3A_116 = tpu.memref_slice %arg5[%mul3A_86, %dma_wait3A_115] : memref<100352x128xf32, #tpu.memory_space<hbm>> -> memref<128x128xf32, #tpu.memory_space<hbm>>
          %dma_wait3A_117 = arith.constant 0 : i32
          %dma_wait3A_118 = tpu.memref_slice %arg5[%mul3A_86, %dma_wait3A_117] : memref<100352x128xf32, #tpu.memory_space<hbm>> -> memref<128x128xf32, #tpu.memory_space<hbm>>
          tpu.wait_dma2 semaphore(%run_scoped3A : memref<!tpu.dma_semaphore, #tpu.memory_space<semaphore_mem>>) src(%arg13 : memref<128x128xf32, #tpu.memory_space<vmem>>) dst(%dma_wait3A_118 : memref<128x128xf32, #tpu.memory_space<hbm>>)
          tpu.yield
        }) : () -> ()
        "tpu.region"() ({
          %run_scoped3A = tpu.sem_alloc : memref<!tpu.dma_semaphore, #tpu.memory_space<semaphore_mem>>
          %dma_start3A_111 = arith.constant 0 : i32
          %dma_start3A_112 = tpu.memref_slice %arg6[%mul3A_86, %dma_start3A_111] : memref<100352x128xf32, #tpu.memory_space<hbm>> -> memref<128x128xf32, #tpu.memory_space<hbm>>
          %dma_start3A_113 = arith.constant 0 : i32
          %dma_start3A_114 = tpu.memref_slice %arg6[%mul3A_86, %dma_start3A_113] : memref<100352x128xf32, #tpu.memory_space<hbm>> -> memref<128x128xf32, #tpu.memory_space<hbm>>
          tpu.enqueue_dma source(%arg15 : memref<128x128xf32, #tpu.memory_space<vmem>>) target(%dma_start3A_114 : memref<128x128xf32, #tpu.memory_space<hbm>>) target_semaphore(%run_scoped3A : memref<!tpu.dma_semaphore, #tpu.memory_space<semaphore_mem>>)
          %dma_wait3A_115 = arith.constant 0 : i32
          %dma_wait3A_116 = tpu.memref_slice %arg6[%mul3A_86, %dma_wait3A_115] : memref<100352x128xf32, #tpu.memory_space<hbm>> -> memref<128x128xf32, #tpu.memory_space<hbm>>
          %dma_wait3A_117 = arith.constant 0 : i32
          %dma_wait3A_118 = tpu.memref_slice %arg6[%mul3A_86, %dma_wait3A_117] : memref<100352x128xf32, #tpu.memory_space<hbm>> -> memref<128x128xf32, #tpu.memory_space<hbm>>
          tpu.wait_dma2 semaphore(%run_scoped3A : memref<!tpu.dma_semaphore, #tpu.memory_space<semaphore_mem>>) src(%arg15 : memref<128x128xf32, #tpu.memory_space<vmem>>) dst(%dma_wait3A_118 : memref<128x128xf32, #tpu.memory_space<hbm>>)
          tpu.yield
        }) : () -> ()
        %add3A_87 = arith.constant 2 : i32
        %add3A_88 = arith.addi %mul3A_77, %add3A_87 : i32
        %lt3A = arith.constant 49 : i32
        %lt3A_89 = arith.cmpi slt, %add3A_88, %lt3A : i32
        %convert_element_type3A_90 = arith.extui %lt3A_89 : i1 to i32
        %cond3A_91 = arith.constant 0 : i32
        %cond3A_92 = arith.cmpi ne, %convert_element_type3A_90, %cond3A_91 : i32
        scf.if %cond3A_92 {
          %add3A_111 = arith.constant 2 : i32
          %add3A_112 = arith.addi %mul3A_77, %add3A_111 : i32
          %add3A_113 = arith.addi %mul3A_2, %add3A_112 : i32
          %mul3A_114 = arith.constant 128 : i32
          %mul3A_115 = arith.muli %add3A_113, %mul3A_114 : i32
          %dma_start3A_116 = tpu.memref_slice %arg3[%mul3A_115] : memref<100352xi32, #tpu.memory_space<hbm>> -> memref<128xi32, #tpu.memory_space<hbm>>
          %dma_start3A_117 = tpu.memref_slice %arg3[%mul3A_115] : memref<100352xi32, #tpu.memory_space<hbm>> -> memref<128xi32, #tpu.memory_space<hbm>>
          tpu.enqueue_dma source(%dma_start3A_117 : memref<128xi32, #tpu.memory_space<hbm>>) target(%arg7 : memref<128xi32, #tpu.memory_space<vmem>>) target_semaphore(%arg23 : memref<!tpu.dma_semaphore, #tpu.memory_space<semaphore_mem>>)
          %add3A_118 = arith.addi %mul3A_2, %add3A_112 : i32
          %mul3A_119 = arith.constant 128 : i32
          %mul3A_120 = arith.muli %add3A_118, %mul3A_119 : i32
          %dma_start3A_121 = tpu.memref_slice %arg4[%mul3A_120] : memref<100352xi32, #tpu.memory_space<hbm>> -> memref<128xi32, #tpu.memory_space<hbm>>
          %dma_start3A_122 = tpu.memref_slice %arg4[%mul3A_120] : memref<100352xi32, #tpu.memory_space<hbm>> -> memref<128xi32, #tpu.memory_space<hbm>>
          tpu.enqueue_dma source(%dma_start3A_122 : memref<128xi32, #tpu.memory_space<hbm>>) target(%arg9 : memref<128xi32, #tpu.memory_space<vmem>>) target_semaphore(%arg25 : memref<!tpu.dma_semaphore, #tpu.memory_space<semaphore_mem>>)
          %add3A_123 = arith.constant 2 : i32
          %add3A_124 = arith.addi %mul3A_77, %add3A_123 : i32
          %add3A_125 = arith.addi %mul3A_2, %add3A_124 : i32
          %mul3A_126 = arith.constant 128 : i32
          %mul3A_127 = arith.muli %add3A_125, %mul3A_126 : i32
          %dma_wait3A_128 = tpu.memref_slice %arg3[%mul3A_127] : memref<100352xi32, #tpu.memory_space<hbm>> -> memref<128xi32, #tpu.memory_space<hbm>>
          %dma_wait3A_129 = tpu.memref_slice %arg3[%mul3A_127] : memref<100352xi32, #tpu.memory_space<hbm>> -> memref<128xi32, #tpu.memory_space<hbm>>
          tpu.wait_dma2 semaphore(%arg23 : memref<!tpu.dma_semaphore, #tpu.memory_space<semaphore_mem>>) src(%dma_wait3A_129 : memref<128xi32, #tpu.memory_space<hbm>>) dst(%arg7 : memref<128xi32, #tpu.memory_space<vmem>>)
          %add3A_130 = arith.addi %mul3A_2, %add3A_124 : i32
          %mul3A_131 = arith.constant 128 : i32
          %mul3A_132 = arith.muli %add3A_130, %mul3A_131 : i32
          %dma_wait3A_133 = tpu.memref_slice %arg4[%mul3A_132] : memref<100352xi32, #tpu.memory_space<hbm>> -> memref<128xi32, #tpu.memory_space<hbm>>
          %dma_wait3A_134 = tpu.memref_slice %arg4[%mul3A_132] : memref<100352xi32, #tpu.memory_space<hbm>> -> memref<128xi32, #tpu.memory_space<hbm>>
          tpu.wait_dma2 semaphore(%arg25 : memref<!tpu.dma_semaphore, #tpu.memory_space<semaphore_mem>>) src(%dma_wait3A_134 : memref<128xi32, #tpu.memory_space<hbm>>) dst(%arg9 : memref<128xi32, #tpu.memory_space<vmem>>)
          %dma_start3A_135 = arith.constant 0 : i32
          %dma_start3A_136 = arith.constant 0 : i32
          %dma_start3A_137 = tpu.memref_slice %arg2[%dma_start3A_135, %dma_start3A_136] : memref<10000x128xf32, #tpu.memory_space<hbm>> -> memref<10000x128xf32, #tpu.memory_space<hbm>>
          tpu.enqueue_indirect_dma source(%dma_start3A_137 : memref<10000x128xf32, #tpu.memory_space<hbm>>) target(%arg13 : memref<128x128xf32, #tpu.memory_space<vmem>>) offsets(%arg7 : memref<128xi32, #tpu.memory_space<vmem>>) semaphore(%arg19 : memref<!tpu.dma_semaphore, #tpu.memory_space<semaphore_mem>>)
          %dma_start3A_138 = arith.constant 0 : i32
          %dma_start3A_139 = arith.constant 0 : i32
          %dma_start3A_140 = tpu.memref_slice %arg2[%dma_start3A_138, %dma_start3A_139] : memref<10000x128xf32, #tpu.memory_space<hbm>> -> memref<10000x128xf32, #tpu.memory_space<hbm>>
          tpu.enqueue_indirect_dma source(%dma_start3A_140 : memref<10000x128xf32, #tpu.memory_space<hbm>>) target(%arg15 : memref<128x128xf32, #tpu.memory_space<vmem>>) offsets(%arg9 : memref<128xi32, #tpu.memory_space<vmem>>) semaphore(%arg21 : memref<!tpu.dma_semaphore, #tpu.memory_space<semaphore_mem>>)
        } else {
        }
        %dma_wait3A_93 = arith.constant 0 : i32
        %dma_wait3A_94 = arith.constant 0 : i32
        %dma_wait3A_95 = tpu.memref_slice %arg2[%dma_wait3A_93, %dma_wait3A_94] : memref<10000x128xf32, #tpu.memory_space<hbm>> -> memref<10000x128xf32, #tpu.memory_space<hbm>>
        tpu.wait_indirect_dma semaphore(%arg20 : memref<!tpu.dma_semaphore, #tpu.memory_space<semaphore_mem>>) src(%dma_wait3A_95 : memref<10000x128xf32, #tpu.memory_space<hbm>>) dst(%arg14 : memref<128x128xf32, #tpu.memory_space<vmem>>)
        %dma_wait3A_96 = arith.constant 0 : i32
        %dma_wait3A_97 = arith.constant 0 : i32
        %dma_wait3A_98 = tpu.memref_slice %arg2[%dma_wait3A_96, %dma_wait3A_97] : memref<10000x128xf32, #tpu.memory_space<hbm>> -> memref<10000x128xf32, #tpu.memory_space<hbm>>
        tpu.wait_indirect_dma semaphore(%arg22 : memref<!tpu.dma_semaphore, #tpu.memory_space<semaphore_mem>>) src(%dma_wait3A_98 : memref<10000x128xf32, #tpu.memory_space<hbm>>) dst(%arg16 : memref<128x128xf32, #tpu.memory_space<vmem>>)
        %add3A_99 = arith.constant 1 : i32
        %add3A_100 = arith.addi %mul3A_77, %add3A_99 : i32
        %add3A_101 = arith.addi %mul3A_2, %add3A_100 : i32
        %mul3A_102 = arith.constant 128 : i32
        %mul3A_103 = arith.muli %add3A_101, %mul3A_102 : i32
        "tpu.region"() ({
          %run_scoped3A = tpu.sem_alloc : memref<!tpu.dma_semaphore, #tpu.memory_space<semaphore_mem>>
          %dma_start3A_111 = arith.constant 0 : i32
          %dma_start3A_112 = tpu.memref_slice %arg5[%mul3A_103, %dma_start3A_111] : memref<100352x128xf32, #tpu.memory_space<hbm>> -> memref<128x128xf32, #tpu.memory_space<hbm>>
          %dma_start3A_113 = arith.constant 0 : i32
          %dma_start3A_114 = tpu.memref_slice %arg5[%mul3A_103, %dma_start3A_113] : memref<100352x128xf32, #tpu.memory_space<hbm>> -> memref<128x128xf32, #tpu.memory_space<hbm>>
          tpu.enqueue_dma source(%arg14 : memref<128x128xf32, #tpu.memory_space<vmem>>) target(%dma_start3A_114 : memref<128x128xf32, #tpu.memory_space<hbm>>) target_semaphore(%run_scoped3A : memref<!tpu.dma_semaphore, #tpu.memory_space<semaphore_mem>>)
          %dma_wait3A_115 = arith.constant 0 : i32
          %dma_wait3A_116 = tpu.memref_slice %arg5[%mul3A_103, %dma_wait3A_115] : memref<100352x128xf32, #tpu.memory_space<hbm>> -> memref<128x128xf32, #tpu.memory_space<hbm>>
          %dma_wait3A_117 = arith.constant 0 : i32
          %dma_wait3A_118 = tpu.memref_slice %arg5[%mul3A_103, %dma_wait3A_117] : memref<100352x128xf32, #tpu.memory_space<hbm>> -> memref<128x128xf32, #tpu.memory_space<hbm>>
          tpu.wait_dma2 semaphore(%run_scoped3A : memref<!tpu.dma_semaphore, #tpu.memory_space<semaphore_mem>>) src(%arg14 : memref<128x128xf32, #tpu.memory_space<vmem>>) dst(%dma_wait3A_118 : memref<128x128xf32, #tpu.memory_space<hbm>>)
          tpu.yield
        }) : () -> ()
        "tpu.region"() ({
          %run_scoped3A = tpu.sem_alloc : memref<!tpu.dma_semaphore, #tpu.memory_space<semaphore_mem>>
          %dma_start3A_111 = arith.constant 0 : i32
          %dma_start3A_112 = tpu.memref_slice %arg6[%mul3A_103, %dma_start3A_111] : memref<100352x128xf32, #tpu.memory_space<hbm>> -> memref<128x128xf32, #tpu.memory_space<hbm>>
          %dma_start3A_113 = arith.constant 0 : i32
          %dma_start3A_114 = tpu.memref_slice %arg6[%mul3A_103, %dma_start3A_113] : memref<100352x128xf32, #tpu.memory_space<hbm>> -> memref<128x128xf32, #tpu.memory_space<hbm>>
          tpu.enqueue_dma source(%arg16 : memref<128x128xf32, #tpu.memory_space<vmem>>) target(%dma_start3A_114 : memref<128x128xf32, #tpu.memory_space<hbm>>) target_semaphore(%run_scoped3A : memref<!tpu.dma_semaphore, #tpu.memory_space<semaphore_mem>>)
          %dma_wait3A_115 = arith.constant 0 : i32
          %dma_wait3A_116 = tpu.memref_slice %arg6[%mul3A_103, %dma_wait3A_115] : memref<100352x128xf32, #tpu.memory_space<hbm>> -> memref<128x128xf32, #tpu.memory_space<hbm>>
          %dma_wait3A_117 = arith.constant 0 : i32
          %dma_wait3A_118 = tpu.memref_slice %arg6[%mul3A_103, %dma_wait3A_117] : memref<100352x128xf32, #tpu.memory_space<hbm>> -> memref<128x128xf32, #tpu.memory_space<hbm>>
          tpu.wait_dma2 semaphore(%run_scoped3A : memref<!tpu.dma_semaphore, #tpu.memory_space<semaphore_mem>>) src(%arg16 : memref<128x128xf32, #tpu.memory_space<vmem>>) dst(%dma_wait3A_118 : memref<128x128xf32, #tpu.memory_space<hbm>>)
          tpu.yield
        }) : () -> ()
        %add3A_104 = arith.constant 3 : i32
        %add3A_105 = arith.addi %mul3A_77, %add3A_104 : i32
        %lt3A_106 = arith.constant 49 : i32
        %lt3A_107 = arith.cmpi slt, %add3A_105, %lt3A_106 : i32
        %convert_element_type3A_108 = arith.extui %lt3A_107 : i1 to i32
        %cond3A_109 = arith.constant 0 : i32
        %cond3A_110 = arith.cmpi ne, %convert_element_type3A_108, %cond3A_109 : i32
        scf.if %cond3A_110 {
          %add3A_111 = arith.constant 3 : i32
          %add3A_112 = arith.addi %mul3A_77, %add3A_111 : i32
          %add3A_113 = arith.addi %mul3A_2, %add3A_112 : i32
          %mul3A_114 = arith.constant 128 : i32
          %mul3A_115 = arith.muli %add3A_113, %mul3A_114 : i32
          %dma_start3A_116 = tpu.memref_slice %arg3[%mul3A_115] : memref<100352xi32, #tpu.memory_space<hbm>> -> memref<128xi32, #tpu.memory_space<hbm>>
          %dma_start3A_117 = tpu.memref_slice %arg3[%mul3A_115] : memref<100352xi32, #tpu.memory_space<hbm>> -> memref<128xi32, #tpu.memory_space<hbm>>
          tpu.enqueue_dma source(%dma_start3A_117 : memref<128xi32, #tpu.memory_space<hbm>>) target(%arg8 : memref<128xi32, #tpu.memory_space<vmem>>) target_semaphore(%arg24 : memref<!tpu.dma_semaphore, #tpu.memory_space<semaphore_mem>>)
          %add3A_118 = arith.addi %mul3A_2, %add3A_112 : i32
          %mul3A_119 = arith.constant 128 : i32
          %mul3A_120 = arith.muli %add3A_118, %mul3A_119 : i32
          %dma_start3A_121 = tpu.memref_slice %arg4[%mul3A_120] : memref<100352xi32, #tpu.memory_space<hbm>> -> memref<128xi32, #tpu.memory_space<hbm>>
          %dma_start3A_122 = tpu.memref_slice %arg4[%mul3A_120] : memref<100352xi32, #tpu.memory_space<hbm>> -> memref<128xi32, #tpu.memory_space<hbm>>
          tpu.enqueue_dma source(%dma_start3A_122 : memref<128xi32, #tpu.memory_space<hbm>>) target(%arg10 : memref<128xi32, #tpu.memory_space<vmem>>) target_semaphore(%arg26 : memref<!tpu.dma_semaphore, #tpu.memory_space<semaphore_mem>>)
          %add3A_123 = arith.constant 3 : i32
          %add3A_124 = arith.addi %mul3A_77, %add3A_123 : i32
          %add3A_125 = arith.addi %mul3A_2, %add3A_124 : i32
          %mul3A_126 = arith.constant 128 : i32
          %mul3A_127 = arith.muli %add3A_125, %mul3A_126 : i32
          %dma_wait3A_128 = tpu.memref_slice %arg3[%mul3A_127] : memref<100352xi32, #tpu.memory_space<hbm>> -> memref<128xi32, #tpu.memory_space<hbm>>
          %dma_wait3A_129 = tpu.memref_slice %arg3[%mul3A_127] : memref<100352xi32, #tpu.memory_space<hbm>> -> memref<128xi32, #tpu.memory_space<hbm>>
          tpu.wait_dma2 semaphore(%arg24 : memref<!tpu.dma_semaphore, #tpu.memory_space<semaphore_mem>>) src(%dma_wait3A_129 : memref<128xi32, #tpu.memory_space<hbm>>) dst(%arg8 : memref<128xi32, #tpu.memory_space<vmem>>)
          %add3A_130 = arith.addi %mul3A_2, %add3A_124 : i32
          %mul3A_131 = arith.constant 128 : i32
          %mul3A_132 = arith.muli %add3A_130, %mul3A_131 : i32
          %dma_wait3A_133 = tpu.memref_slice %arg4[%mul3A_132] : memref<100352xi32, #tpu.memory_space<hbm>> -> memref<128xi32, #tpu.memory_space<hbm>>
          %dma_wait3A_134 = tpu.memref_slice %arg4[%mul3A_132] : memref<100352xi32, #tpu.memory_space<hbm>> -> memref<128xi32, #tpu.memory_space<hbm>>
          tpu.wait_dma2 semaphore(%arg26 : memref<!tpu.dma_semaphore, #tpu.memory_space<semaphore_mem>>) src(%dma_wait3A_134 : memref<128xi32, #tpu.memory_space<hbm>>) dst(%arg10 : memref<128xi32, #tpu.memory_space<vmem>>)
          %dma_start3A_135 = arith.constant 0 : i32
          %dma_start3A_136 = arith.constant 0 : i32
          %dma_start3A_137 = tpu.memref_slice %arg2[%dma_start3A_135, %dma_start3A_136] : memref<10000x128xf32, #tpu.memory_space<hbm>> -> memref<10000x128xf32, #tpu.memory_space<hbm>>
          tpu.enqueue_indirect_dma source(%dma_start3A_137 : memref<10000x128xf32, #tpu.memory_space<hbm>>) target(%arg14 : memref<128x128xf32, #tpu.memory_space<vmem>>) offsets(%arg8 : memref<128xi32, #tpu.memory_space<vmem>>) semaphore(%arg20 : memref<!tpu.dma_semaphore, #tpu.memory_space<semaphore_mem>>)
          %dma_start3A_138 = arith.constant 0 : i32
          %dma_start3A_139 = arith.constant 0 : i32
          %dma_start3A_140 = tpu.memref_slice %arg2[%dma_start3A_138, %dma_start3A_139] : memref<10000x128xf32, #tpu.memory_space<hbm>> -> memref<10000x128xf32, #tpu.memory_space<hbm>>
          tpu.enqueue_indirect_dma source(%dma_start3A_140 : memref<10000x128xf32, #tpu.memory_space<hbm>>) target(%arg16 : memref<128x128xf32, #tpu.memory_space<vmem>>) offsets(%arg10 : memref<128xi32, #tpu.memory_space<vmem>>) semaphore(%arg22 : memref<!tpu.dma_semaphore, #tpu.memory_space<semaphore_mem>>)
        } else {
        }
      }
      %scan3A_64 = arith.constant 24 : i32
      %dma_wait3A_65 = arith.constant 0 : i32
      %dma_wait3A_66 = arith.constant 0 : i32
      %dma_wait3A_67 = tpu.memref_slice %arg2[%dma_wait3A_65, %dma_wait3A_66] : memref<10000x128xf32, #tpu.memory_space<hbm>> -> memref<10000x128xf32, #tpu.memory_space<hbm>>
      tpu.wait_indirect_dma semaphore(%arg19 : memref<!tpu.dma_semaphore, #tpu.memory_space<semaphore_mem>>) src(%dma_wait3A_67 : memref<10000x128xf32, #tpu.memory_space<hbm>>) dst(%arg13 : memref<128x128xf32, #tpu.memory_space<vmem>>)
      %dma_wait3A_68 = arith.constant 0 : i32
      %dma_wait3A_69 = arith.constant 0 : i32
      %dma_wait3A_70 = tpu.memref_slice %arg2[%dma_wait3A_68, %dma_wait3A_69] : memref<10000x128xf32, #tpu.memory_space<hbm>> -> memref<10000x128xf32, #tpu.memory_space<hbm>>
      tpu.wait_indirect_dma semaphore(%arg21 : memref<!tpu.dma_semaphore, #tpu.memory_space<semaphore_mem>>) src(%dma_wait3A_70 : memref<10000x128xf32, #tpu.memory_space<hbm>>) dst(%arg15 : memref<128x128xf32, #tpu.memory_space<vmem>>)
      %add3A_71 = arith.constant 48 : i32
      %add3A_72 = arith.addi %mul3A_2, %add3A_71 : i32
      %mul3A_73 = arith.constant 128 : i32
      %mul3A_74 = arith.muli %add3A_72, %mul3A_73 : i32
      "tpu.region"() ({
        %run_scoped3A = tpu.sem_alloc : memref<!tpu.dma_semaphore, #tpu.memory_space<semaphore_mem>>
        %dma_start3A_75 = arith.constant 0 : i32
        %dma_start3A_76 = tpu.memref_slice %arg5[%mul3A_74, %dma_start3A_75] : memref<100352x128xf32, #tpu.memory_space<hbm>> -> memref<128x128xf32, #tpu.memory_space<hbm>>
        %dma_start3A_77 = arith.constant 0 : i32
        %dma_start3A_78 = tpu.memref_slice %arg5[%mul3A_74, %dma_start3A_77] : memref<100352x128xf32, #tpu.memory_space<hbm>> -> memref<128x128xf32, #tpu.memory_space<hbm>>
        tpu.enqueue_dma source(%arg13 : memref<128x128xf32, #tpu.memory_space<vmem>>) target(%dma_start3A_78 : memref<128x128xf32, #tpu.memory_space<hbm>>) target_semaphore(%run_scoped3A : memref<!tpu.dma_semaphore, #tpu.memory_space<semaphore_mem>>)
        %dma_wait3A_79 = arith.constant 0 : i32
        %dma_wait3A_80 = tpu.memref_slice %arg5[%mul3A_74, %dma_wait3A_79] : memref<100352x128xf32, #tpu.memory_space<hbm>> -> memref<128x128xf32, #tpu.memory_space<hbm>>
        %dma_wait3A_81 = arith.constant 0 : i32
        %dma_wait3A_82 = tpu.memref_slice %arg5[%mul3A_74, %dma_wait3A_81] : memref<100352x128xf32, #tpu.memory_space<hbm>> -> memref<128x128xf32, #tpu.memory_space<hbm>>
        tpu.wait_dma2 semaphore(%run_scoped3A : memref<!tpu.dma_semaphore, #tpu.memory_space<semaphore_mem>>) src(%arg13 : memref<128x128xf32, #tpu.memory_space<vmem>>) dst(%dma_wait3A_82 : memref<128x128xf32, #tpu.memory_space<hbm>>)
        tpu.yield
      }) : () -> ()
      "tpu.region"() ({
        %run_scoped3A = tpu.sem_alloc : memref<!tpu.dma_semaphore, #tpu.memory_space<semaphore_mem>>
        %dma_start3A_75 = arith.constant 0 : i32
        %dma_start3A_76 = tpu.memref_slice %arg6[%mul3A_74, %dma_start3A_75] : memref<100352x128xf32, #tpu.memory_space<hbm>> -> memref<128x128xf32, #tpu.memory_space<hbm>>
        %dma_start3A_77 = arith.constant 0 : i32
        %dma_start3A_78 = tpu.memref_slice %arg6[%mul3A_74, %dma_start3A_77] : memref<100352x128xf32, #tpu.memory_space<hbm>> -> memref<128x128xf32, #tpu.memory_space<hbm>>
        tpu.enqueue_dma source(%arg15 : memref<128x128xf32, #tpu.memory_space<vmem>>) target(%dma_start3A_78 : memref<128x128xf32, #tpu.memory_space<hbm>>) target_semaphore(%run_scoped3A : memref<!tpu.dma_semaphore, #tpu.memory_space<semaphore_mem>>)
        %dma_wait3A_79 = arith.constant 0 : i32
        %dma_wait3A_80 = tpu.memref_slice %arg6[%mul3A_74, %dma_wait3A_79] : memref<100352x128xf32, #tpu.memory_space<hbm>> -> memref<128x128xf32, #tpu.memory_space<hbm>>
        %dma_wait3A_81 = arith.constant 0 : i32
        %dma_wait3A_82 = tpu.memref_slice %arg6[%mul3A_74, %dma_wait3A_81] : memref<100352x128xf32, #tpu.memory_space<hbm>> -> memref<128x128xf32, #tpu.memory_space<hbm>>
        tpu.wait_dma2 semaphore(%run_scoped3A : memref<!tpu.dma_semaphore, #tpu.memory_space<semaphore_mem>>) src(%arg15 : memref<128x128xf32, #tpu.memory_space<vmem>>) dst(%dma_wait3A_82 : memref<128x128xf32, #tpu.memory_space<hbm>>)
        tpu.yield
      }) : () -> ()
    } else {
    }
    return
  }
}

module attributes {stable_mosaic.version = 14 : i64} {
  func.func @body(%arg0: i32, %arg1: memref<1000x128xf32, #tpu.memory_space<vmem>>, %arg2: memref<128x128xf32, #tpu.memory_space<vmem>>, %arg3: memref<1000x1xf32, #tpu.memory_space<vmem>>, %arg4: memref<1000x1xf32, #tpu.memory_space<vmem>>, %arg5: memref<1000x128xf32, #tpu.memory_space<vmem>>) attributes {dimension_semantics = [#tpu.dimension_semantics<arbitrary>], iteration_bounds = array<i64: 10>, scalar_prefetch = 0 : i64, scratch_operands = 0 : i64, tpu.core_type = #tpu.core_type<tc>, window_params = [{transform_indices = @transform_0, window_bounds = array<i64: 1000, 128>}, {pipeline_mode = #tpu.pipeline_mode<synchronous>, transform_indices = @transform_1, window_bounds = array<i64: 128, 128>}, {transform_indices = @transform_2, window_bounds = array<i64: 1000, 1>}, {transform_indices = @transform_3, window_bounds = array<i64: 1000, 1>}, {transform_indices = @transform_4, window_bounds = array<i64: 1000, 128>}]} {
    %get3A = arith.constant 0 : index
    %get3A_0 = arith.constant 0 : index
    %get3A_1 = vector.load %arg1[%get3A, %get3A_0] : memref<1000x128xf32, #tpu.memory_space<vmem>>, vector<1000x128xf32>
    %get3A_2 = arith.constant 0 : index
    %get3A_3 = arith.constant 0 : index
    %get3A_4 = vector.load %arg2[%get3A_2, %get3A_3] : memref<128x128xf32, #tpu.memory_space<vmem>>, vector<128x128xf32>
    %dot_general3A = arith.constant dense<0.000000e+00> : vector<1000x128xf32>
    %dot_general3A_5 = tpu.matmul %get3A_1, %get3A_4, %dot_general3A {dimension_numbers = #tpu.dot_dimension_numbers<[1], [0], [0], [1], [0, 0, 1, 1], [], []>, transpose_lhs_hint = false} : vector<1000x128xf32>, vector<128x128xf32>, vector<1000x128xf32> -> vector<1000x128xf32>
    %get3A_6 = arith.constant 0 : index
    %get3A_7 = arith.constant 0 : index
    %get3A_8 = vector.load %arg3[%get3A_6, %get3A_7] : memref<1000x1xf32, #tpu.memory_space<vmem>>, vector<1000x1xf32>
    %get3A_9 = arith.constant 0 : index
    %get3A_10 = arith.constant 0 : index
    %get3A_11 = vector.load %arg4[%get3A_9, %get3A_10] : memref<1000x1xf32, #tpu.memory_space<vmem>>, vector<1000x1xf32>
    %add3A = arith.addf %get3A_8, %get3A_11 : vector<1000x1xf32>
    %add3A_12 = arith.constant 1.000000e+00 : f32
    %add3A_13 = vector.broadcast %add3A_12 : f32 to vector<1000x1xf32>
    %add3A_14 = arith.addf %add3A, %add3A_13 : vector<1000x1xf32>
    %rsqrt3A = math.rsqrt %add3A_14 : vector<1000x1xf32>
    %mul3A = vector.broadcast %rsqrt3A : vector<1000x1xf32> to vector<1000x128xf32>
    %mul3A_15 = arith.mulf %dot_general3A_5, %mul3A : vector<1000x128xf32>
    %swap3A = arith.constant 0 : index
    %swap3A_16 = arith.constant 0 : index
    %swap3A_17 = vector.load %arg5[%swap3A, %swap3A_16] : memref<1000x128xf32, #tpu.memory_space<vmem>>, vector<1000x128xf32>
    tpu.vector_store %arg5[%swap3A, %swap3A_16], %mul3A_15 {strides = array<i32>} : memref<1000x128xf32, #tpu.memory_space<vmem>>, vector<1000x128xf32>,
    return
  }
  func.func @transform_0(%arg0: i32) -> (i32, i32) {
    %c0_i32 = arith.constant 0 : i32
    %c0_i32_0 = arith.constant 0 : i32
    return %arg0, %c0_i32 : i32, i32
  }
  func.func @transform_1(%arg0: i32) -> (i32, i32) {
    %c0_i32 = arith.constant 0 : i32
    %c0_i32_0 = arith.constant 0 : i32
    %c0_i32_1 = arith.constant 0 : i32
    return %c0_i32, %c0_i32_0 : i32, i32
  }
  func.func @transform_2(%arg0: i32) -> (i32, i32) {
    %c0_i32 = arith.constant 0 : i32
    %c0_i32_0 = arith.constant 0 : i32
    return %arg0, %c0_i32 : i32, i32
  }
  func.func @transform_3(%arg0: i32) -> (i32, i32) {
    %c0_i32 = arith.constant 0 : i32
    %c0_i32_0 = arith.constant 0 : i32
    return %arg0, %c0_i32 : i32, i32
  }
  func.func @transform_4(%arg0: i32) -> (i32, i32) {
    %c0_i32 = arith.constant 0 : i32
    %c0_i32_0 = arith.constant 0 : i32
    return %arg0, %c0_i32 : i32, i32
  }
}

module attributes {stable_mosaic.version = 14 : i64} {
  func.func @body(%arg0: i32, %arg1: memref<1000x128xf32, #tpu.memory_space<vmem>>, %arg2: memref<1000x128xf32, #tpu.memory_space<vmem>>, %arg3: memref<1000x1xf32, #tpu.memory_space<vmem>>, %arg4: memref<1000x1xf32, #tpu.memory_space<vmem>>, %arg5: memref<128xf32, #tpu.memory_space<vmem>>, %arg6: memref<128x128xf32, #tpu.memory_space<vmem>>, %arg7: memref<1000x128xf32, #tpu.memory_space<vmem>>) attributes {dimension_semantics = [#tpu.dimension_semantics<arbitrary>], iteration_bounds = array<i64: 10>, scalar_prefetch = 0 : i64, scratch_operands = 0 : i64, tpu.core_type = #tpu.core_type<tc>, window_params = [{transform_indices = @transform_0, window_bounds = array<i64: 1000, 128>}, {transform_indices = @transform_1, window_bounds = array<i64: 1000, 128>}, {transform_indices = @transform_2, window_bounds = array<i64: 1000, 1>}, {transform_indices = @transform_3, window_bounds = array<i64: 1000, 1>}, {pipeline_mode = #tpu.pipeline_mode<synchronous>, transform_indices = @transform_4, window_bounds = array<i64: 128>}, {pipeline_mode = #tpu.pipeline_mode<synchronous>, transform_indices = @transform_5, window_bounds = array<i64: 128, 128>}, {transform_indices = @transform_6, window_bounds = array<i64: 1000, 128>}]} {
    %get3A = arith.constant 0 : index
    %get3A_0 = arith.constant 0 : index
    %get3A_1 = vector.load %arg3[%get3A, %get3A_0] : memref<1000x1xf32, #tpu.memory_space<vmem>>, vector<1000x1xf32>
    %get3A_2 = arith.constant 0 : index
    %get3A_3 = arith.constant 0 : index
    %get3A_4 = vector.load %arg4[%get3A_2, %get3A_3] : memref<1000x1xf32, #tpu.memory_space<vmem>>, vector<1000x1xf32>
    %add3A = arith.addf %get3A_1, %get3A_4 : vector<1000x1xf32>
    %add3A_5 = arith.constant 1.000000e+00 : f32
    %add3A_6 = vector.broadcast %add3A_5 : f32 to vector<1000x1xf32>
    %add3A_7 = arith.addf %add3A, %add3A_6 : vector<1000x1xf32>
    %rsqrt3A = math.rsqrt %add3A_7 : vector<1000x1xf32>
    %get3A_8 = arith.constant 0 : index
    %get3A_9 = arith.constant 0 : index
    %get3A_10 = vector.load %arg1[%get3A_8, %get3A_9] : memref<1000x128xf32, #tpu.memory_space<vmem>>, vector<1000x128xf32>
    %get3A_11 = arith.constant 0 : index
    %get3A_12 = arith.constant 0 : index
    %get3A_13 = vector.load %arg2[%get3A_11, %get3A_12] : memref<1000x128xf32, #tpu.memory_space<vmem>>, vector<1000x128xf32>
    %add3A_14 = arith.addf %get3A_10, %get3A_13 : vector<1000x128xf32>
    %mul3A = vector.broadcast %rsqrt3A : vector<1000x1xf32> to vector<1000x128xf32>
    %mul3A_15 = arith.mulf %mul3A, %add3A_14 : vector<1000x128xf32>
    %get3A_16 = arith.constant 0 : index
    %get3A_17 = vector.load %arg5[%get3A_16] : memref<128xf32, #tpu.memory_space<vmem>>, vector<128xf32>
    %broadcast_in_dim3A = vector.shape_cast %get3A_17 : vector<128xf32> to vector<1x128xf32>
    %add3A_18 = vector.broadcast %broadcast_in_dim3A : vector<1x128xf32> to vector<1000x128xf32>
    %add3A_19 = arith.addf %mul3A_15, %add3A_18 : vector<1000x128xf32>
    %max3A = arith.constant 0.000000e+00 : f32
    %max3A_20 = vector.broadcast %max3A : f32 to vector<1000x128xf32>
    %max3A_21 = arith.maximumf %add3A_19, %max3A_20 : vector<1000x128xf32>
    %get3A_22 = arith.constant 0 : index
    %get3A_23 = arith.constant 0 : index
    %get3A_24 = vector.load %arg6[%get3A_22, %get3A_23] : memref<128x128xf32, #tpu.memory_space<vmem>>, vector<128x128xf32>
    %dot_general3A = arith.constant dense<0.000000e+00> : vector<1000x128xf32>
    %dot_general3A_25 = tpu.matmul %max3A_21, %get3A_24, %dot_general3A {dimension_numbers = #tpu.dot_dimension_numbers<[1], [0], [0], [1], [0, 0, 1, 1], [], []>, transpose_lhs_hint = false} : vector<1000x128xf32>, vector<128x128xf32>, vector<1000x128xf32> -> vector<1000x128xf32>
    %mul3A_26 = vector.broadcast %rsqrt3A : vector<1000x1xf32> to vector<1000x128xf32>
    %mul3A_27 = arith.mulf %dot_general3A_25, %mul3A_26 : vector<1000x128xf32>
    %swap3A = arith.constant 0 : index
    %swap3A_28 = arith.constant 0 : index
    %swap3A_29 = vector.load %arg7[%swap3A, %swap3A_28] : memref<1000x128xf32, #tpu.memory_space<vmem>>, vector<1000x128xf32>
    tpu.vector_store %arg7[%swap3A, %swap3A_28], %mul3A_27 {strides = array<i32>} : memref<1000x128xf32, #tpu.memory_space<vmem>>, vector<1000x128xf32>,
    return
  }
  func.func @transform_0(%arg0: i32) -> (i32, i32) {
    %c0_i32 = arith.constant 0 : i32
    %c0_i32_0 = arith.constant 0 : i32
    return %arg0, %c0_i32 : i32, i32
  }
  func.func @transform_1(%arg0: i32) -> (i32, i32) {
    %c0_i32 = arith.constant 0 : i32
    %c0_i32_0 = arith.constant 0 : i32
    return %arg0, %c0_i32 : i32, i32
  }
  func.func @transform_2(%arg0: i32) -> (i32, i32) {
    %c0_i32 = arith.constant 0 : i32
    %c0_i32_0 = arith.constant 0 : i32
    return %arg0, %c0_i32 : i32, i32
  }
  func.func @transform_3(%arg0: i32) -> (i32, i32) {
    %c0_i32 = arith.constant 0 : i32
    %c0_i32_0 = arith.constant 0 : i32
    return %arg0, %c0_i32 : i32, i32
  }
  func.func @transform_4(%arg0: i32) -> i32 {
    %c0_i32 = arith.constant 0 : i32
    %c0_i32_0 = arith.constant 0 : i32
    return %c0_i32 : i32
  }
  func.func @transform_5(%arg0: i32) -> (i32, i32) {
    %c0_i32 = arith.constant 0 : i32
    %c0_i32_0 = arith.constant 0 : i32
    %c0_i32_1 = arith.constant 0 : i32
    return %c0_i32, %c0_i32_0 : i32, i32
  }
  func.func @transform_6(%arg0: i32) -> (i32, i32) {
    %c0_i32 = arith.constant 0 : i32
    %c0_i32_0 = arith.constant 0 : i32
    return %arg0, %c0_i32 : i32, i32
  }
}

module attributes {stable_mosaic.version = 14 : i64} {
  func.func @body(%arg0: i32, %arg1: memref<1000x128xf32, #tpu.memory_space<vmem>>, %arg2: memref<1000x128xf32, #tpu.memory_space<vmem>>, %arg3: memref<1000x1xf32, #tpu.memory_space<vmem>>, %arg4: memref<1000x1xf32, #tpu.memory_space<vmem>>, %arg5: memref<128xf32, #tpu.memory_space<vmem>>, %arg6: memref<1000x128xf32, #tpu.memory_space<vmem>>) attributes {dimension_semantics = [#tpu.dimension_semantics<arbitrary>], iteration_bounds = array<i64: 10>, scalar_prefetch = 0 : i64, scratch_operands = 0 : i64, tpu.core_type = #tpu.core_type<tc>, window_params = [{transform_indices = @transform_0, window_bounds = array<i64: 1000, 128>}, {transform_indices = @transform_1, window_bounds = array<i64: 1000, 128>}, {transform_indices = @transform_2, window_bounds = array<i64: 1000, 1>}, {transform_indices = @transform_3, window_bounds = array<i64: 1000, 1>}, {pipeline_mode = #tpu.pipeline_mode<synchronous>, transform_indices = @transform_4, window_bounds = array<i64: 128>}, {transform_indices = @transform_5, window_bounds = array<i64: 1000, 128>}]} {
    %get3A = arith.constant 0 : index
    %get3A_0 = arith.constant 0 : index
    %get3A_1 = vector.load %arg3[%get3A, %get3A_0] : memref<1000x1xf32, #tpu.memory_space<vmem>>, vector<1000x1xf32>
    %get3A_2 = arith.constant 0 : index
    %get3A_3 = arith.constant 0 : index
    %get3A_4 = vector.load %arg4[%get3A_2, %get3A_3] : memref<1000x1xf32, #tpu.memory_space<vmem>>, vector<1000x1xf32>
    %add3A = arith.addf %get3A_1, %get3A_4 : vector<1000x1xf32>
    %add3A_5 = arith.constant 1.000000e+00 : f32
    %add3A_6 = vector.broadcast %add3A_5 : f32 to vector<1000x1xf32>
    %add3A_7 = arith.addf %add3A, %add3A_6 : vector<1000x1xf32>
    %rsqrt3A = math.rsqrt %add3A_7 : vector<1000x1xf32>
    %get3A_8 = arith.constant 0 : index
    %get3A_9 = arith.constant 0 : index
    %get3A_10 = vector.load %arg1[%get3A_8, %get3A_9] : memref<1000x128xf32, #tpu.memory_space<vmem>>, vector<1000x128xf32>
    %get3A_11 = arith.constant 0 : index
    %get3A_12 = arith.constant 0 : index
    %get3A_13 = vector.load %arg2[%get3A_11, %get3A_12] : memref<1000x128xf32, #tpu.memory_space<vmem>>, vector<1000x128xf32>
    %add3A_14 = arith.addf %get3A_10, %get3A_13 : vector<1000x128xf32>
    %mul3A = vector.broadcast %rsqrt3A : vector<1000x1xf32> to vector<1000x128xf32>
    %mul3A_15 = arith.mulf %mul3A, %add3A_14 : vector<1000x128xf32>
    %get3A_16 = arith.constant 0 : index
    %get3A_17 = vector.load %arg5[%get3A_16] : memref<128xf32, #tpu.memory_space<vmem>>, vector<128xf32>
    %broadcast_in_dim3A = vector.shape_cast %get3A_17 : vector<128xf32> to vector<1x128xf32>
    %add3A_18 = vector.broadcast %broadcast_in_dim3A : vector<1x128xf32> to vector<1000x128xf32>
    %add3A_19 = arith.addf %mul3A_15, %add3A_18 : vector<1000x128xf32>
    %swap3A = arith.constant 0 : index
    %swap3A_20 = arith.constant 0 : index
    %swap3A_21 = vector.load %arg6[%swap3A, %swap3A_20] : memref<1000x128xf32, #tpu.memory_space<vmem>>, vector<1000x128xf32>
    tpu.vector_store %arg6[%swap3A, %swap3A_20], %add3A_19 {strides = array<i32>} : memref<1000x128xf32, #tpu.memory_space<vmem>>, vector<1000x128xf32>,
    return
  }
  func.func @transform_0(%arg0: i32) -> (i32, i32) {
    %c0_i32 = arith.constant 0 : i32
    %c0_i32_0 = arith.constant 0 : i32
    return %arg0, %c0_i32 : i32, i32
  }
  func.func @transform_1(%arg0: i32) -> (i32, i32) {
    %c0_i32 = arith.constant 0 : i32
    %c0_i32_0 = arith.constant 0 : i32
    return %arg0, %c0_i32 : i32, i32
  }
  func.func @transform_2(%arg0: i32) -> (i32, i32) {
    %c0_i32 = arith.constant 0 : i32
    %c0_i32_0 = arith.constant 0 : i32
    return %arg0, %c0_i32 : i32, i32
  }
  func.func @transform_3(%arg0: i32) -> (i32, i32) {
    %c0_i32 = arith.constant 0 : i32
    %c0_i32_0 = arith.constant 0 : i32
    return %arg0, %c0_i32 : i32, i32
  }
  func.func @transform_4(%arg0: i32) -> i32 {
    %c0_i32 = arith.constant 0 : i32
    %c0_i32_0 = arith.constant 0 : i32
    return %c0_i32 : i32
  }
  func.func @transform_5(%arg0: i32) -> (i32, i32) {
    %c0_i32 = arith.constant 0 : i32
    %c0_i32_0 = arith.constant 0 : i32
    return %arg0, %c0_i32 : i32, i32
  }
}

module attributes {stable_mosaic.version = 14 : i64} {
  func.func @body(%arg0: i32, %arg1: memref<4096x128xf32, #tpu.memory_space<vmem>>, %arg2: memref<4096x128xf32, #tpu.memory_space<vmem>>, %arg3: memref<4096x1xf32, #tpu.memory_space<vmem>>) attributes {dimension_semantics = [#tpu.dimension_semantics<arbitrary>], iteration_bounds = array<i64: 25>, scalar_prefetch = 0 : i64, scratch_operands = 0 : i64, tpu.core_type = #tpu.core_type<tc>, window_params = [{transform_indices = @transform_0, window_bounds = array<i64: 4096, 128>}, {transform_indices = @transform_1, window_bounds = array<i64: 4096, 128>}, {transform_indices = @transform_2, window_bounds = array<i64: 4096, 1>}]} {
    %get3A = arith.constant 0 : index
    %get3A_0 = arith.constant 0 : index
    %get3A_1 = vector.load %arg1[%get3A, %get3A_0] : memref<4096x128xf32, #tpu.memory_space<vmem>>, vector<4096x128xf32>
    %get3A_2 = arith.constant 0 : index
    %get3A_3 = arith.constant 0 : index
    %get3A_4 = vector.load %arg2[%get3A_2, %get3A_3] : memref<4096x128xf32, #tpu.memory_space<vmem>>, vector<4096x128xf32>
    %sub3A = arith.subf %get3A_1, %get3A_4 : vector<4096x128xf32>
    %broadcast_in_dim3A = arith.constant 1.000000e+00 : f32
    %broadcast_in_dim3A_5 = vector.broadcast %broadcast_in_dim3A : f32 to vector<128x1xf32>
    %mul3A = arith.mulf %sub3A, %sub3A : vector<4096x128xf32>
    %dot_general3A = arith.constant dense<0.000000e+00> : vector<4096x1xf32>
    %dot_general3A_6 = tpu.matmul %mul3A, %broadcast_in_dim3A_5, %dot_general3A {dimension_numbers = #tpu.dot_dimension_numbers<[1], [0], [0], [1], [0, 0, 1, 1], [], []>, transpose_lhs_hint = false} : vector<4096x128xf32>, vector<128x1xf32>, vector<4096x1xf32> -> vector<4096x1xf32>
    %add3A = arith.constant 9.99999996E-13 : f32
    %add3A_7 = vector.broadcast %add3A : f32 to vector<4096x1xf32>
    %add3A_8 = arith.addf %dot_general3A_6, %add3A_7 : vector<4096x1xf32>
    %sub3A_9 = arith.constant 2.000000e+00 : f32
    %sub3A_10 = vector.broadcast %sub3A_9 : f32 to vector<4096x1xf32>
    %sub3A_11 = arith.subf %add3A_8, %sub3A_10 : vector<4096x1xf32>
    %div3A = arith.constant 1.000000e+00 : f32
    %div3A_12 = vector.broadcast %div3A : f32 to vector<4096x1xf32>
    %div3A_13 = arith.divf %sub3A_11, %div3A_12 : vector<4096x1xf32>
    %exp3A = math.exp %div3A_13 : vector<4096x1xf32>
    %add3A_14 = arith.constant 1.000000e+00 : f32
    %add3A_15 = vector.broadcast %add3A_14 : f32 to vector<4096x1xf32>
    %add3A_16 = arith.addf %exp3A, %add3A_15 : vector<4096x1xf32>
    %div3A_17 = arith.constant 1.000000e+00 : f32
    %div3A_18 = vector.broadcast %div3A_17 : f32 to vector<4096x1xf32>
    %div3A_19 = arith.divf %div3A_18, %add3A_16 : vector<4096x1xf32>
    %swap3A = arith.constant 0 : index
    %swap3A_20 = arith.constant 0 : index
    %swap3A_21 = vector.load %arg3[%swap3A, %swap3A_20] : memref<4096x1xf32, #tpu.memory_space<vmem>>, vector<4096x1xf32>
    tpu.vector_store %arg3[%swap3A, %swap3A_20], %div3A_19 {strides = array<i32>} : memref<4096x1xf32, #tpu.memory_space<vmem>>, vector<4096x1xf32>,
    return
  }
  func.func @transform_0(%arg0: i32) -> (i32, i32) {
    %c0_i32 = arith.constant 0 : i32
    %c0_i32_0 = arith.constant 0 : i32
    return %arg0, %c0_i32 : i32, i32
  }
  func.func @transform_1(%arg0: i32) -> (i32, i32) {
    %c0_i32 = arith.constant 0 : i32
    %c0_i32_0 = arith.constant 0 : i32
    return %arg0, %c0_i32 : i32, i32
  }
  func.func @transform_2(%arg0: i32) -> (i32, i32) {
    %c0_i32 = arith.constant 0 : i32
    %c0_i32_0 = arith.constant 0 : i32
    return %arg0, %c0_i32 : i32, i32
  }
}

</mosaic_0001>

<sc_bundles>
// kernel: kernel.10.cloned.1.call-start
scs
__scs_entry_jumppad:
0x0: {  	(pc) =	sbr.rel $0x88, $3  }
0x1: {  	(tag) =	ssettag $0x0;
	lr =	simm.s32 $0x1  }
0x2: {  	[smem:$0x3F9A] =	sst lr;
	_ =	strace $0xD0000000  }
0x3: {  	_ = 	snop  }
0x4: {  	_ = 	snop  }
0x5: {  	_ = 	snop  }
0x6: {  	_ = 	snop  }
0x7: {  	_ = 	snop  }
__scs_overlays_trampoline_lowered:
0x8: {  	[smem:$0x3FA9] =	sst s0  }
0x9: {  	[smem:$0x3FAA] =	sst s1  }
0xa: {  	[smem:$0x3FAB] =	sst s2  }
0xb: {  	[smem:$0x3FAC] =	sst s3  }
0xc: {  	[smem:$0x3FAD] =	sst s4  }
0xd: {  	[smem:$0x3FAE] =	sst s5  }
0xe: {  	[smem:$0x3FAF] =	sst s6  }
0xf: {  	[smem:$0x3FB0] =	sst s7  }
0x10: {  	[smem:$0x3FB1] =	sst s8  }
0x11: {  	[smem:$0x3FB2] =	sst s9;
	s0 =	simm.s32 @!p0 $0x0  }
0x12: {  	s1 =	sld [smem:$0x3F98];
	s0 =	simm.s32 @p0 $0x1  }
0x13: {  	[smem:$0x3FB3] =	sst s0;
	s0 =	simm.s32 @!p1 $0x0  }
0x14: {  	s2 =	sld [smem:$0x3F97];
	s0 =	simm.s32 @p1 $0x1  }
0x15: {  	[smem:$0x3FB4] =	sst s0;
	s0 =	simm.s32 @!p2 $0x0  }
0x16: {  	s3 =	sld [smem:$0x3FDB];
	s0 =	simm.s32 @p2 $0x1  }
0x17: {  	s4 =	simm.s32 $0x1BF5;
	[smem:$0x3FB6] =	sst s0  }
0x18: {  	s0 =	sld [smem:$0x3F99];
	_ =	swait.ge [sflag:s4], $0x0  }
0x19: {  	s7 =	sld [smem:$0x3F9A]  }
0x1a: {  	s8 =	sadd.s32 $0xFFFFE003, lr  }
0x1b: {  	s9 =	sadd.s32 $0xFFFFFEF7, lr;
	s5 =	simm.s32 $0xFFFFFFFF;
	p2 =	slt.u32 s8, $0xFFFFF086  }
0x1c: {  	p1 =	slt.u32 s9, $0xF7A;
	s5 =	simm.s32 @!p2 $0x0  }
0x1d: {  	s5 =	simm.s32 @p1 $0x1;
	p0 =	seq.s32 s7, s2  }
0x1e: {  	s7 =	smul.u32 @!p0 $0xF7A, s2;
	p2 =	seq.s32 @!p0 s5, $0x0  }
0x1f: {  	s9 =	smul.u32 $0xF7A, s1;
	s8 =	simm.s32 @!p0 $0x1BF5;
	p2 =	por !p2, p0  }
0x20: {  	[sflag:s8] =	ssyncset.s32 @!p0 $0xFFFFF086;
	s6 =	sadd.s32 @!p0 s3, s7;
	s7 =	simm.s32 @!p0 $0x108  }
0x21: {  	s3 =	sadd.s32 s3, s9;
	s6 =	sadd.s32 @!p0 $0x88, s6;
	s7 =	simm.s32 @p2 $0x1082  }
0x22: {  	[simem:s7], [sflag:s8] =	dma.local @!p0 [hbm:s6], $0xF7A  }
0x23: {  	s9 =	sor.u32 $0xD0000000, s2;
	s6 =	simm.s32 $0x108;
	_ =	swait.ge @!p0 [sflag:s8], $0x0  }
0x24: {  	s3 =	sadd.s32 $0x88, s3;
	s6 =	simm.s32 @!p1 $0x1082;
	[sflag:s4] =	ssyncset.s32 $0xFFFFF086  }
0x25: {  	[simem:s6], [sflag:s4] =	dma.local [hbm:s3], $0xF7A  }
0x26: {  	[smem:$0x3F9A] =	sst s1;
	(tag) =	ssettag s2;
	_ =	strace s9  }
0x27: {  	s1 =	sld [smem:$0x3FAA]  }
0x28: {  	s2 =	sld [smem:$0x3FAB]  }
0x29: {  	s4 =	sld [smem:$0x3FAD]  }
0x2a: {  	p0 =	seq.s32 s5, $0x0;
	s5 =	sld [smem:$0x3FAE]  }
0x2b: {  	s6 =	sld [smem:$0x3FAF]  }
0x2c: {  	s7 =	sld [smem:$0x3FB0]  }
0x2d: {  	s3 =	simm.s32 $0x108;
	s8 =	sld [smem:$0x3FB1]  }
0x2e: {  	s3 =	simm.s32 @!p0 $0x1082;
	s9 =	sld [smem:$0x3FB2]  }
0x2f: {  	lr =	sadd.s32 s0, s3;
	s0 =	sld [smem:$0x3FA9]  }
0x30: {  	s3 =	sld [smem:$0x3FAC]  }
0x31: {  	[smem:$0x3FB5] =	sst s10  }
0x32: {  	s10 =	sld [smem:$0x3FB3];
	_ =	sdelay $0x3  }
0x33: {  	p0 =	seq.s32 s10, $0x1;
	s10 =	sld [smem:$0x3FB5];
	_ =	sdelay $0x3  }
0x34: {  	[smem:$0x3FB5] =	sst s10  }
0x35: {  	s10 =	sld [smem:$0x3FB4];
	_ =	sdelay $0x3  }
0x36: {  	p1 =	seq.s32 s10, $0x1;
	s10 =	sld [smem:$0x3FB5];
	_ =	sdelay $0x3  }
0x37: {  	[smem:$0x3FB5] =	sst s10  }
0x38: {  	s10 =	sld [smem:$0x3FB6]  }
0x39: {  	_ = 	snop;
	(pc) =	sbr.ind lr, $3  }
0x3a: {  	_ = 	snop  }
0x3b: {  	_ = 	snop  }
0x3c: {  	p2 =	seq.s32 s10, $0x1;
	s10 =	sld [smem:$0x3FB5]  }
0x3d: {  	_ =	shalt  }
0x3e: {  	_ =	shalt  }
0x3f: {  	_ =	shalt  }
0x40: {  	_ =	shalt  }
0x41: {  	_ =	shalt  }
0x42: {  	_ =	shalt  }
0x43: {  	_ =	shalt  }
0x44: {  	_ =	shalt  }
0x45: {  	_ =	shalt  }
0x46: {  	_ =	shalt  }
0x47: {  	_ =	shalt  }
0x48: {  	_ =	shalt  }
0x49: {  	_ =	shalt  }
0x4a: {  	_ =	shalt  }
0x4b: {  	_ =	shalt  }
0x4c: {  	_ =	shalt  }
0x4d: {  	_ =	shalt  }
0x4e: {  	_ =	shalt  }
0x4f: {  	_ =	shalt  }
0x50: {  	_ =	shalt  }
0x51: {  	_ =	shalt  }
0x52: {  	_ =	shalt  }
0x53: {  	_ =	shalt  }
0x54: {  	_ =	shalt  }
0x55: {  	_ =	shalt  }
0x56: {  	_ =	shalt  }
0x57: {  	_ =	shalt  }
0x58: {  	_ =	shalt  }
0x59: {  	_ =	shalt  }
0x5a: {  	_ =	shalt  }
0x5b: {  	_ =	shalt  }
0x5c: {  	_ =	shalt  }
0x5d: {  	_ =	shalt  }
0x5e: {  	_ =	shalt  }
0x5f: {  	_ =	shalt  }
0x60: {  	_ =	shalt  }
0x61: {  	_ =	shalt  }
0x62: {  	_ =	shalt  }
0x63: {  	_ =	shalt  }
0x64: {  	_ =	shalt  }
0x65: {  	_ =	shalt  }
0x66: {  	_ =	shalt  }
0x67: {  	_ =	shalt  }
0x68: {  	_ =	shalt  }
0x69: {  	_ =	shalt  }
0x6a: {  	_ =	shalt  }
0x6b: {  	_ =	shalt  }
0x6c: {  	_ =	shalt  }
0x6d: {  	_ =	shalt  }
0x6e: {  	_ =	shalt  }
0x6f: {  	_ =	shalt  }
0x70: {  	_ =	shalt  }
0x71: {  	_ =	shalt  }
0x72: {  	_ =	shalt  }
0x73: {  	_ =	shalt  }
0x74: {  	_ =	shalt  }
0x75: {  	_ =	shalt  }
0x76: {  	_ =	shalt  }
0x77: {  	_ =	shalt  }
0x78: {  	_ =	shalt  }
0x79: {  	_ =	shalt  }
0x7a: {  	_ =	shalt  }
0x7b: {  	_ =	shalt  }
0x7c: {  	_ =	shalt  }
0x7d: {  	_ =	shalt  }
0x7e: {  	_ =	shalt  }
0x7f: {  	_ =	shalt  }
0x80: {  	_ =	shalt  }
0x81: {  	_ =	shalt  }
0x82: {  	_ =	shalt  }
0x83: {  	_ =	shalt  }
0x84: {  	_ =	shalt  }
0x85: {  	_ =	shalt  }
0x86: {  	_ =	shalt  }
0x87: {  	_ =	shalt  }
.Lfunc_end0:
.L_simem_size_0:
called_computation_lowered:
.L_overlay_start_0:
0x88: {  	s2 =	sld [smem:$0x3FD9]  }
0x89: {  	s3 =	sld [smem:$0x3FFE];
	_ =	sdelay $0x1  }
0x8a: {  	s1 =	srdreg.scid  }
0x8b: {  	s0 =	sand.u32 $0x1, s1  }
0x8c: {  	s17 =	sshll.u32 s0, $0xA;
	s2 =	sadd.s32 s3, s2  }
0x8d: {  	s2 =	sadd.s32 s2, s17  }
0x8e: {  	[smem:$0x3FC1] =	sst s2  }
0x8f: {  	_ = 	snop  }
0x90: {  	s2 =	sld [smem:$0x3FD0];
	(tm) =	ssettm $0x1  }
0x91: {  	s18 =	sld [smem:$0x3FFB];
	_ =	sdelay $0x3  }
0x92: {  	_ =	strace s18  }
0x93: {  	s3 =	sld [smem:$0x3FFC];
	_ =	sdelay $0x3  }
0x94: {  	_ =	strace s3  }
0x95: {  	s3 =	sld [smem:$0x3FFD];
	_ =	sdelay $0x3  }
0x96: {  	_ =	strace s3  }
0x97: {  	_ =	strace $0x8FFFFFFF  }
0x98: {  	s19 =	sld [smem:$0x3FDB];
	_ =	sdelay $0x1  }
0x99: {  	s4 =	simm.s32 $_scs_section_size  }
0x9a: {  	s5 =	simm.s32 $_size__tile_overlayer_lowered;
	s6 =	simm.s32 $_tile_overlayer_lowered  }
0x9b: {  	s22 =	simm.s32 $0x1BFF;
	s21 =	sshll.u32 s6, $0x1;
	s3 =	sadd.s32 s4, s19  }
0x9c: {  	s7 =	simm.s32 $0x0;
	s20 =	sshll.u32 s5, $0x1;
	s5 =	sadd.s32 s21, s3  }
0x9d: {  	[timem:s7], [sflag:s22] =	dma.local [hbm:s5], s20  }
0x9e: {  	_ =	swait.ge [sflag:s22], s20  }
0x9f: {  	s4 =	ssub.s32 $0x0, s20;
	[sflag:s22] =	ssyncset.done $0x0  }
0xa0: {  	[sflag:s22] =	ssyncadd.s32 s4;
	_ =	sdelay $0x1  }
0xa1: {  	s23 =	simm.s32 $0x1B8B  }
0xa2: {  	_ =	swait.ge [sflag:s23], $0x1  }
0xa3: {  	[sflag:s23] =	ssyncset.done $0x0  }
0xa4: {  	s25 =	simm.s32 $0x1B8E;
	s24 =	sld [smem:$0x3FFE];
	[sflag:s23] =	ssyncadd.s32 $0xFFFFFFFF  }
0xa5: {  	s26 =	simm.s32 $execute0_lowered;
	[smem:$0x3FD2] =	sst s25  }
0xa6: {  	s5 =	sshll.u32 s26, $0x1;
	_ =	strace $0x80000046;
	[dreg:$0x1] =	wrdreg $0xFFFFFFFF  }
0xa7: {  	s28 =	simm.s32 $_size_execute0_lowered;
	s3 =	sadd.s32 s3, s5;
	[dreg:$0x0] =	wrdreg $0x0  }
0xa8: {  	s5 =	sshll.u32 s28, $0x1;
	[dreg:$0x2] =	wrdreg s3  }
0xa9: {  	[dreg:$0x3] =	wrdreg s5  }
0xaa: {  	[dreg:$0x4] =	wrdreg $0xC0  }
0xab: {  	_ =	task [dreg:s7], $0x5FFFF  }
0xac: {  	[dreg:$0x1] =	wrdreg $0xFFFFFFFF  }
0xad: {  	[dreg:$0x0] =	wrdreg $0x60  }
0xae: {  	[dreg:$0x2] =	wrdreg s24  }
0xaf: {  	[dreg:$0x3] =	wrdreg s2  }
0xb0: {  	[dreg:$0x4] =	wrdreg $0x0  }
0xb1: {  	[dreg:$0x5] =	wrdreg $0x9  }
0xb2: {  	_ =	task.clear_ibuf [dreg:s7], $0x6FFFF;
	_ =	strace $0x90000046  }
0xb3: {  	s29 =	simm.s32 $0x9;
	_ =	strace $0x80000048  }
0xb4: {  	_ =	swait.ge [sflag:s29], $0x1  }
0xb5: {  	[sflag:s29] =	ssyncadd.s32 $0xFFFFFFFF  }
0xb6: {  	_ =	strace $0x90000048  }
0xb7: {  	_ =	sfence  }
0xb8: {  	s30 =	sld [smem:$0x0];
	_ =	sdelay $0x2  }
0xb9: {  	s31 =	sshll.u32 s1, $0xD;
	s1 =	sshrl.u32 s1, $0x2  }
0xba: {  	s3 =	sand.u32 $0x4000, s31;
	s1 =	sadd.s32 s1, s30  }
0xbb: {  	s0 =	sor.u32 s3, s0;
	s1 =	sshll.u32 s1, $0x11  }
0xbc: {  	s0 =	sor.u32 s1, s0  }
0xbd: {  	s0 =	sadd.s32 $0x8F2B, s0  }
0xbe: {  	[sflag:s0] =	ssyncadd.remote.s32 $0x1  }
0xbf: {  	_ =	sfence.sel $0xFFFF  }
0xc0: {  	[dreg:$0x0] =	wrdreg $0xFFFFFFFF;
	(pc) =	sbr.abs _section_cstart, $3  }
0xc1: {  	[dreg:$0x1] =	wrdreg $0xFFFFFFFF  }
0xc2: {  	_ =	task.clear_ibuf [dreg:s7], $0x2FFFF;
	_ =	strace $0x9FFFFFFF  }
0xc3: {  	(tm) =	ssettm $0x7FFFFFFF  }
tec
execute0_lowered:
.L_overlay_start_1:
0x0: {  	(tag) =	ssettag $0x1  }
0x1: {  	s6 =	rddreg [dreg:$0x0]  }
0x2: {  	s0 =	srdreg.scid;
	s1 =	rddreg [dreg:$0x1]  }
0x3: {  	s7 =	stileid.u32;
	s2 =	rddreg [dreg:$0x2];
	s3 =	simm.s32 $0x0  }
0x4: {  	s10 =	simm.s32 $0x16E00;
	s11 =	simm.s32 $0x2A78;
	s4 =	sand.u32 $0x1, s0  }
0x5: {  	s12 =	simm.s32 $0x0;
	[smem:$0x7FF] =	sst s3;
	s0 =	sshll.u32 s4, $0x4  }
0x6: {  	s8 =	ssub.s32 $0x2, s4;
	p0 =	seq.s32 s4, $0x1;
	s5 =	sor.u32 s7, s0  }
0x7: {  	s0 =	rddreg [dreg:$0x3];
	_ =	strace $0x80000047;
	s9 =	sshrl.u32 s8, $0x1  }
0x8: {  	s10 =	simm.s32 @!p0 $0x17400;
	p0 =	sne.s32 s7, $0x0;
	s5 =	smul.u32 $0x500, s5  }
0x9: {  	s7 =	simm.s32 $0x278;
	s8 =	ssub.s32 s8, s9;
	s9 =	sshrl.u32 @!p0 s2, $0x3  }
0xa: {  	s5 =	sadd.s32 s5, s6;
	s6 =	sadd.s32 s10, s6;
	s10 =	simm.s32 $0x80  }
0xb: {  	v0 =	vimm.f32 $1.000000000e+00;
	s4 =	sadd.s32 $0x2E00, s5;
	s5 =	smax.u32 s8, $0x1;
	s8 =	simm.s32 $0x1  }
.LBB2_1:
0xc: {  	[tilespmem:$0x2A78] =	vst v0  }
0xd: {  	[tilespmem:$0x2A88] =	vst v0  }
0xe: {  	[tilespmem:$0x2A98] =	vst v0  }
0xf: {  	[tilespmem:$0x2AA8] =	vst v0  }
0x10: {  	[tilespmem:$0x2AB8] =	vst v0  }
0x11: {  	[tilespmem:$0x2AC8] =	vst v0  }
0x12: {  	[tilespmem:$0x2AD8] =	vst v0  }
0x13: {  	[tilespmem:$0x2AE8] =	vst v0  }
0x14: {  	[tilespmem:s7], [sflag:$0x1] =	stream.linear.gather [hbm4b:s4+s3], $0x2800, $0x38;
	[tilespmem:$0x2AF8] =	vst v63  }
0x15: {  	_ =	swait.ge [sflag:s8], $0x2800  }
0x16: {  	[sflag:s8] =	ssyncset.done $0x0  }
0x17: {  	s13 =	simm.s32 @!p0 $0x1C01;
	[sflag:s8] =	ssyncadd.s32 $0xFFFFD800  }
0x18: {  	[spmem:s9], [sflag:s13] =	dma.local @!p0 [hbm:s1], $0x4F0  }
0x19: {  	s13 =	simm.s32 @!p0 $0x1  }
0x1a: {  	_ =	swait.ge @!p0 [sflag:s13], $0x4F0  }
0x1b: {  	[sflag:s13] =	ssyncset.done @!p0 $0x0  }
0x1c: {  	[sflag:s13] =	ssyncadd.s32 @!p0 $0xFFFFFB10  }
0x1d: {  	s31 =	simm.s32 $0x278;
	[bflag:$0x0] =	sbarrier.arrive $0xFFFF  }
0x1e: {  	[spmem:s2] =	stream.indirect.scatter.add.f32 [tilespmem:s11], [sflag:$0x1], $0x1, s31, s10, $0xb8;
	[tilespmem:$0x2AF8] =	vst v63  }
0x1f: {  	s13 =	simm.s32 $0x200;
	_ =	swait.ge [sflag:s8], $0x80  }
.LBB2_2:
0x20: {  	s14 =	sshra.s32 s13, $0x2;
	[sflag:s8] =	ssyncset.done $0x0;
	p1 =	sne.s32 s13, $0x9E00  }
.Ltmp0:
0x21: {  	s14 =	sadd.s32 $0x278, s14;
	[sflag:s8] =	ssyncadd.s32 $0xFFFFFF80;
	(pc) =	sbr.rel @p1 .LBB2_2-.Ltmp0, $3  }
0x22: {  	[spmem:s2] =	stream.indirect.scatter.add.f32 [tilespmem:s11], [sflag:$0x1], $0x1, s14, s10, $0xb8;
	[tilespmem:$0x2AF8] =	vst v63  }
0x23: {  	s13 =	sadd.s32 $0x200, s13;
	_ =	sdelay $0x1  }
0x24: {  	_ =	swait.ge [sflag:s8], $0x80  }
0x25: {  	[sflag:s8] =	ssyncset.done $0x0  }
0x26: {  	s12 =	sadd.s32 $0x1, s12;
	[sflag:s8] =	ssyncadd.s32 $0xFFFFFF80  }
0x27: {  	s13 =	simm.s32 @!p0 $0x1C01;
	p1 =	sne.s32 s12, s5;
	[bflag:$0x0] =	sbarrier.arrive $0xFFFF  }
0x28: {  	[hbm:s6], [sflag:s13] =	dma.local @!p0 [spmem:s9], $0x4F0  }
.Ltmp1:
0x29: {  	_ = 	snop;
	(pc) =	sbr.rel @p1 .LBB2_1-.Ltmp1, $4  }
0x2a: {  	s13 =	simm.s32 @!p0 $0x1  }
0x2b: {  	_ =	swait.ge @!p0 [sflag:s13], $0x4F0  }
0x2c: {  	[sflag:s13] =	ssyncset.done @!p0 $0x0  }
0x2d: {  	[sflag:s13] =	ssyncadd.s32 @!p0 $0xFFFFFB10  }
0x2e: {  	_ =	sfence.sel $0x180000  }
0x2f: {  	[bflag:$0x0] =	sbarrier.arrive $0xFFFF  }
0x30: {  	_ =	strace $0x90000047  }
0x31: {  	s0 =	sadd.s32 @!p0 $0x100000, s0;
	[bflag:$0x2] =	sbarrier.arrive $0xFFFF  }
0x32: {  	[sflag:s0] =	ssyncadd.tile.s32 @!p0 $0x1;
	_ =	shalt  }
.Lfunc_end2:
_tile_overlayer_lowered:
.L_overlay_start_2:
0x33: {  	(tag) =	ssettag $0x2  }
0x34: {  	s0 =	rddreg [dreg:$0x0];
	s2 =	stileid.u32  }
0x35: {  	s1 =	rddreg [dreg:$0x1];
	p0 =	sne.s32 s2, $0x0  }
0x36: {  	s3 =	rddreg [dreg:$0x2];
	[bflag:$0x3] =	sbarrier.arrive $0xFFFF;
	s2 =	simm.s32 @!p0 $0x1C01  }
0x37: {  	[timem:s3], [sflag:s2] =	dma.local @!p0 [hbm:s0], s1  }
0x38: {  	s0 =	simm.s32 @!p0 $0x1  }
0x39: {  	_ =	swait.ge @!p0 [sflag:s0], s1  }
0x3a: {  	s1 =	ssub.s32 @!p0 $0x0, s1;
	[sflag:s0] =	ssyncset.done @!p0 $0x0  }
0x3b: {  	[sflag:s0] =	ssyncadd.s32 @!p0 s1  }
0x3c: {  	[bflag:$0x3] =	sbarrier.arrive $0xFFFF  }
0x3d: {  	_ =	shalt  }

// kernel: kernel.13.cloned.1.call-start
scs
__scs_entry_jumppad:
0x0: {  	(pc) =	sbr.rel $0x88, $3  }
0x1: {  	(tag) =	ssettag $0x0;
	lr =	simm.s32 $0x1  }
0x2: {  	[smem:$0x3F9A] =	sst lr;
	_ =	strace $0xD0000000  }
0x3: {  	_ = 	snop  }
0x4: {  	_ = 	snop  }
0x5: {  	_ = 	snop  }
0x6: {  	_ = 	snop  }
0x7: {  	_ = 	snop  }
__scs_overlays_trampoline_lowered:
0x8: {  	[smem:$0x3FA9] =	sst s0  }
0x9: {  	[smem:$0x3FAA] =	sst s1  }
0xa: {  	[smem:$0x3FAB] =	sst s2  }
0xb: {  	[smem:$0x3FAC] =	sst s3  }
0xc: {  	[smem:$0x3FAD] =	sst s4  }
0xd: {  	[smem:$0x3FAE] =	sst s5  }
0xe: {  	[smem:$0x3FAF] =	sst s6  }
0xf: {  	[smem:$0x3FB0] =	sst s7  }
0x10: {  	[smem:$0x3FB1] =	sst s8  }
0x11: {  	[smem:$0x3FB2] =	sst s9;
	s0 =	simm.s32 @!p0 $0x0  }
0x12: {  	s1 =	sld [smem:$0x3F98];
	s0 =	simm.s32 @p0 $0x1  }
0x13: {  	[smem:$0x3FB3] =	sst s0;
	s0 =	simm.s32 @!p1 $0x0  }
0x14: {  	s2 =	sld [smem:$0x3F97];
	s0 =	simm.s32 @p1 $0x1  }
0x15: {  	[smem:$0x3FB4] =	sst s0;
	s0 =	simm.s32 @!p2 $0x0  }
0x16: {  	s3 =	sld [smem:$0x3FDB];
	s0 =	simm.s32 @p2 $0x1  }
0x17: {  	s4 =	simm.s32 $0x1BF5;
	[smem:$0x3FB6] =	sst s0  }
0x18: {  	s0 =	sld [smem:$0x3F99];
	_ =	swait.ge [sflag:s4], $0x0  }
0x19: {  	s7 =	sld [smem:$0x3F9A]  }
0x1a: {  	s8 =	sadd.s32 $0xFFFFE003, lr  }
0x1b: {  	s9 =	sadd.s32 $0xFFFFFEF7, lr;
	s5 =	simm.s32 $0xFFFFFFFF;
	p2 =	slt.u32 s8, $0xFFFFF086  }
0x1c: {  	p1 =	slt.u32 s9, $0xF7A;
	s5 =	simm.s32 @!p2 $0x0  }
0x1d: {  	s5 =	simm.s32 @p1 $0x1;
	p0 =	seq.s32 s7, s2  }
0x1e: {  	s7 =	smul.u32 @!p0 $0xF7A, s2;
	p2 =	seq.s32 @!p0 s5, $0x0  }
0x1f: {  	s9 =	smul.u32 $0xF7A, s1;
	s8 =	simm.s32 @!p0 $0x1BF5;
	p2 =	por !p2, p0  }
0x20: {  	[sflag:s8] =	ssyncset.s32 @!p0 $0xFFFFF086;
	s6 =	sadd.s32 @!p0 s3, s7;
	s7 =	simm.s32 @!p0 $0x108  }
0x21: {  	s3 =	sadd.s32 s3, s9;
	s6 =	sadd.s32 @!p0 $0x88, s6;
	s7 =	simm.s32 @p2 $0x1082  }
0x22: {  	[simem:s7], [sflag:s8] =	dma.local @!p0 [hbm:s6], $0xF7A  }
0x23: {  	s9 =	sor.u32 $0xD0000000, s2;
	s6 =	simm.s32 $0x108;
	_ =	swait.ge @!p0 [sflag:s8], $0x0  }
0x24: {  	s3 =	sadd.s32 $0x88, s3;
	s6 =	simm.s32 @!p1 $0x1082;
	[sflag:s4] =	ssyncset.s32 $0xFFFFF086  }
0x25: {  	[simem:s6], [sflag:s4] =	dma.local [hbm:s3], $0xF7A  }
0x26: {  	[smem:$0x3F9A] =	sst s1;
	(tag) =	ssettag s2;
	_ =	strace s9  }
0x27: {  	s1 =	sld [smem:$0x3FAA]  }
0x28: {  	s2 =	sld [smem:$0x3FAB]  }
0x29: {  	s4 =	sld [smem:$0x3FAD]  }
0x2a: {  	p0 =	seq.s32 s5, $0x0;
	s5 =	sld [smem:$0x3FAE]  }
0x2b: {  	s6 =	sld [smem:$0x3FAF]  }
0x2c: {  	s7 =	sld [smem:$0x3FB0]  }
0x2d: {  	s3 =	simm.s32 $0x108;
	s8 =	sld [smem:$0x3FB1]  }
0x2e: {  	s3 =	simm.s32 @!p0 $0x1082;
	s9 =	sld [smem:$0x3FB2]  }
0x2f: {  	lr =	sadd.s32 s0, s3;
	s0 =	sld [smem:$0x3FA9]  }
0x30: {  	s3 =	sld [smem:$0x3FAC]  }
0x31: {  	[smem:$0x3FB5] =	sst s10  }
0x32: {  	s10 =	sld [smem:$0x3FB3];
	_ =	sdelay $0x3  }
0x33: {  	p0 =	seq.s32 s10, $0x1;
	s10 =	sld [smem:$0x3FB5];
	_ =	sdelay $0x3  }
0x34: {  	[smem:$0x3FB5] =	sst s10  }
0x35: {  	s10 =	sld [smem:$0x3FB4];
	_ =	sdelay $0x3  }
0x36: {  	p1 =	seq.s32 s10, $0x1;
	s10 =	sld [smem:$0x3FB5];
	_ =	sdelay $0x3  }
0x37: {  	[smem:$0x3FB5] =	sst s10  }
0x38: {  	s10 =	sld [smem:$0x3FB6]  }
0x39: {  	_ = 	snop;
	(pc) =	sbr.ind lr, $3  }
0x3a: {  	_ = 	snop  }
0x3b: {  	_ = 	snop  }
0x3c: {  	p2 =	seq.s32 s10, $0x1;
	s10 =	sld [smem:$0x3FB5]  }
0x3d: {  	_ =	shalt  }
0x3e: {  	_ =	shalt  }
0x3f: {  	_ =	shalt  }
0x40: {  	_ =	shalt  }
0x41: {  	_ =	shalt  }
0x42: {  	_ =	shalt  }
0x43: {  	_ =	shalt  }
0x44: {  	_ =	shalt  }
0x45: {  	_ =	shalt  }
0x46: {  	_ =	shalt  }
0x47: {  	_ =	shalt  }
0x48: {  	_ =	shalt  }
0x49: {  	_ =	shalt  }
0x4a: {  	_ =	shalt  }
0x4b: {  	_ =	shalt  }
0x4c: {  	_ =	shalt  }
0x4d: {  	_ =	shalt  }
0x4e: {  	_ =	shalt  }
0x4f: {  	_ =	shalt  }
0x50: {  	_ =	shalt  }
0x51: {  	_ =	shalt  }
0x52: {  	_ =	shalt  }
0x53: {  	_ =	shalt  }
0x54: {  	_ =	shalt  }
0x55: {  	_ =	shalt  }
0x56: {  	_ =	shalt  }
0x57: {  	_ =	shalt  }
0x58: {  	_ =	shalt  }
0x59: {  	_ =	shalt  }
0x5a: {  	_ =	shalt  }
0x5b: {  	_ =	shalt  }
0x5c: {  	_ =	shalt  }
0x5d: {  	_ =	shalt  }
0x5e: {  	_ =	shalt  }
0x5f: {  	_ =	shalt  }
0x60: {  	_ =	shalt  }
0x61: {  	_ =	shalt  }
0x62: {  	_ =	shalt  }
0x63: {  	_ =	shalt  }
0x64: {  	_ =	shalt  }
0x65: {  	_ =	shalt  }
0x66: {  	_ =	shalt  }
0x67: {  	_ =	shalt  }
0x68: {  	_ =	shalt  }
0x69: {  	_ =	shalt  }
0x6a: {  	_ =	shalt  }
0x6b: {  	_ =	shalt  }
0x6c: {  	_ =	shalt  }
0x6d: {  	_ =	shalt  }
0x6e: {  	_ =	shalt  }
0x6f: {  	_ =	shalt  }
0x70: {  	_ =	shalt  }
0x71: {  	_ =	shalt  }
0x72: {  	_ =	shalt  }
0x73: {  	_ =	shalt  }
0x74: {  	_ =	shalt  }
0x75: {  	_ =	shalt  }
0x76: {  	_ =	shalt  }
0x77: {  	_ =	shalt  }
0x78: {  	_ =	shalt  }
0x79: {  	_ =	shalt  }
0x7a: {  	_ =	shalt  }
0x7b: {  	_ =	shalt  }
0x7c: {  	_ =	shalt  }
0x7d: {  	_ =	shalt  }
0x7e: {  	_ =	shalt  }
0x7f: {  	_ =	shalt  }
0x80: {  	_ =	shalt  }
0x81: {  	_ =	shalt  }
0x82: {  	_ =	shalt  }
0x83: {  	_ =	shalt  }
0x84: {  	_ =	shalt  }
0x85: {  	_ =	shalt  }
0x86: {  	_ =	shalt  }
0x87: {  	_ =	shalt  }
.Lfunc_end0:
.L_simem_size_0:
called_computation.1_lowered:
.L_overlay_start_0:
0x88: {  	s2 =	sld [smem:$0x3FD9]  }
0x89: {  	s3 =	sld [smem:$0x3FFE];
	_ =	sdelay $0x1  }
0x8a: {  	s1 =	srdreg.scid  }
0x8b: {  	s0 =	sand.u32 $0x1, s1  }
0x8c: {  	s16 =	sshll.u32 s0, $0xA;
	s2 =	sadd.s32 s3, s2  }
0x8d: {  	s2 =	sadd.s32 s2, s16  }
0x8e: {  	[smem:$0x3FC1] =	sst s2  }
0x8f: {  	_ = 	snop  }
0x90: {  	(tm) =	ssettm $0x1  }
0x91: {  	s17 =	sld [smem:$0x3FFB];
	_ =	sdelay $0x3  }
0x92: {  	_ =	strace s17  }
0x93: {  	s2 =	sld [smem:$0x3FFC];
	_ =	sdelay $0x3  }
0x94: {  	_ =	strace s2  }
0x95: {  	s2 =	sld [smem:$0x3FFD];
	_ =	sdelay $0x3  }
0x96: {  	_ =	strace s2  }
0x97: {  	_ =	strace $0x8FFFFFFF  }
0x98: {  	s18 =	sld [smem:$0x3FDB];
	_ =	sdelay $0x1  }
0x99: {  	s19 =	simm.s32 $_scs_section_size  }
0x9a: {  	s4 =	simm.s32 $_size__tile_overlayer_lowered;
	s5 =	simm.s32 $_tile_overlayer_lowered  }
0x9b: {  	s22 =	simm.s32 $0x1BFF;
	s21 =	sshll.u32 s5, $0x1;
	s2 =	sadd.s32 s19, s18  }
0x9c: {  	s6 =	simm.s32 $0x0;
	s20 =	sshll.u32 s4, $0x1;
	s4 =	sadd.s32 s21, s2  }
0x9d: {  	[timem:s6], [sflag:s22] =	dma.local [hbm:s4], s20  }
0x9e: {  	_ =	swait.ge [sflag:s22], s20  }
0x9f: {  	s3 =	ssub.s32 $0x0, s20;
	[sflag:s22] =	ssyncset.done $0x0  }
0xa0: {  	[sflag:s22] =	ssyncadd.s32 s3;
	_ =	sdelay $0x1  }
0xa1: {  	s23 =	simm.s32 $0x1B8B  }
0xa2: {  	_ =	swait.ge [sflag:s23], $0x1  }
0xa3: {  	[sflag:s23] =	ssyncset.done $0x0  }
0xa4: {  	s25 =	simm.s32 $0x1B8E;
	s24 =	sld [smem:$0x3FFE];
	[sflag:s23] =	ssyncadd.s32 $0xFFFFFFFF  }
0xa5: {  	s26 =	simm.s32 $execute0_lowered;
	[smem:$0x3FD2] =	sst s25  }
0xa6: {  	s4 =	sshll.u32 s26, $0x1;
	_ =	strace $0x80000049;
	[dreg:$0x1] =	wrdreg $0xFFFFFFFF  }
0xa7: {  	s28 =	simm.s32 $_size_execute0_lowered;
	s2 =	sadd.s32 s2, s4;
	[dreg:$0x0] =	wrdreg $0x0  }
0xa8: {  	s4 =	sshll.u32 s28, $0x1;
	[dreg:$0x2] =	wrdreg s2  }
0xa9: {  	[dreg:$0x3] =	wrdreg s4  }
0xaa: {  	[dreg:$0x4] =	wrdreg $0xC0  }
0xab: {  	_ =	task [dreg:s6], $0x5FFFF  }
0xac: {  	[dreg:$0x1] =	wrdreg $0xFFFFFFFF  }
0xad: {  	[dreg:$0x0] =	wrdreg $0x60  }
0xae: {  	[dreg:$0x2] =	wrdreg s24  }
0xaf: {  	[dreg:$0x3] =	wrdreg $0x0  }
0xb0: {  	[dreg:$0x4] =	wrdreg $0x9  }
0xb1: {  	_ =	task.clear_ibuf [dreg:s6], $0x5FFFF;
	_ =	strace $0x90000049  }
0xb2: {  	s29 =	simm.s32 $0x9;
	_ =	strace $0x8000004B  }
0xb3: {  	_ =	swait.ge [sflag:s29], $0x1  }
0xb4: {  	[sflag:s29] =	ssyncadd.s32 $0xFFFFFFFF  }
0xb5: {  	_ =	strace $0x9000004B  }
0xb6: {  	_ =	sfence  }
0xb7: {  	s30 =	sld [smem:$0x0];
	_ =	sdelay $0x2  }
0xb8: {  	s31 =	sshll.u32 s1, $0xD;
	s1 =	sshrl.u32 s1, $0x2  }
0xb9: {  	s3 =	sand.u32 $0x4000, s31;
	s1 =	sadd.s32 s1, s30  }
0xba: {  	s0 =	sor.u32 s3, s0;
	s1 =	sshll.u32 s1, $0x11  }
0xbb: {  	s0 =	sor.u32 s1, s0  }
0xbc: {  	s0 =	sadd.s32 $0x8F2B, s0  }
0xbd: {  	[sflag:s0] =	ssyncadd.remote.s32 $0x1  }
0xbe: {  	_ =	sfence.sel $0xFFFF  }
0xbf: {  	[dreg:$0x0] =	wrdreg $0xFFFFFFFF;
	(pc) =	sbr.abs _section_cstart, $3  }
0xc0: {  	[dreg:$0x1] =	wrdreg $0xFFFFFFFF  }
0xc1: {  	_ =	task.clear_ibuf [dreg:s6], $0x2FFFF;
	_ =	strace $0x9FFFFFFF  }
0xc2: {  	(tm) =	ssettm $0x7FFFFFFF  }
0xc3: {  	_ =	shalt  }
tec
execute0_lowered:
.L_overlay_start_1:
0x0: {  	(tag) =	ssettag $0x1  }
0x1: {  	s0 =	rddreg [dreg:$0x0]  }
0x2: {  	s2 =	rddreg [dreg:$0x1];
	s3 =	simm.s32 $0x0  }
0x3: {  	s7 =	stileid.u32;
	s1 =	srdreg.scid;
	s28 =	simm.s32 $0x13BC0  }
0x4: {  	s29 =	simm.s32 $0x13940;
	s30 =	simm.s32 $0x13A40;
	s31 =	simm.s32 $0x4  }
0x5: {  	[smem:$0x7FF] =	sst s3;
	s6 =	smul.u32 $0x2700, s7;
	s1 =	sand.u32 $0x1, s1  }
0x6: {  	s4 =	sadd.s32 $0x48C00, s0;
	s7 =	smul.u32 $0x4E000, s7;
	s14 =	sadd.s32 $0x124800, s2  }
0x7: {  	s16 =	sadd.s32 $0x6D500, s0;
	_ =	strace $0x8000004A;
	[dreg:$0x6] =	wrdreg s14  }
0x8: {  	s9 =	sadd.s32 $0x17A00, s0;
	s17 =	sadd.s32 $0x94700, s0;
	[dreg:$0x7] =	wrdreg s16  }
0x9: {  	s10 =	sadd.s32 $0xCE00, s0;
	s19 =	sadd.s32 $0xE2B00, s0;
	[dreg:$0x8] =	wrdreg s17  }
0xa: {  	s5 =	ssub.s32 $0x2, s1;
	p4 =	seq.s32 s1, $0x1;
	[dreg:$0xa] =	wrdreg s19  }
0xb: {  	p5 =	sne.s32 s1, $0x0;
	s16 =	simm.s32 $0x2;
	s17 =	simm.s32 $0x13AC0  }
0xc: {  	s8 =	sshrl.u32 s5, $0x1;
	s11 =	sadd.s32 s6, s0;
	s26 =	sshrl.u32 s7, $0x2  }
0xd: {  	s7 =	sadd.s32 s4, s6;
	s0 =	sadd.s32 $0xBB900, s0;
	s12 =	ssub.s32 s5, s8  }
0xe: {  	s8 =	stileid.u32;
	s5 =	sadd.s32 s26, s2;
	[dreg:$0x4] =	wrdreg s7  }
0xf: {  	s13 =	sadd.s32 $0x6FE00, s11;
	s18 =	sadd.s32 $0xBE200, s11;
	[dreg:$0xe] =	wrdreg s0  }
0x10: {  	s24 =	sadd.s32 $0x97000, s11;
	s0 =	simm.s32 $0x6;
	[dreg:$0x3] =	wrdreg s5  }
0x11: {  	s11 =	simm.s32 $0x17BC0;
	[dreg:$0x5] =	wrdreg s13;
	s15 =	smul.u32 $0x680, s8  }
0x12: {  	s7 =	simm.s32 $0x1BBC0;
	[dreg:$0x9] =	wrdreg s18;
	s22 =	smul.u32 $0x348, s8  }
0x13: {  	[dreg:$0xd] =	wrdreg s24;
	s25 =	smax.u32 s12, $0x1;
	p0 =	seq.s32 s8, $0xF  }
0x14: {  	s24 =	simm.s32 $0x3;
	s12 =	simm.s32 $0x1;
	s18 =	simm.s32 $0x13B40  }
0x15: {  	s5 =	simm.s32 $0x0;
	[dreg:$0xf] =	wrdreg s25;
	p1 =	por !p4, !p0  }
0x16: {  	p2 =	por p4, !p0;
	p3 =	por !p4, p0;
	p4 =	por p4, p0  }
0x17: {  	s25 =	simm.s32 $0x5;
	s13 =	sadd.s32 s9, s15;
	s20 =	sor.u32 $0x10, s15  }
.Ltmp0:
0x18: {  	s14 =	sadd.s32 s10, s15;
	s26 =	sadd.s32 s22, s10;
	(pc) =	sbr.rel .LBB2_1-.Ltmp0, $4  }
0x19: {  	s6 =	sadd.s32 s22, s9;
	s22 =	simm.s32 $0x138C0;
	s21 =	sadd.s32 s9, s20  }
0x1a: {  	s15 =	simm.s32 $0x7;
	s23 =	sadd.s32 s10, s20;
	[dreg:$0xb] =	wrdreg s21  }
0x1b: {  	s20 =	sadd.s32 $0x6800, s26;
	s26 =	simm.s32 $0x80;
	[dreg:$0xc] =	wrdreg s23  }
0x1c: {  	s21 =	sadd.s32 $0x6800, s6;
	s23 =	simm.s32 $0x139C0;
	s6 =	simm.s32 $0x50  }
.LBB2_7:
0x1d: {  	s1 =	sadd.s32 s10, s21;
	[sflag:s15] =	ssyncadd.s32 $0xFFFFD800  }
0x1e: {  	[tilespmem:s17], [sflag:$0x7] =	stream.linear.gather [hbm4b:s1+s3], $0x50, $0x38;
	[tilespmem:$0x1E3C0] =	vst v63  }
0x1f: {  	_ =	swait.ge [sflag:s15], $0x50  }
0x20: {  	[sflag:s15] =	ssyncset.done $0x0  }
0x21: {  	s19 =	sadd.s32 s10, s20;
	[sflag:s15] =	ssyncadd.s32 $0xFFFFFFB0  }
0x22: {  	[tilespmem:s18], [sflag:$0x7] =	stream.linear.gather [hbm4b:s19+s3], $0x50, $0x38;
	[tilespmem:$0x1E3C0] =	vst v63  }
0x23: {  	_ =	swait.ge [sflag:s15], $0x50  }
0x24: {  	[sflag:s15] =	ssyncset.done $0x0  }
0x25: {  	[sflag:s15] =	ssyncadd.s32 $0xFFFFFFB0  }
0x26: {  	[tilespmem:s7], [sflag:$0x1] =	stream.indirect.gather [hbm4b:s4+s6], $0x80, s17, s6, $0xb8;
	[tilespmem:$0x1E3C0] =	vst v63  }
0x27: {  	_ =	swait.ge [sflag:s12], $0x2800  }
0x28: {  	[sflag:s12] =	ssyncset.done $0x0  }
0x29: {  	[sflag:s12] =	ssyncadd.s32 $0xFFFFD800  }
0x2a: {  	[spmem:s2] =	stream.indirect.scatter.add.f32 [tilespmem:s7], [sflag:$0x7], $0x80, s18, s6, $0xb8;
	[tilespmem:$0x1E3C0] =	vst v63  }
0x2b: {  	_ =	swait.ge [sflag:s15], $0x2800  }
0x2c: {  	[sflag:s15] =	ssyncset.done $0x0  }
0x2d: {  	[sflag:s15] =	ssyncadd.s32 $0xFFFFD800  }
0x2e: {  	[bflag:$0x0] =	sbarrier.arrive $0xFFFF  }
0x2f: {  	s5 =	rddreg [dreg:$0xa]  }
0x30: {  	s1 =	simm.s32 @p0 $0x1FC7;
	s8 =	rddreg [dreg:$0x12]  }
0x31: {  	[hbm:s5], [sflag:s1] =	dma.local @p0 [spmem:s8], $0x2800  }
0x32: {  	s1 =	simm.s32 @p0 $0x7  }
0x33: {  	_ =	swait.ge @p0 [sflag:s1], $0x2800  }
0x34: {  	[sflag:s1] =	ssyncset.done @p0 $0x0;
	s5 =	rddreg [dreg:$0x11]  }
0x35: {  	[sflag:s1] =	ssyncadd.s32 @p0 $0xFFFFD800;
	s1 =	rddreg [dreg:$0x9]  }
0x36: {  	[hbm:s1], [sflag:s5] =	dma.local @!p0 [spmem:s9], $0x2700  }
0x37: {  	s1 =	simm.s32 @!p0 $0x7  }
0x38: {  	_ =	swait.ge @!p0 [sflag:s1], $0x2700  }
0x39: {  	[sflag:s1] =	ssyncset.done @!p0 $0x0  }
0x3a: {  	s5 =	rddreg [dreg:$0x10];
	[sflag:s1] =	ssyncadd.s32 @!p0 $0xFFFFD900  }
.LBB2_8:
0x3b: {  	s5 =	sadd.s32 $0x1, s5;
	s1 =	rddreg [dreg:$0xf]  }
0x3c: {  	p6 =	sne.s32 s5, s1  }
.Ltmp1:
0x3d: {  	_ = 	snop;
	(pc) =	sbr.rel @!p6 .LBB2_9-.Ltmp1, $1  }
0x3e: {  	_ =	sdelay $0x3  }
.LBB2_1:
0x3f: {  	[dreg:$0x10] =	wrdreg s5  }
0x40: {  	s8 =	rddreg [dreg:$0x6]  }
0x41: {  	s10 =	simm.s32 @!p1 $0x1FC7;
	s5 =	rddreg [dreg:$0x8];
	s1 =	sshrl.u32 @!p1 s8, $0x3  }
0x42: {  	[spmem:s1], [sflag:s10] =	dma.local @!p1 [hbm:s5], $0x2800  }
0x43: {  	s1 =	simm.s32 @!p1 $0x7  }
0x44: {  	_ =	swait.ge @!p1 [sflag:s1], $0x2800  }
0x45: {  	s10 =	simm.s32 @!p2 $0x1FC7;
	[sflag:s1] =	ssyncset.done @!p1 $0x0  }
0x46: {  	s5 =	rddreg [dreg:$0x7];
	[sflag:s1] =	ssyncadd.s32 @!p1 $0xFFFFD800;
	s1 =	sshrl.u32 @!p2 s8, $0x3  }
0x47: {  	[spmem:s1], [sflag:s10] =	dma.local @!p2 [hbm:s5], $0x2800  }
0x48: {  	s1 =	simm.s32 @!p2 $0x7  }
0x49: {  	_ =	swait.ge @!p2 [sflag:s1], $0x2800  }
0x4a: {  	s9 =	stileid.u32;
	s5 =	rddreg [dreg:$0x3]  }
0x4b: {  	s10 =	sshll.u32 @!p3 s9, $0x6;
	[sflag:s1] =	ssyncset.done @!p2 $0x0;
	s19 =	rddreg [dreg:$0x5]  }
0x4c: {  	[sflag:s1] =	ssyncadd.s32 @!p2 $0xFFFFD800;
	s1 =	sor.u32 @!p3 $0x1C07, s10;
	s10 =	sshrl.u32 @!p3 s5, $0x3  }
0x4d: {  	[spmem:s10], [sflag:s1] =	dma.local @!p3 [hbm:s19], $0x2700  }
0x4e: {  	s1 =	simm.s32 @!p3 $0x7  }
0x4f: {  	_ =	swait.ge @!p3 [sflag:s1], $0x2700  }
0x50: {  	s10 =	sshll.u32 @!p4 s9, $0x6;
	[sflag:s1] =	ssyncset.done @!p3 $0x0;
	s19 =	rddreg [dreg:$0x4]  }
0x51: {  	[sflag:s1] =	ssyncadd.s32 @!p3 $0xFFFFD900;
	s1 =	sor.u32 @!p4 $0x1C07, s10;
	s10 =	sshrl.u32 @!p4 s5, $0x3  }
0x52: {  	[spmem:s10], [sflag:s1] =	dma.local @!p4 [hbm:s19], $0x2700  }
0x53: {  	s1 =	simm.s32 @!p4 $0x7  }
.Ltmp2:
0x54: {  	_ =	swait.ge @!p4 [sflag:s1], $0x2700;
	(pc) =	sbr.rel @p5 .LBB2_5-.Ltmp2, $4  }
0x55: {  	[sflag:s1] =	ssyncset.done @!p4 $0x0  }
0x56: {  	[sflag:s1] =	ssyncadd.s32 @!p4 $0xFFFFD900  }
0x57: {  	s10 =	sshll.u32 @!p0 s9, $0x6;
	s1 =	sshrl.u32 @p0 s8, $0x3;
	[bflag:$0x0] =	sbarrier.arrive $0xFFFF  }
0x58: {  	s9 =	sshrl.u32 @!p0 s5, $0x3;
	s8 =	sor.u32 @!p0 $0x1C07, s10;
	[dreg:$0x12] =	wrdreg s1  }
0x59: {  	[tilespmem:s22], [sflag:$0x3] =	stream.linear.gather [hbm4b:s13+s3], $0x80, $0x38;
	[tilespmem:$0x1E3C0] =	vst v63  }
0x5a: {  	_ = 	snop  }
0x5b: {  	[tilespmem:s23], [sflag:$0x5] =	stream.linear.gather [hbm4b:s14+s3], $0x80, $0x38;
	[tilespmem:$0x1E3C0] =	vst v63  }
0x5c: {  	_ =	swait.ge [sflag:s24], $0x80  }
0x5d: {  	[sflag:s24] =	ssyncset.done $0x0  }
0x5e: {  	[sflag:s24] =	ssyncadd.s32 $0xFFFFFF80  }
0x5f: {  	_ =	swait.ge [sflag:s25], $0x80  }
0x60: {  	[sflag:s25] =	ssyncset.done $0x0  }
0x61: {  	[sflag:s25] =	ssyncadd.s32 $0xFFFFFF80  }
0x62: {  	[tilespmem:s28], [sflag:$0x1] =	stream.indirect.gather [hbm4b:s4+s26], $0x80, s22, s26, $0xb8;
	[tilespmem:$0x1E3C0] =	vst v63  }
0x63: {  	s1 =	rddreg [dreg:$0xb]  }
0x64: {  	[tilespmem:s29], [sflag:$0x4] =	stream.linear.gather [hbm4b:s1+s3], $0x80, $0x38;
	[tilespmem:$0x1E3C0] =	vst v63  }
0x65: {  	s19 =	rddreg [dreg:$0xc]  }
0x66: {  	[tilespmem:s30], [sflag:$0x6] =	stream.linear.gather [hbm4b:s19+s3], $0x80, $0x38;
	[tilespmem:$0x1E3C0] =	vst v63  }
0x67: {  	_ =	swait.ge [sflag:s31], $0x80  }
0x68: {  	[sflag:s31] =	ssyncset.done $0x0  }
0x69: {  	[sflag:s31] =	ssyncadd.s32 $0xFFFFFF80  }
0x6a: {  	_ =	swait.ge [sflag:s0], $0x80  }
0x6b: {  	[sflag:s0] =	ssyncset.done $0x0  }
0x6c: {  	[sflag:s0] =	ssyncadd.s32 $0xFFFFFF80  }
0x6d: {  	[tilespmem:s11], [sflag:$0x2] =	stream.indirect.gather [hbm4b:s4+s26], $0x80, s29, s26, $0xb8;
	[tilespmem:$0x1E3C0] =	vst v63  }
0x6e: {  	_ =	swait.ge [sflag:s12], $0x4000  }
0x6f: {  	[sflag:s12] =	ssyncset.done $0x0  }
0x70: {  	[sflag:s12] =	ssyncadd.s32 $0xFFFFC000  }
0x71: {  	[spmem:s2] =	stream.indirect.scatter.add.f32 [tilespmem:s28], [sflag:$0x7], $0x80, s23, s26, $0xb8;
	[tilespmem:$0x1E3C0] =	vst v63  }
0x72: {  	_ =	swait.ge [sflag:s15], $0x4000  }
0x73: {  	s10 =	sadd.s32 $0xFFFFF9A0, s13;
	[sflag:s15] =	ssyncset.done $0x0  }
0x74: {  	s1 =	sadd.s32 $0xFFFFF9A0, s14;
	s19 =	sadd.s32 $0x680, s10;
	[sflag:s15] =	ssyncadd.s32 $0xFFFFC000  }
0x75: {  	[tilespmem:s22], [sflag:$0x3] =	stream.linear.gather [hbm4b:s19+s3], $0x80, $0x38;
	[tilespmem:$0x1E3C0] =	vst v63  }
0x76: {  	s5 =	sadd.s32 $0x680, s1  }
0x77: {  	[tilespmem:s23], [sflag:$0x5] =	stream.linear.gather [hbm4b:s5+s3], $0x80, $0x38;
	[tilespmem:$0x1E3C0] =	vst v63  }
0x78: {  	_ =	swait.ge [sflag:s24], $0x80  }
0x79: {  	[sflag:s24] =	ssyncset.done $0x0  }
0x7a: {  	[sflag:s24] =	ssyncadd.s32 $0xFFFFFF80  }
0x7b: {  	_ =	swait.ge [sflag:s25], $0x80  }
0x7c: {  	[sflag:s25] =	ssyncset.done $0x0  }
0x7d: {  	[sflag:s25] =	ssyncadd.s32 $0xFFFFFF80  }
0x7e: {  	[tilespmem:s28], [sflag:$0x1] =	stream.indirect.gather [hbm4b:s4+s26], $0x80, s22, s26, $0xb8;
	[tilespmem:$0x1E3C0] =	vst v63  }
0x7f: {  	_ =	swait.ge [sflag:s16], $0x4000  }
0x80: {  	[sflag:s16] =	ssyncset.done $0x0  }
0x81: {  	[sflag:s16] =	ssyncadd.s32 $0xFFFFC000  }
0x82: {  	[spmem:s2] =	stream.indirect.scatter.add.f32 [tilespmem:s11], [sflag:$0x7], $0x80, s30, s26, $0xb8;
	[tilespmem:$0x1E3C0] =	vst v63  }
0x83: {  	_ =	swait.ge [sflag:s15], $0x4000  }
0x84: {  	[sflag:s15] =	ssyncset.done $0x0  }
0x85: {  	s10 =	sadd.s32 $0x690, s10;
	[sflag:s15] =	ssyncadd.s32 $0xFFFFC000  }
0x86: {  	[tilespmem:s29], [sflag:$0x4] =	stream.linear.gather [hbm4b:s10+s3], $0x80, $0x38;
	[tilespmem:$0x1E3C0] =	vst v63  }
0x87: {  	s1 =	sadd.s32 $0x690, s1  }
0x88: {  	[tilespmem:s30], [sflag:$0x6] =	stream.linear.gather [hbm4b:s1+s3], $0x80, $0x38;
	[tilespmem:$0x1E3C0] =	vst v63  }
0x89: {  	_ =	swait.ge [sflag:s31], $0x80  }
0x8a: {  	[sflag:s31] =	ssyncset.done $0x0  }
0x8b: {  	[sflag:s31] =	ssyncadd.s32 $0xFFFFFF80  }
0x8c: {  	_ =	swait.ge [sflag:s0], $0x80  }
0x8d: {  	[sflag:s0] =	ssyncset.done $0x0  }
0x8e: {  	s10 =	simm.s32 $0xFFFFF9C0;
	[sflag:s0] =	ssyncadd.s32 $0xFFFFFF80  }
.LBB2_3:
0x8f: {  	[tilespmem:s11], [sflag:$0x2] =	stream.indirect.gather [hbm4b:s4+s26], $0x80, s29, s26, $0xb8;
	[tilespmem:$0x1E3C0] =	vst v63  }
0x90: {  	s1 =	smov.u32 s10  }
0x91: {  	p6 =	seq.s32 s10, $0xFFFFFFE0;
	s10 =	sadd.s32 $0x20, s10;
	_ =	swait.ge [sflag:s12], $0x4000  }
0x92: {  	[sflag:s12] =	ssyncset.done $0x0  }
0x93: {  	[sflag:s12] =	ssyncadd.s32 $0xFFFFC000  }
0x94: {  	[spmem:s2] =	stream.indirect.scatter.add.f32 [tilespmem:s28], [sflag:$0x7], $0x80, s23, s26, $0xb8;
	[tilespmem:$0x1E3C0] =	vst v63  }
0x95: {  	_ =	swait.ge [sflag:s15], $0x4000  }
0x96: {  	s19 =	sadd.s32 s1, s13;
	[sflag:s15] =	ssyncset.done $0x0  }
0x97: {  	s1 =	sadd.s32 s1, s14;
	s5 =	sadd.s32 $0x680, s19;
	[sflag:s15] =	ssyncadd.s32 $0xFFFFC000  }
0x98: {  	[tilespmem:s22], [sflag:$0x3] =	stream.linear.gather [hbm4b:s5+s3], $0x80, $0x38;
	[tilespmem:$0x1E3C0] =	vst v63  }
0x99: {  	s5 =	sadd.s32 $0x680, s1  }
0x9a: {  	[tilespmem:s23], [sflag:$0x5] =	stream.linear.gather [hbm4b:s5+s3], $0x80, $0x38;
	[tilespmem:$0x1E3C0] =	vst v63  }
0x9b: {  	_ =	swait.ge [sflag:s24], $0x80  }
0x9c: {  	[sflag:s24] =	ssyncset.done $0x0  }
0x9d: {  	[sflag:s24] =	ssyncadd.s32 $0xFFFFFF80  }
0x9e: {  	_ =	swait.ge [sflag:s25], $0x80  }
0x9f: {  	[sflag:s25] =	ssyncset.done $0x0  }
0xa0: {  	[sflag:s25] =	ssyncadd.s32 $0xFFFFFF80  }
0xa1: {  	[tilespmem:s28], [sflag:$0x1] =	stream.indirect.gather [hbm4b:s4+s26], $0x80, s22, s26, $0xb8;
	[tilespmem:$0x1E3C0] =	vst v63  }
0xa2: {  	_ =	swait.ge [sflag:s16], $0x4000  }
0xa3: {  	[sflag:s16] =	ssyncset.done $0x0  }
0xa4: {  	[sflag:s16] =	ssyncadd.s32 $0xFFFFC000  }
0xa5: {  	[spmem:s2] =	stream.indirect.scatter.add.f32 [tilespmem:s11], [sflag:$0x7], $0x80, s30, s26, $0xb8;
	[tilespmem:$0x1E3C0] =	vst v63  }
0xa6: {  	_ =	swait.ge [sflag:s15], $0x4000  }
0xa7: {  	[sflag:s15] =	ssyncset.done $0x0  }
0xa8: {  	s5 =	sadd.s32 $0x690, s19;
	[sflag:s15] =	ssyncadd.s32 $0xFFFFC000  }
0xa9: {  	[tilespmem:s29], [sflag:$0x4] =	stream.linear.gather [hbm4b:s5+s3], $0x80, $0x38;
	[tilespmem:$0x1E3C0] =	vst v63  }
0xaa: {  	s1 =	sadd.s32 $0x690, s1  }
0xab: {  	[tilespmem:s30], [sflag:$0x6] =	stream.linear.gather [hbm4b:s1+s3], $0x80, $0x38;
	[tilespmem:$0x1E3C0] =	vst v63  }
0xac: {  	_ =	swait.ge [sflag:s31], $0x80  }
.Ltmp3:
0xad: {  	[sflag:s31] =	ssyncset.done $0x0;
	(pc) =	sbr.rel @!p6 .LBB2_3-.Ltmp3, $4  }
0xae: {  	[sflag:s31] =	ssyncadd.s32 $0xFFFFFF80  }
0xaf: {  	_ =	swait.ge [sflag:s0], $0x80  }
0xb0: {  	[sflag:s0] =	ssyncset.done $0x0  }
0xb1: {  	[sflag:s0] =	ssyncadd.s32 $0xFFFFFF80  }
0xb2: {  	[tilespmem:s11], [sflag:$0x2] =	stream.indirect.gather [hbm4b:s4+s26], $0x80, s29, s26, $0xb8;
	[tilespmem:$0x1E3C0] =	vst v63  }
0xb3: {  	_ =	swait.ge [sflag:s12], $0x4000  }
0xb4: {  	[sflag:s12] =	ssyncset.done $0x0  }
0xb5: {  	[sflag:s12] =	ssyncadd.s32 $0xFFFFC000  }
0xb6: {  	[spmem:s2] =	stream.indirect.scatter.add.f32 [tilespmem:s28], [sflag:$0x7], $0x80, s23, s26, $0xb8;
	[tilespmem:$0x1E3C0] =	vst v63  }
0xb7: {  	_ =	swait.ge [sflag:s15], $0x4000  }
0xb8: {  	[sflag:s15] =	ssyncset.done $0x0  }
0xb9: {  	[sflag:s15] =	ssyncadd.s32 $0xFFFFC000  }
0xba: {  	_ =	swait.ge [sflag:s16], $0x4000  }
0xbb: {  	[sflag:s16] =	ssyncset.done $0x0  }
0xbc: {  	[sflag:s16] =	ssyncadd.s32 $0xFFFFC000  }
0xbd: {  	[spmem:s2] =	stream.indirect.scatter.add.f32 [tilespmem:s11], [sflag:$0x7], $0x80, s30, s26, $0xb8;
	[tilespmem:$0x1E3C0] =	vst v63  }
0xbe: {  	_ =	swait.ge [sflag:s15], $0x4000  }
0xbf: {  	[sflag:s15] =	ssyncset.done $0x0  }
0xc0: {  	[sflag:s15] =	ssyncadd.s32 $0xFFFFC000  }
0xc1: {  	[bflag:$0x0] =	sbarrier.arrive $0xFFFF  }
0xc2: {  	s5 =	rddreg [dreg:$0xe]  }
0xc3: {  	s1 =	simm.s32 @p0 $0x1FC7;
	s10 =	rddreg [dreg:$0x12]  }
0xc4: {  	[hbm:s5], [sflag:s1] =	dma.local @p0 [spmem:s10], $0x2800  }
0xc5: {  	s1 =	simm.s32 @p0 $0x7  }
0xc6: {  	_ =	swait.ge @p0 [sflag:s1], $0x2800  }
0xc7: {  	[sflag:s1] =	ssyncset.done @p0 $0x0  }
0xc8: {  	[sflag:s1] =	ssyncadd.s32 @p0 $0xFFFFD800;
	s1 =	rddreg [dreg:$0xd]  }
0xc9: {  	[hbm:s1], [sflag:s8] =	dma.local @!p0 [spmem:s9], $0x2700  }
.Ltmp4:
0xca: {  	_ = 	snop;
	(pc) =	sbr.rel .LBB2_8-.Ltmp4, $4  }
0xcb: {  	s1 =	simm.s32 @!p0 $0x7  }
0xcc: {  	_ =	swait.ge @!p0 [sflag:s1], $0x2700  }
0xcd: {  	[sflag:s1] =	ssyncset.done @!p0 $0x0  }
0xce: {  	s5 =	rddreg [dreg:$0x10];
	[sflag:s1] =	ssyncadd.s32 @!p0 $0xFFFFD900  }
.LBB2_5:
0xcf: {  	[dreg:$0x11] =	wrdreg s8;
	s1 =	sadd.s32 $0x0, s21  }
0xd0: {  	[tilespmem:s17], [sflag:$0x7] =	stream.linear.gather [hbm4b:s1+s3], $0x50, $0x38;
	[tilespmem:$0x1E3C0] =	vst v63  }
0xd1: {  	_ =	swait.ge [sflag:s15], $0x50  }
0xd2: {  	[sflag:s15] =	ssyncset.done $0x0  }
0xd3: {  	s19 =	sadd.s32 $0x0, s20;
	[sflag:s15] =	ssyncadd.s32 $0xFFFFFFB0  }
0xd4: {  	[tilespmem:s18], [sflag:$0x7] =	stream.linear.gather [hbm4b:s19+s3], $0x50, $0x38;
	[tilespmem:$0x1E3C0] =	vst v63  }
0xd5: {  	_ =	swait.ge [sflag:s15], $0x50  }
0xd6: {  	[sflag:s15] =	ssyncset.done $0x0  }
0xd7: {  	[sflag:s15] =	ssyncadd.s32 $0xFFFFFFB0  }
0xd8: {  	[tilespmem:s7], [sflag:$0x1] =	stream.indirect.gather [hbm4b:s4+s6], $0x80, s17, s6, $0xb8;
	[tilespmem:$0x1E3C0] =	vst v63  }
0xd9: {  	_ =	swait.ge [sflag:s12], $0x2800  }
0xda: {  	[sflag:s12] =	ssyncset.done $0x0  }
0xdb: {  	[sflag:s12] =	ssyncadd.s32 $0xFFFFD800  }
0xdc: {  	[spmem:s2] =	stream.indirect.scatter.add.f32 [tilespmem:s7], [sflag:$0x7], $0x80, s18, s6, $0xb8;
	[tilespmem:$0x1E3C0] =	vst v63  }
0xdd: {  	_ =	swait.ge [sflag:s15], $0x2800  }
0xde: {  	s10 =	simm.s32 $0xA;
	s19 =	simm.s32 $0x14;
	[sflag:s15] =	ssyncset.done $0x0  }
.LBB2_6:
0xdf: {  	s1 =	sadd.s32 s10, s21  }
0xe0: {  	[sflag:s15] =	ssyncadd.s32 $0xFFFFD800;
	s5 =	smov.u32 s19;
	s8 =	sadd.s32 $0xA, s19  }
0xe1: {  	[tilespmem:s17], [sflag:$0x7] =	stream.linear.gather [hbm4b:s1+s3], $0x50, $0x38;
	[tilespmem:$0x1E3C0] =	vst v63  }
0xe2: {  	p6 =	sne.s32 s19, $0x33E;
	_ =	swait.ge [sflag:s15], $0x50  }
0xe3: {  	[sflag:s15] =	ssyncset.done $0x0  }
0xe4: {  	s1 =	sadd.s32 s10, s20;
	s10 =	smov.u32 s5;
	[sflag:s15] =	ssyncadd.s32 $0xFFFFFFB0  }
0xe5: {  	[tilespmem:s18], [sflag:$0x7] =	stream.linear.gather [hbm4b:s1+s3], $0x50, $0x38;
	[tilespmem:$0x1E3C0] =	vst v63  }
0xe6: {  	_ =	swait.ge [sflag:s15], $0x50  }
0xe7: {  	[sflag:s15] =	ssyncset.done $0x0  }
0xe8: {  	[sflag:s15] =	ssyncadd.s32 $0xFFFFFFB0  }
0xe9: {  	[tilespmem:s7], [sflag:$0x1] =	stream.indirect.gather [hbm4b:s4+s6], $0x80, s17, s6, $0xb8;
	[tilespmem:$0x1E3C0] =	vst v63  }
0xea: {  	_ =	swait.ge [sflag:s12], $0x2800  }
.Ltmp5:
0xeb: {  	[sflag:s12] =	ssyncset.done $0x0;
	(pc) =	sbr.rel @p6 .LBB2_6-.Ltmp5, $4  }
0xec: {  	[sflag:s12] =	ssyncadd.s32 $0xFFFFD800  }
0xed: {  	[spmem:s2] =	stream.indirect.scatter.add.f32 [tilespmem:s7], [sflag:$0x7], $0x80, s18, s6, $0xb8;
	[tilespmem:$0x1E3C0] =	vst v63  }
0xee: {  	_ =	swait.ge [sflag:s15], $0x2800  }
0xef: {  	s19 =	smov.u32 s8;
	[sflag:s15] =	ssyncset.done $0x0  }
.Ltmp6:
0xf0: {  	_ = 	snop;
	(pc) =	sbr.rel .LBB2_7-.Ltmp6, $1  }
0xf1: {  	_ =	sdelay $0x3  }
.LBB2_9:
0xf2: {  	_ =	sfence.sel $0x180000  }
0xf3: {  	[bflag:$0x0] =	sbarrier.arrive $0xFFFF  }
0xf4: {  	_ =	strace $0x9000004A  }
0xf5: {  	s0 =	stileid.u32;
	[bflag:$0x2] =	sbarrier.arrive $0xFFFF  }
0xf6: {  	p0 =	sne.s32 s0, $0x0;
	s0 =	rddreg [dreg:$0x2]  }
0xf7: {  	s0 =	sadd.s32 @!p0 $0x100000, s0  }
0xf8: {  	[sflag:s0] =	ssyncadd.tile.s32 @!p0 $0x1;
	_ =	shalt  }
.Lfunc_end2:
_tile_overlayer_lowered:
.L_overlay_start_2:
0xf9: {  	(tag) =	ssettag $0x2  }
0xfa: {  	s0 =	rddreg [dreg:$0x0];
	s2 =	stileid.u32  }
0xfb: {  	s1 =	rddreg [dreg:$0x1];
	p0 =	sne.s32 s2, $0x0  }
0xfc: {  	s3 =	rddreg [dreg:$0x2];
	[bflag:$0x3] =	sbarrier.arrive $0xFFFF;
	s2 =	simm.s32 @!p0 $0x1C07  }
0xfd: {  	[timem:s3], [sflag:s2] =	dma.local @!p0 [hbm:s0], s1  }
0xfe: {  	s0 =	simm.s32 @!p0 $0x7  }
0xff: {  	_ =	swait.ge @!p0 [sflag:s0], s1  }
0x100: {  	s1 =	ssub.s32 @!p0 $0x0, s1;
	[sflag:s0] =	ssyncset.done @!p0 $0x0  }
0x101: {  	[sflag:s0] =	ssyncadd.s32 @!p0 s1  }
0x102: {  	[bflag:$0x3] =	sbarrier.arrive $0xFFFF  }
0x103: {  	_ =	shalt  }

// kernel: kernel.16.cloned.1.call-start
scs
__scs_entry_jumppad:
0x0: {  	(pc) =	sbr.rel $0x88, $3  }
0x1: {  	(tag) =	ssettag $0x0;
	lr =	simm.s32 $0x1  }
0x2: {  	[smem:$0x3F9A] =	sst lr;
	_ =	strace $0xD0000000  }
0x3: {  	_ = 	snop  }
0x4: {  	_ = 	snop  }
0x5: {  	_ = 	snop  }
0x6: {  	_ = 	snop  }
0x7: {  	_ = 	snop  }
__scs_overlays_trampoline_lowered:
0x8: {  	[smem:$0x3FA9] =	sst s0  }
0x9: {  	[smem:$0x3FAA] =	sst s1  }
0xa: {  	[smem:$0x3FAB] =	sst s2  }
0xb: {  	[smem:$0x3FAC] =	sst s3  }
0xc: {  	[smem:$0x3FAD] =	sst s4  }
0xd: {  	[smem:$0x3FAE] =	sst s5  }
0xe: {  	[smem:$0x3FAF] =	sst s6  }
0xf: {  	[smem:$0x3FB0] =	sst s7  }
0x10: {  	[smem:$0x3FB1] =	sst s8  }
0x11: {  	[smem:$0x3FB2] =	sst s9;
	s0 =	simm.s32 @!p0 $0x0  }
0x12: {  	s1 =	sld [smem:$0x3F98];
	s0 =	simm.s32 @p0 $0x1  }
0x13: {  	[smem:$0x3FB3] =	sst s0;
	s0 =	simm.s32 @!p1 $0x0  }
0x14: {  	s2 =	sld [smem:$0x3F97];
	s0 =	simm.s32 @p1 $0x1  }
0x15: {  	[smem:$0x3FB4] =	sst s0;
	s0 =	simm.s32 @!p2 $0x0  }
0x16: {  	s3 =	sld [smem:$0x3FDB];
	s0 =	simm.s32 @p2 $0x1  }
0x17: {  	s4 =	simm.s32 $0x1BF5;
	[smem:$0x3FB6] =	sst s0  }
0x18: {  	s0 =	sld [smem:$0x3F99];
	_ =	swait.ge [sflag:s4], $0x0  }
0x19: {  	s7 =	sld [smem:$0x3F9A]  }
0x1a: {  	s8 =	sadd.s32 $0xFFFFE003, lr  }
0x1b: {  	s9 =	sadd.s32 $0xFFFFFEF7, lr;
	s5 =	simm.s32 $0xFFFFFFFF;
	p2 =	slt.u32 s8, $0xFFFFF086  }
0x1c: {  	p1 =	slt.u32 s9, $0xF7A;
	s5 =	simm.s32 @!p2 $0x0  }
0x1d: {  	s5 =	simm.s32 @p1 $0x1;
	p0 =	seq.s32 s7, s2  }
0x1e: {  	s7 =	smul.u32 @!p0 $0xF7A, s2;
	p2 =	seq.s32 @!p0 s5, $0x0  }
0x1f: {  	s9 =	smul.u32 $0xF7A, s1;
	s8 =	simm.s32 @!p0 $0x1BF5;
	p2 =	por !p2, p0  }
0x20: {  	[sflag:s8] =	ssyncset.s32 @!p0 $0xFFFFF086;
	s6 =	sadd.s32 @!p0 s3, s7;
	s7 =	simm.s32 @!p0 $0x108  }
0x21: {  	s3 =	sadd.s32 s3, s9;
	s6 =	sadd.s32 @!p0 $0x88, s6;
	s7 =	simm.s32 @p2 $0x1082  }
0x22: {  	[simem:s7], [sflag:s8] =	dma.local @!p0 [hbm:s6], $0xF7A  }
0x23: {  	s9 =	sor.u32 $0xD0000000, s2;
	s6 =	simm.s32 $0x108;
	_ =	swait.ge @!p0 [sflag:s8], $0x0  }
0x24: {  	s3 =	sadd.s32 $0x88, s3;
	s6 =	simm.s32 @!p1 $0x1082;
	[sflag:s4] =	ssyncset.s32 $0xFFFFF086  }
0x25: {  	[simem:s6], [sflag:s4] =	dma.local [hbm:s3], $0xF7A  }
0x26: {  	[smem:$0x3F9A] =	sst s1;
	(tag) =	ssettag s2;
	_ =	strace s9  }
0x27: {  	s1 =	sld [smem:$0x3FAA]  }
0x28: {  	s2 =	sld [smem:$0x3FAB]  }
0x29: {  	s4 =	sld [smem:$0x3FAD]  }
0x2a: {  	p0 =	seq.s32 s5, $0x0;
	s5 =	sld [smem:$0x3FAE]  }
0x2b: {  	s6 =	sld [smem:$0x3FAF]  }
0x2c: {  	s7 =	sld [smem:$0x3FB0]  }
0x2d: {  	s3 =	simm.s32 $0x108;
	s8 =	sld [smem:$0x3FB1]  }
0x2e: {  	s3 =	simm.s32 @!p0 $0x1082;
	s9 =	sld [smem:$0x3FB2]  }
0x2f: {  	lr =	sadd.s32 s0, s3;
	s0 =	sld [smem:$0x3FA9]  }
0x30: {  	s3 =	sld [smem:$0x3FAC]  }
0x31: {  	[smem:$0x3FB5] =	sst s10  }
0x32: {  	s10 =	sld [smem:$0x3FB3];
	_ =	sdelay $0x3  }
0x33: {  	p0 =	seq.s32 s10, $0x1;
	s10 =	sld [smem:$0x3FB5];
	_ =	sdelay $0x3  }
0x34: {  	[smem:$0x3FB5] =	sst s10  }
0x35: {  	s10 =	sld [smem:$0x3FB4];
	_ =	sdelay $0x3  }
0x36: {  	p1 =	seq.s32 s10, $0x1;
	s10 =	sld [smem:$0x3FB5];
	_ =	sdelay $0x3  }
0x37: {  	[smem:$0x3FB5] =	sst s10  }
0x38: {  	s10 =	sld [smem:$0x3FB6]  }
0x39: {  	_ = 	snop;
	(pc) =	sbr.ind lr, $3  }
0x3a: {  	_ = 	snop  }
0x3b: {  	_ = 	snop  }
0x3c: {  	p2 =	seq.s32 s10, $0x1;
	s10 =	sld [smem:$0x3FB5]  }
0x3d: {  	_ =	shalt  }
0x3e: {  	_ =	shalt  }
0x3f: {  	_ =	shalt  }
0x40: {  	_ =	shalt  }
0x41: {  	_ =	shalt  }
0x42: {  	_ =	shalt  }
0x43: {  	_ =	shalt  }
0x44: {  	_ =	shalt  }
0x45: {  	_ =	shalt  }
0x46: {  	_ =	shalt  }
0x47: {  	_ =	shalt  }
0x48: {  	_ =	shalt  }
0x49: {  	_ =	shalt  }
0x4a: {  	_ =	shalt  }
0x4b: {  	_ =	shalt  }
0x4c: {  	_ =	shalt  }
0x4d: {  	_ =	shalt  }
0x4e: {  	_ =	shalt  }
0x4f: {  	_ =	shalt  }
0x50: {  	_ =	shalt  }
0x51: {  	_ =	shalt  }
0x52: {  	_ =	shalt  }
0x53: {  	_ =	shalt  }
0x54: {  	_ =	shalt  }
0x55: {  	_ =	shalt  }
0x56: {  	_ =	shalt  }
0x57: {  	_ =	shalt  }
0x58: {  	_ =	shalt  }
0x59: {  	_ =	shalt  }
0x5a: {  	_ =	shalt  }
0x5b: {  	_ =	shalt  }
0x5c: {  	_ =	shalt  }
0x5d: {  	_ =	shalt  }
0x5e: {  	_ =	shalt  }
0x5f: {  	_ =	shalt  }
0x60: {  	_ =	shalt  }
0x61: {  	_ =	shalt  }
0x62: {  	_ =	shalt  }
0x63: {  	_ =	shalt  }
0x64: {  	_ =	shalt  }
0x65: {  	_ =	shalt  }
0x66: {  	_ =	shalt  }
0x67: {  	_ =	shalt  }
0x68: {  	_ =	shalt  }
0x69: {  	_ =	shalt  }
0x6a: {  	_ =	shalt  }
0x6b: {  	_ =	shalt  }
0x6c: {  	_ =	shalt  }
0x6d: {  	_ =	shalt  }
0x6e: {  	_ =	shalt  }
0x6f: {  	_ =	shalt  }
0x70: {  	_ =	shalt  }
0x71: {  	_ =	shalt  }
0x72: {  	_ =	shalt  }
0x73: {  	_ =	shalt  }
0x74: {  	_ =	shalt  }
0x75: {  	_ =	shalt  }
0x76: {  	_ =	shalt  }
0x77: {  	_ =	shalt  }
0x78: {  	_ =	shalt  }
0x79: {  	_ =	shalt  }
0x7a: {  	_ =	shalt  }
0x7b: {  	_ =	shalt  }
0x7c: {  	_ =	shalt  }
0x7d: {  	_ =	shalt  }
0x7e: {  	_ =	shalt  }
0x7f: {  	_ =	shalt  }
0x80: {  	_ =	shalt  }
0x81: {  	_ =	shalt  }
0x82: {  	_ =	shalt  }
0x83: {  	_ =	shalt  }
0x84: {  	_ =	shalt  }
0x85: {  	_ =	shalt  }
0x86: {  	_ =	shalt  }
0x87: {  	_ =	shalt  }
.Lfunc_end0:
.L_simem_size_0:
called_computation.2_lowered:
.L_overlay_start_0:
0x88: {  	s2 =	sld [smem:$0x3FD9]  }
0x89: {  	s3 =	sld [smem:$0x3FFE];
	_ =	sdelay $0x1  }
0x8a: {  	s1 =	srdreg.scid  }
0x8b: {  	s0 =	sand.u32 $0x1, s1  }
0x8c: {  	s16 =	sshll.u32 s0, $0xA;
	s2 =	sadd.s32 s3, s2  }
0x8d: {  	s2 =	sadd.s32 s2, s16  }
0x8e: {  	[smem:$0x3FC1] =	sst s2  }
0x8f: {  	_ = 	snop  }
0x90: {  	(tm) =	ssettm $0x1  }
0x91: {  	s17 =	sld [smem:$0x3FFB];
	_ =	sdelay $0x3  }
0x92: {  	_ =	strace s17  }
0x93: {  	s2 =	sld [smem:$0x3FFC];
	_ =	sdelay $0x3  }
0x94: {  	_ =	strace s2  }
0x95: {  	s2 =	sld [smem:$0x3FFD];
	_ =	sdelay $0x3  }
0x96: {  	_ =	strace s2  }
0x97: {  	_ =	strace $0x8FFFFFFF  }
0x98: {  	s18 =	sld [smem:$0x3FDB];
	_ =	sdelay $0x1  }
0x99: {  	s19 =	simm.s32 $_scs_section_size  }
0x9a: {  	s4 =	simm.s32 $_size__tile_overlayer_lowered;
	s5 =	simm.s32 $_tile_overlayer_lowered  }
0x9b: {  	s22 =	simm.s32 $0x1BFF;
	s21 =	sshll.u32 s5, $0x1;
	s2 =	sadd.s32 s19, s18  }
0x9c: {  	s6 =	simm.s32 $0x0;
	s20 =	sshll.u32 s4, $0x1;
	s4 =	sadd.s32 s21, s2  }
0x9d: {  	[timem:s6], [sflag:s22] =	dma.local [hbm:s4], s20  }
0x9e: {  	_ =	swait.ge [sflag:s22], s20  }
0x9f: {  	s3 =	ssub.s32 $0x0, s20;
	[sflag:s22] =	ssyncset.done $0x0  }
0xa0: {  	[sflag:s22] =	ssyncadd.s32 s3;
	_ =	sdelay $0x1  }
0xa1: {  	s23 =	simm.s32 $0x1B8B  }
0xa2: {  	_ =	swait.ge [sflag:s23], $0x1  }
0xa3: {  	[sflag:s23] =	ssyncset.done $0x0  }
0xa4: {  	s25 =	simm.s32 $0x1B8E;
	s24 =	sld [smem:$0x3FFE];
	[sflag:s23] =	ssyncadd.s32 $0xFFFFFFFF  }
0xa5: {  	s26 =	simm.s32 $execute0_lowered;
	[smem:$0x3FD2] =	sst s25  }
0xa6: {  	s4 =	sshll.u32 s26, $0x1;
	_ =	strace $0x8000004C;
	[dreg:$0x1] =	wrdreg $0xFFFFFFFF  }
0xa7: {  	s28 =	simm.s32 $_size_execute0_lowered;
	s2 =	sadd.s32 s2, s4;
	[dreg:$0x0] =	wrdreg $0x0  }
0xa8: {  	s4 =	sshll.u32 s28, $0x1;
	[dreg:$0x2] =	wrdreg s2  }
0xa9: {  	[dreg:$0x3] =	wrdreg s4  }
0xaa: {  	[dreg:$0x4] =	wrdreg $0xC0  }
0xab: {  	_ =	task [dreg:s6], $0x5FFFF  }
0xac: {  	[dreg:$0x1] =	wrdreg $0xFFFFFFFF  }
0xad: {  	[dreg:$0x0] =	wrdreg $0x60  }
0xae: {  	[dreg:$0x2] =	wrdreg s24  }
0xaf: {  	[dreg:$0x3] =	wrdreg $0x0  }
0xb0: {  	[dreg:$0x4] =	wrdreg $0x9  }
0xb1: {  	_ =	task.clear_ibuf [dreg:s6], $0x5FFFF;
	_ =	strace $0x9000004C  }
0xb2: {  	s29 =	simm.s32 $0x9;
	_ =	strace $0x8000004E  }
0xb3: {  	_ =	swait.ge [sflag:s29], $0x1  }
0xb4: {  	[sflag:s29] =	ssyncadd.s32 $0xFFFFFFFF  }
0xb5: {  	_ =	strace $0x9000004E  }
0xb6: {  	_ =	sfence  }
0xb7: {  	s30 =	sld [smem:$0x0];
	_ =	sdelay $0x2  }
0xb8: {  	s31 =	sshll.u32 s1, $0xD;
	s1 =	sshrl.u32 s1, $0x2  }
0xb9: {  	s3 =	sand.u32 $0x4000, s31;
	s1 =	sadd.s32 s1, s30  }
0xba: {  	s0 =	sor.u32 s3, s0;
	s1 =	sshll.u32 s1, $0x11  }
0xbb: {  	s0 =	sor.u32 s1, s0  }
0xbc: {  	s0 =	sadd.s32 $0x8F2B, s0  }
0xbd: {  	[sflag:s0] =	ssyncadd.remote.s32 $0x1  }
0xbe: {  	_ =	sfence.sel $0xFFFF  }
0xbf: {  	[dreg:$0x0] =	wrdreg $0xFFFFFFFF;
	(pc) =	sbr.abs _section_cstart, $3  }
0xc0: {  	[dreg:$0x1] =	wrdreg $0xFFFFFFFF  }
0xc1: {  	_ =	task.clear_ibuf [dreg:s6], $0x2FFFF;
	_ =	strace $0x9FFFFFFF  }
0xc2: {  	(tm) =	ssettm $0x7FFFFFFF  }
0xc3: {  	_ =	shalt  }
tec
execute0_lowered:
.L_overlay_start_1:
0x0: {  	(tag) =	ssettag $0x1  }
0x1: {  	s0 =	rddreg [dreg:$0x0]  }
0x2: {  	s2 =	rddreg [dreg:$0x1];
	s3 =	simm.s32 $0x0  }
0x3: {  	s7 =	stileid.u32;
	s1 =	srdreg.scid;
	s28 =	simm.s32 $0x13BC0  }
0x4: {  	s29 =	simm.s32 $0x13940;
	s30 =	simm.s32 $0x13A40;
	s31 =	simm.s32 $0x4  }
0x5: {  	[smem:$0x7FF] =	sst s3;
	s6 =	smul.u32 $0x2700, s7;
	s1 =	sand.u32 $0x1, s1  }
0x6: {  	s4 =	sadd.s32 $0x48C00, s0;
	s7 =	smul.u32 $0x4E000, s7;
	s14 =	sadd.s32 $0x124800, s2  }
0x7: {  	s16 =	sadd.s32 $0x6D500, s0;
	_ =	strace $0x8000004D;
	[dreg:$0x6] =	wrdreg s14  }
0x8: {  	s9 =	sadd.s32 $0x17A00, s0;
	s17 =	sadd.s32 $0x94700, s0;
	[dreg:$0x7] =	wrdreg s16  }
0x9: {  	s10 =	sadd.s32 $0xCE00, s0;
	s19 =	sadd.s32 $0xE2B00, s0;
	[dreg:$0x8] =	wrdreg s17  }
0xa: {  	s5 =	ssub.s32 $0x2, s1;
	p4 =	seq.s32 s1, $0x1;
	[dreg:$0xa] =	wrdreg s19  }
0xb: {  	p5 =	sne.s32 s1, $0x0;
	s16 =	simm.s32 $0x2;
	s17 =	simm.s32 $0x13AC0  }
0xc: {  	s8 =	sshrl.u32 s5, $0x1;
	s11 =	sadd.s32 s6, s0;
	s26 =	sshrl.u32 s7, $0x2  }
0xd: {  	s7 =	sadd.s32 s4, s6;
	s0 =	sadd.s32 $0xBB900, s0;
	s12 =	ssub.s32 s5, s8  }
0xe: {  	s8 =	stileid.u32;
	s5 =	sadd.s32 s26, s2;
	[dreg:$0x4] =	wrdreg s7  }
0xf: {  	s13 =	sadd.s32 $0x6FE00, s11;
	s18 =	sadd.s32 $0xBE200, s11;
	[dreg:$0xe] =	wrdreg s0  }
0x10: {  	s24 =	sadd.s32 $0x97000, s11;
	s0 =	simm.s32 $0x6;
	[dreg:$0x3] =	wrdreg s5  }
0x11: {  	s11 =	simm.s32 $0x17BC0;
	[dreg:$0x5] =	wrdreg s13;
	s15 =	smul.u32 $0x680, s8  }
0x12: {  	s7 =	simm.s32 $0x1BBC0;
	[dreg:$0x9] =	wrdreg s18;
	s22 =	smul.u32 $0x348, s8  }
0x13: {  	[dreg:$0xd] =	wrdreg s24;
	s25 =	smax.u32 s12, $0x1;
	p0 =	seq.s32 s8, $0xF  }
0x14: {  	s24 =	simm.s32 $0x3;
	s12 =	simm.s32 $0x1;
	s18 =	simm.s32 $0x13B40  }
0x15: {  	s5 =	simm.s32 $0x0;
	[dreg:$0xf] =	wrdreg s25;
	p1 =	por !p4, !p0  }
0x16: {  	p2 =	por p4, !p0;
	p3 =	por !p4, p0;
	p4 =	por p4, p0  }
0x17: {  	s25 =	simm.s32 $0x5;
	s13 =	sadd.s32 s9, s15;
	s20 =	sor.u32 $0x10, s15  }
.Ltmp0:
0x18: {  	s14 =	sadd.s32 s10, s15;
	s26 =	sadd.s32 s22, s10;
	(pc) =	sbr.rel .LBB2_1-.Ltmp0, $4  }
0x19: {  	s6 =	sadd.s32 s22, s9;
	s22 =	simm.s32 $0x138C0;
	s21 =	sadd.s32 s9, s20  }
0x1a: {  	s15 =	simm.s32 $0x7;
	s23 =	sadd.s32 s10, s20;
	[dreg:$0xb] =	wrdreg s21  }
0x1b: {  	s20 =	sadd.s32 $0x6800, s26;
	s26 =	simm.s32 $0x80;
	[dreg:$0xc] =	wrdreg s23  }
0x1c: {  	s21 =	sadd.s32 $0x6800, s6;
	s23 =	simm.s32 $0x139C0;
	s6 =	simm.s32 $0x50  }
.LBB2_7:
0x1d: {  	s1 =	sadd.s32 s10, s21;
	[sflag:s15] =	ssyncadd.s32 $0xFFFFD800  }
0x1e: {  	[tilespmem:s17], [sflag:$0x7] =	stream.linear.gather [hbm4b:s1+s3], $0x50, $0x38;
	[tilespmem:$0x1E3C0] =	vst v63  }
0x1f: {  	_ =	swait.ge [sflag:s15], $0x50  }
0x20: {  	[sflag:s15] =	ssyncset.done $0x0  }
0x21: {  	s19 =	sadd.s32 s10, s20;
	[sflag:s15] =	ssyncadd.s32 $0xFFFFFFB0  }
0x22: {  	[tilespmem:s18], [sflag:$0x7] =	stream.linear.gather [hbm4b:s19+s3], $0x50, $0x38;
	[tilespmem:$0x1E3C0] =	vst v63  }
0x23: {  	_ =	swait.ge [sflag:s15], $0x50  }
0x24: {  	[sflag:s15] =	ssyncset.done $0x0  }
0x25: {  	[sflag:s15] =	ssyncadd.s32 $0xFFFFFFB0  }
0x26: {  	[tilespmem:s7], [sflag:$0x1] =	stream.indirect.gather [hbm4b:s4+s6], $0x80, s17, s6, $0xb8;
	[tilespmem:$0x1E3C0] =	vst v63  }
0x27: {  	_ =	swait.ge [sflag:s12], $0x2800  }
0x28: {  	[sflag:s12] =	ssyncset.done $0x0  }
0x29: {  	[sflag:s12] =	ssyncadd.s32 $0xFFFFD800  }
0x2a: {  	[spmem:s2] =	stream.indirect.scatter.add.f32 [tilespmem:s7], [sflag:$0x7], $0x80, s18, s6, $0xb8;
	[tilespmem:$0x1E3C0] =	vst v63  }
0x2b: {  	_ =	swait.ge [sflag:s15], $0x2800  }
0x2c: {  	[sflag:s15] =	ssyncset.done $0x0  }
0x2d: {  	[sflag:s15] =	ssyncadd.s32 $0xFFFFD800  }
0x2e: {  	[bflag:$0x0] =	sbarrier.arrive $0xFFFF  }
0x2f: {  	s5 =	rddreg [dreg:$0xa]  }
0x30: {  	s1 =	simm.s32 @p0 $0x1FC7;
	s8 =	rddreg [dreg:$0x12]  }
0x31: {  	[hbm:s5], [sflag:s1] =	dma.local @p0 [spmem:s8], $0x2800  }
0x32: {  	s1 =	simm.s32 @p0 $0x7  }
0x33: {  	_ =	swait.ge @p0 [sflag:s1], $0x2800  }
0x34: {  	[sflag:s1] =	ssyncset.done @p0 $0x0;
	s5 =	rddreg [dreg:$0x11]  }
0x35: {  	[sflag:s1] =	ssyncadd.s32 @p0 $0xFFFFD800;
	s1 =	rddreg [dreg:$0x9]  }
0x36: {  	[hbm:s1], [sflag:s5] =	dma.local @!p0 [spmem:s9], $0x2700  }
0x37: {  	s1 =	simm.s32 @!p0 $0x7  }
0x38: {  	_ =	swait.ge @!p0 [sflag:s1], $0x2700  }
0x39: {  	[sflag:s1] =	ssyncset.done @!p0 $0x0  }
0x3a: {  	s5 =	rddreg [dreg:$0x10];
	[sflag:s1] =	ssyncadd.s32 @!p0 $0xFFFFD900  }
.LBB2_8:
0x3b: {  	s5 =	sadd.s32 $0x1, s5;
	s1 =	rddreg [dreg:$0xf]  }
0x3c: {  	p6 =	sne.s32 s5, s1  }
.Ltmp1:
0x3d: {  	_ = 	snop;
	(pc) =	sbr.rel @!p6 .LBB2_9-.Ltmp1, $1  }
0x3e: {  	_ =	sdelay $0x3  }
.LBB2_1:
0x3f: {  	[dreg:$0x10] =	wrdreg s5  }
0x40: {  	s8 =	rddreg [dreg:$0x6]  }
0x41: {  	s10 =	simm.s32 @!p1 $0x1FC7;
	s5 =	rddreg [dreg:$0x8];
	s1 =	sshrl.u32 @!p1 s8, $0x3  }
0x42: {  	[spmem:s1], [sflag:s10] =	dma.local @!p1 [hbm:s5], $0x2800  }
0x43: {  	s1 =	simm.s32 @!p1 $0x7  }
0x44: {  	_ =	swait.ge @!p1 [sflag:s1], $0x2800  }
0x45: {  	s10 =	simm.s32 @!p2 $0x1FC7;
	[sflag:s1] =	ssyncset.done @!p1 $0x0  }
0x46: {  	s5 =	rddreg [dreg:$0x7];
	[sflag:s1] =	ssyncadd.s32 @!p1 $0xFFFFD800;
	s1 =	sshrl.u32 @!p2 s8, $0x3  }
0x47: {  	[spmem:s1], [sflag:s10] =	dma.local @!p2 [hbm:s5], $0x2800  }
0x48: {  	s1 =	simm.s32 @!p2 $0x7  }
0x49: {  	_ =	swait.ge @!p2 [sflag:s1], $0x2800  }
0x4a: {  	s9 =	stileid.u32;
	s5 =	rddreg [dreg:$0x3]  }
0x4b: {  	s10 =	sshll.u32 @!p3 s9, $0x6;
	[sflag:s1] =	ssyncset.done @!p2 $0x0;
	s19 =	rddreg [dreg:$0x5]  }
0x4c: {  	[sflag:s1] =	ssyncadd.s32 @!p2 $0xFFFFD800;
	s1 =	sor.u32 @!p3 $0x1C07, s10;
	s10 =	sshrl.u32 @!p3 s5, $0x3  }
0x4d: {  	[spmem:s10], [sflag:s1] =	dma.local @!p3 [hbm:s19], $0x2700  }
0x4e: {  	s1 =	simm.s32 @!p3 $0x7  }
0x4f: {  	_ =	swait.ge @!p3 [sflag:s1], $0x2700  }
0x50: {  	s10 =	sshll.u32 @!p4 s9, $0x6;
	[sflag:s1] =	ssyncset.done @!p3 $0x0;
	s19 =	rddreg [dreg:$0x4]  }
0x51: {  	[sflag:s1] =	ssyncadd.s32 @!p3 $0xFFFFD900;
	s1 =	sor.u32 @!p4 $0x1C07, s10;
	s10 =	sshrl.u32 @!p4 s5, $0x3  }
0x52: {  	[spmem:s10], [sflag:s1] =	dma.local @!p4 [hbm:s19], $0x2700  }
0x53: {  	s1 =	simm.s32 @!p4 $0x7  }
.Ltmp2:
0x54: {  	_ =	swait.ge @!p4 [sflag:s1], $0x2700;
	(pc) =	sbr.rel @p5 .LBB2_5-.Ltmp2, $4  }
0x55: {  	[sflag:s1] =	ssyncset.done @!p4 $0x0  }
0x56: {  	[sflag:s1] =	ssyncadd.s32 @!p4 $0xFFFFD900  }
0x57: {  	s10 =	sshll.u32 @!p0 s9, $0x6;
	s1 =	sshrl.u32 @p0 s8, $0x3;
	[bflag:$0x0] =	sbarrier.arrive $0xFFFF  }
0x58: {  	s9 =	sshrl.u32 @!p0 s5, $0x3;
	s8 =	sor.u32 @!p0 $0x1C07, s10;
	[dreg:$0x12] =	wrdreg s1  }
0x59: {  	[tilespmem:s22], [sflag:$0x3] =	stream.linear.gather [hbm4b:s13+s3], $0x80, $0x38;
	[tilespmem:$0x1E3C0] =	vst v63  }
0x5a: {  	_ = 	snop  }
0x5b: {  	[tilespmem:s23], [sflag:$0x5] =	stream.linear.gather [hbm4b:s14+s3], $0x80, $0x38;
	[tilespmem:$0x1E3C0] =	vst v63  }
0x5c: {  	_ =	swait.ge [sflag:s24], $0x80  }
0x5d: {  	[sflag:s24] =	ssyncset.done $0x0  }
0x5e: {  	[sflag:s24] =	ssyncadd.s32 $0xFFFFFF80  }
0x5f: {  	_ =	swait.ge [sflag:s25], $0x80  }
0x60: {  	[sflag:s25] =	ssyncset.done $0x0  }
0x61: {  	[sflag:s25] =	ssyncadd.s32 $0xFFFFFF80  }
0x62: {  	[tilespmem:s28], [sflag:$0x1] =	stream.indirect.gather [hbm4b:s4+s26], $0x80, s22, s26, $0xb8;
	[tilespmem:$0x1E3C0] =	vst v63  }
0x63: {  	s1 =	rddreg [dreg:$0xb]  }
0x64: {  	[tilespmem:s29], [sflag:$0x4] =	stream.linear.gather [hbm4b:s1+s3], $0x80, $0x38;
	[tilespmem:$0x1E3C0] =	vst v63  }
0x65: {  	s19 =	rddreg [dreg:$0xc]  }
0x66: {  	[tilespmem:s30], [sflag:$0x6] =	stream.linear.gather [hbm4b:s19+s3], $0x80, $0x38;
	[tilespmem:$0x1E3C0] =	vst v63  }
0x67: {  	_ =	swait.ge [sflag:s31], $0x80  }
0x68: {  	[sflag:s31] =	ssyncset.done $0x0  }
0x69: {  	[sflag:s31] =	ssyncadd.s32 $0xFFFFFF80  }
0x6a: {  	_ =	swait.ge [sflag:s0], $0x80  }
0x6b: {  	[sflag:s0] =	ssyncset.done $0x0  }
0x6c: {  	[sflag:s0] =	ssyncadd.s32 $0xFFFFFF80  }
0x6d: {  	[tilespmem:s11], [sflag:$0x2] =	stream.indirect.gather [hbm4b:s4+s26], $0x80, s29, s26, $0xb8;
	[tilespmem:$0x1E3C0] =	vst v63  }
0x6e: {  	_ =	swait.ge [sflag:s12], $0x4000  }
0x6f: {  	[sflag:s12] =	ssyncset.done $0x0  }
0x70: {  	[sflag:s12] =	ssyncadd.s32 $0xFFFFC000  }
0x71: {  	[spmem:s2] =	stream.indirect.scatter.add.f32 [tilespmem:s28], [sflag:$0x7], $0x80, s23, s26, $0xb8;
	[tilespmem:$0x1E3C0] =	vst v63  }
0x72: {  	_ =	swait.ge [sflag:s15], $0x4000  }
0x73: {  	s10 =	sadd.s32 $0xFFFFF9A0, s13;
	[sflag:s15] =	ssyncset.done $0x0  }
0x74: {  	s1 =	sadd.s32 $0xFFFFF9A0, s14;
	s19 =	sadd.s32 $0x680, s10;
	[sflag:s15] =	ssyncadd.s32 $0xFFFFC000  }
0x75: {  	[tilespmem:s22], [sflag:$0x3] =	stream.linear.gather [hbm4b:s19+s3], $0x80, $0x38;
	[tilespmem:$0x1E3C0] =	vst v63  }
0x76: {  	s5 =	sadd.s32 $0x680, s1  }
0x77: {  	[tilespmem:s23], [sflag:$0x5] =	stream.linear.gather [hbm4b:s5+s3], $0x80, $0x38;
	[tilespmem:$0x1E3C0] =	vst v63  }
0x78: {  	_ =	swait.ge [sflag:s24], $0x80  }
0x79: {  	[sflag:s24] =	ssyncset.done $0x0  }
0x7a: {  	[sflag:s24] =	ssyncadd.s32 $0xFFFFFF80  }
0x7b: {  	_ =	swait.ge [sflag:s25], $0x80  }
0x7c: {  	[sflag:s25] =	ssyncset.done $0x0  }
0x7d: {  	[sflag:s25] =	ssyncadd.s32 $0xFFFFFF80  }
0x7e: {  	[tilespmem:s28], [sflag:$0x1] =	stream.indirect.gather [hbm4b:s4+s26], $0x80, s22, s26, $0xb8;
	[tilespmem:$0x1E3C0] =	vst v63  }
0x7f: {  	_ =	swait.ge [sflag:s16], $0x4000  }
0x80: {  	[sflag:s16] =	ssyncset.done $0x0  }
0x81: {  	[sflag:s16] =	ssyncadd.s32 $0xFFFFC000  }
0x82: {  	[spmem:s2] =	stream.indirect.scatter.add.f32 [tilespmem:s11], [sflag:$0x7], $0x80, s30, s26, $0xb8;
	[tilespmem:$0x1E3C0] =	vst v63  }
0x83: {  	_ =	swait.ge [sflag:s15], $0x4000  }
0x84: {  	[sflag:s15] =	ssyncset.done $0x0  }
0x85: {  	s10 =	sadd.s32 $0x690, s10;
	[sflag:s15] =	ssyncadd.s32 $0xFFFFC000  }
0x86: {  	[tilespmem:s29], [sflag:$0x4] =	stream.linear.gather [hbm4b:s10+s3], $0x80, $0x38;
	[tilespmem:$0x1E3C0] =	vst v63  }
0x87: {  	s1 =	sadd.s32 $0x690, s1  }
0x88: {  	[tilespmem:s30], [sflag:$0x6] =	stream.linear.gather [hbm4b:s1+s3], $0x80, $0x38;
	[tilespmem:$0x1E3C0] =	vst v63  }
0x89: {  	_ =	swait.ge [sflag:s31], $0x80  }
0x8a: {  	[sflag:s31] =	ssyncset.done $0x0  }
0x8b: {  	[sflag:s31] =	ssyncadd.s32 $0xFFFFFF80  }
0x8c: {  	_ =	swait.ge [sflag:s0], $0x80  }
0x8d: {  	[sflag:s0] =	ssyncset.done $0x0  }
0x8e: {  	s10 =	simm.s32 $0xFFFFF9C0;
	[sflag:s0] =	ssyncadd.s32 $0xFFFFFF80  }
.LBB2_3:
0x8f: {  	[tilespmem:s11], [sflag:$0x2] =	stream.indirect.gather [hbm4b:s4+s26], $0x80, s29, s26, $0xb8;
	[tilespmem:$0x1E3C0] =	vst v63  }
0x90: {  	s1 =	smov.u32 s10  }
0x91: {  	p6 =	seq.s32 s10, $0xFFFFFFE0;
	s10 =	sadd.s32 $0x20, s10;
	_ =	swait.ge [sflag:s12], $0x4000  }
0x92: {  	[sflag:s12] =	ssyncset.done $0x0  }
0x93: {  	[sflag:s12] =	ssyncadd.s32 $0xFFFFC000  }
0x94: {  	[spmem:s2] =	stream.indirect.scatter.add.f32 [tilespmem:s28], [sflag:$0x7], $0x80, s23, s26, $0xb8;
	[tilespmem:$0x1E3C0] =	vst v63  }
0x95: {  	_ =	swait.ge [sflag:s15], $0x4000  }
0x96: {  	s19 =	sadd.s32 s1, s13;
	[sflag:s15] =	ssyncset.done $0x0  }
0x97: {  	s1 =	sadd.s32 s1, s14;
	s5 =	sadd.s32 $0x680, s19;
	[sflag:s15] =	ssyncadd.s32 $0xFFFFC000  }
0x98: {  	[tilespmem:s22], [sflag:$0x3] =	stream.linear.gather [hbm4b:s5+s3], $0x80, $0x38;
	[tilespmem:$0x1E3C0] =	vst v63  }
0x99: {  	s5 =	sadd.s32 $0x680, s1  }
0x9a: {  	[tilespmem:s23], [sflag:$0x5] =	stream.linear.gather [hbm4b:s5+s3], $0x80, $0x38;
	[tilespmem:$0x1E3C0] =	vst v63  }
0x9b: {  	_ =	swait.ge [sflag:s24], $0x80  }
0x9c: {  	[sflag:s24] =	ssyncset.done $0x0  }
0x9d: {  	[sflag:s24] =	ssyncadd.s32 $0xFFFFFF80  }
0x9e: {  	_ =	swait.ge [sflag:s25], $0x80  }
0x9f: {  	[sflag:s25] =	ssyncset.done $0x0  }
0xa0: {  	[sflag:s25] =	ssyncadd.s32 $0xFFFFFF80  }
0xa1: {  	[tilespmem:s28], [sflag:$0x1] =	stream.indirect.gather [hbm4b:s4+s26], $0x80, s22, s26, $0xb8;
	[tilespmem:$0x1E3C0] =	vst v63  }
0xa2: {  	_ =	swait.ge [sflag:s16], $0x4000  }
0xa3: {  	[sflag:s16] =	ssyncset.done $0x0  }
0xa4: {  	[sflag:s16] =	ssyncadd.s32 $0xFFFFC000  }
0xa5: {  	[spmem:s2] =	stream.indirect.scatter.add.f32 [tilespmem:s11], [sflag:$0x7], $0x80, s30, s26, $0xb8;
	[tilespmem:$0x1E3C0] =	vst v63  }
0xa6: {  	_ =	swait.ge [sflag:s15], $0x4000  }
0xa7: {  	[sflag:s15] =	ssyncset.done $0x0  }
0xa8: {  	s5 =	sadd.s32 $0x690, s19;
	[sflag:s15] =	ssyncadd.s32 $0xFFFFC000  }
0xa9: {  	[tilespmem:s29], [sflag:$0x4] =	stream.linear.gather [hbm4b:s5+s3], $0x80, $0x38;
	[tilespmem:$0x1E3C0] =	vst v63  }
0xaa: {  	s1 =	sadd.s32 $0x690, s1  }
0xab: {  	[tilespmem:s30], [sflag:$0x6] =	stream.linear.gather [hbm4b:s1+s3], $0x80, $0x38;
	[tilespmem:$0x1E3C0] =	vst v63  }
0xac: {  	_ =	swait.ge [sflag:s31], $0x80  }
.Ltmp3:
0xad: {  	[sflag:s31] =	ssyncset.done $0x0;
	(pc) =	sbr.rel @!p6 .LBB2_3-.Ltmp3, $4  }
0xae: {  	[sflag:s31] =	ssyncadd.s32 $0xFFFFFF80  }
0xaf: {  	_ =	swait.ge [sflag:s0], $0x80  }
0xb0: {  	[sflag:s0] =	ssyncset.done $0x0  }
0xb1: {  	[sflag:s0] =	ssyncadd.s32 $0xFFFFFF80  }
0xb2: {  	[tilespmem:s11], [sflag:$0x2] =	stream.indirect.gather [hbm4b:s4+s26], $0x80, s29, s26, $0xb8;
	[tilespmem:$0x1E3C0] =	vst v63  }
0xb3: {  	_ =	swait.ge [sflag:s12], $0x4000  }
0xb4: {  	[sflag:s12] =	ssyncset.done $0x0  }
0xb5: {  	[sflag:s12] =	ssyncadd.s32 $0xFFFFC000  }
0xb6: {  	[spmem:s2] =	stream.indirect.scatter.add.f32 [tilespmem:s28], [sflag:$0x7], $0x80, s23, s26, $0xb8;
	[tilespmem:$0x1E3C0] =	vst v63  }
0xb7: {  	_ =	swait.ge [sflag:s15], $0x4000  }
0xb8: {  	[sflag:s15] =	ssyncset.done $0x0  }
0xb9: {  	[sflag:s15] =	ssyncadd.s32 $0xFFFFC000  }
0xba: {  	_ =	swait.ge [sflag:s16], $0x4000  }
0xbb: {  	[sflag:s16] =	ssyncset.done $0x0  }
0xbc: {  	[sflag:s16] =	ssyncadd.s32 $0xFFFFC000  }
0xbd: {  	[spmem:s2] =	stream.indirect.scatter.add.f32 [tilespmem:s11], [sflag:$0x7], $0x80, s30, s26, $0xb8;
	[tilespmem:$0x1E3C0] =	vst v63  }
0xbe: {  	_ =	swait.ge [sflag:s15], $0x4000  }
0xbf: {  	[sflag:s15] =	ssyncset.done $0x0  }
0xc0: {  	[sflag:s15] =	ssyncadd.s32 $0xFFFFC000  }
0xc1: {  	[bflag:$0x0] =	sbarrier.arrive $0xFFFF  }
0xc2: {  	s5 =	rddreg [dreg:$0xe]  }
0xc3: {  	s1 =	simm.s32 @p0 $0x1FC7;
	s10 =	rddreg [dreg:$0x12]  }
0xc4: {  	[hbm:s5], [sflag:s1] =	dma.local @p0 [spmem:s10], $0x2800  }
0xc5: {  	s1 =	simm.s32 @p0 $0x7  }
0xc6: {  	_ =	swait.ge @p0 [sflag:s1], $0x2800  }
0xc7: {  	[sflag:s1] =	ssyncset.done @p0 $0x0  }
0xc8: {  	[sflag:s1] =	ssyncadd.s32 @p0 $0xFFFFD800;
	s1 =	rddreg [dreg:$0xd]  }
0xc9: {  	[hbm:s1], [sflag:s8] =	dma.local @!p0 [spmem:s9], $0x2700  }
.Ltmp4:
0xca: {  	_ = 	snop;
	(pc) =	sbr.rel .LBB2_8-.Ltmp4, $4  }
0xcb: {  	s1 =	simm.s32 @!p0 $0x7  }
0xcc: {  	_ =	swait.ge @!p0 [sflag:s1], $0x2700  }
0xcd: {  	[sflag:s1] =	ssyncset.done @!p0 $0x0  }
0xce: {  	s5 =	rddreg [dreg:$0x10];
	[sflag:s1] =	ssyncadd.s32 @!p0 $0xFFFFD900  }
.LBB2_5:
0xcf: {  	[dreg:$0x11] =	wrdreg s8;
	s1 =	sadd.s32 $0x0, s21  }
0xd0: {  	[tilespmem:s17], [sflag:$0x7] =	stream.linear.gather [hbm4b:s1+s3], $0x50, $0x38;
	[tilespmem:$0x1E3C0] =	vst v63  }
0xd1: {  	_ =	swait.ge [sflag:s15], $0x50  }
0xd2: {  	[sflag:s15] =	ssyncset.done $0x0  }
0xd3: {  	s19 =	sadd.s32 $0x0, s20;
	[sflag:s15] =	ssyncadd.s32 $0xFFFFFFB0  }
0xd4: {  	[tilespmem:s18], [sflag:$0x7] =	stream.linear.gather [hbm4b:s19+s3], $0x50, $0x38;
	[tilespmem:$0x1E3C0] =	vst v63  }
0xd5: {  	_ =	swait.ge [sflag:s15], $0x50  }
0xd6: {  	[sflag:s15] =	ssyncset.done $0x0  }
0xd7: {  	[sflag:s15] =	ssyncadd.s32 $0xFFFFFFB0  }
0xd8: {  	[tilespmem:s7], [sflag:$0x1] =	stream.indirect.gather [hbm4b:s4+s6], $0x80, s17, s6, $0xb8;
	[tilespmem:$0x1E3C0] =	vst v63  }
0xd9: {  	_ =	swait.ge [sflag:s12], $0x2800  }
0xda: {  	[sflag:s12] =	ssyncset.done $0x0  }
0xdb: {  	[sflag:s12] =	ssyncadd.s32 $0xFFFFD800  }
0xdc: {  	[spmem:s2] =	stream.indirect.scatter.add.f32 [tilespmem:s7], [sflag:$0x7], $0x80, s18, s6, $0xb8;
	[tilespmem:$0x1E3C0] =	vst v63  }
0xdd: {  	_ =	swait.ge [sflag:s15], $0x2800  }
0xde: {  	s10 =	simm.s32 $0xA;
	s19 =	simm.s32 $0x14;
	[sflag:s15] =	ssyncset.done $0x0  }
.LBB2_6:
0xdf: {  	s1 =	sadd.s32 s10, s21  }
0xe0: {  	[sflag:s15] =	ssyncadd.s32 $0xFFFFD800;
	s5 =	smov.u32 s19;
	s8 =	sadd.s32 $0xA, s19  }
0xe1: {  	[tilespmem:s17], [sflag:$0x7] =	stream.linear.gather [hbm4b:s1+s3], $0x50, $0x38;
	[tilespmem:$0x1E3C0] =	vst v63  }
0xe2: {  	p6 =	sne.s32 s19, $0x33E;
	_ =	swait.ge [sflag:s15], $0x50  }
0xe3: {  	[sflag:s15] =	ssyncset.done $0x0  }
0xe4: {  	s1 =	sadd.s32 s10, s20;
	s10 =	smov.u32 s5;
	[sflag:s15] =	ssyncadd.s32 $0xFFFFFFB0  }
0xe5: {  	[tilespmem:s18], [sflag:$0x7] =	stream.linear.gather [hbm4b:s1+s3], $0x50, $0x38;
	[tilespmem:$0x1E3C0] =	vst v63  }
0xe6: {  	_ =	swait.ge [sflag:s15], $0x50  }
0xe7: {  	[sflag:s15] =	ssyncset.done $0x0  }
0xe8: {  	[sflag:s15] =	ssyncadd.s32 $0xFFFFFFB0  }
0xe9: {  	[tilespmem:s7], [sflag:$0x1] =	stream.indirect.gather [hbm4b:s4+s6], $0x80, s17, s6, $0xb8;
	[tilespmem:$0x1E3C0] =	vst v63  }
0xea: {  	_ =	swait.ge [sflag:s12], $0x2800  }
.Ltmp5:
0xeb: {  	[sflag:s12] =	ssyncset.done $0x0;
	(pc) =	sbr.rel @p6 .LBB2_6-.Ltmp5, $4  }
0xec: {  	[sflag:s12] =	ssyncadd.s32 $0xFFFFD800  }
0xed: {  	[spmem:s2] =	stream.indirect.scatter.add.f32 [tilespmem:s7], [sflag:$0x7], $0x80, s18, s6, $0xb8;
	[tilespmem:$0x1E3C0] =	vst v63  }
0xee: {  	_ =	swait.ge [sflag:s15], $0x2800  }
0xef: {  	s19 =	smov.u32 s8;
	[sflag:s15] =	ssyncset.done $0x0  }
.Ltmp6:
0xf0: {  	_ = 	snop;
	(pc) =	sbr.rel .LBB2_7-.Ltmp6, $1  }
0xf1: {  	_ =	sdelay $0x3  }
.LBB2_9:
0xf2: {  	_ =	sfence.sel $0x180000  }
0xf3: {  	[bflag:$0x0] =	sbarrier.arrive $0xFFFF  }
0xf4: {  	_ =	strace $0x9000004D  }
0xf5: {  	s0 =	stileid.u32;
	[bflag:$0x2] =	sbarrier.arrive $0xFFFF  }
0xf6: {  	p0 =	sne.s32 s0, $0x0;
	s0 =	rddreg [dreg:$0x2]  }
0xf7: {  	s0 =	sadd.s32 @!p0 $0x100000, s0  }
0xf8: {  	[sflag:s0] =	ssyncadd.tile.s32 @!p0 $0x1;
	_ =	shalt  }
.Lfunc_end2:
_tile_overlayer_lowered:
.L_overlay_start_2:
0xf9: {  	(tag) =	ssettag $0x2  }
0xfa: {  	s0 =	rddreg [dreg:$0x0];
	s2 =	stileid.u32  }
0xfb: {  	s1 =	rddreg [dreg:$0x1];
	p0 =	sne.s32 s2, $0x0  }
0xfc: {  	s3 =	rddreg [dreg:$0x2];
	[bflag:$0x3] =	sbarrier.arrive $0xFFFF;
	s2 =	simm.s32 @!p0 $0x1C07  }
0xfd: {  	[timem:s3], [sflag:s2] =	dma.local @!p0 [hbm:s0], s1  }
0xfe: {  	s0 =	simm.s32 @!p0 $0x7  }
0xff: {  	_ =	swait.ge @!p0 [sflag:s0], s1  }
0x100: {  	s1 =	ssub.s32 @!p0 $0x0, s1;
	[sflag:s0] =	ssyncset.done @!p0 $0x0  }
0x101: {  	[sflag:s0] =	ssyncadd.s32 @!p0 s1  }
0x102: {  	[bflag:$0x3] =	sbarrier.arrive $0xFFFF  }
0x103: {  	_ =	shalt  }

// kernel: kernel.19.cloned.1.call-start
scs
__scs_entry_jumppad:
0x0: {  	(pc) =	sbr.rel $0x88, $3  }
0x1: {  	(tag) =	ssettag $0x0;
	lr =	simm.s32 $0x1  }
0x2: {  	[smem:$0x3F9A] =	sst lr;
	_ =	strace $0xD0000000  }
0x3: {  	_ = 	snop  }
0x4: {  	_ = 	snop  }
0x5: {  	_ = 	snop  }
0x6: {  	_ = 	snop  }
0x7: {  	_ = 	snop  }
__scs_overlays_trampoline_lowered:
0x8: {  	[smem:$0x3FA9] =	sst s0  }
0x9: {  	[smem:$0x3FAA] =	sst s1  }
0xa: {  	[smem:$0x3FAB] =	sst s2  }
0xb: {  	[smem:$0x3FAC] =	sst s3  }
0xc: {  	[smem:$0x3FAD] =	sst s4  }
0xd: {  	[smem:$0x3FAE] =	sst s5  }
0xe: {  	[smem:$0x3FAF] =	sst s6  }
0xf: {  	[smem:$0x3FB0] =	sst s7  }
0x10: {  	[smem:$0x3FB1] =	sst s8  }
0x11: {  	[smem:$0x3FB2] =	sst s9;
	s0 =	simm.s32 @!p0 $0x0  }
0x12: {  	s1 =	sld [smem:$0x3F98];
	s0 =	simm.s32 @p0 $0x1  }
0x13: {  	[smem:$0x3FB3] =	sst s0;
	s0 =	simm.s32 @!p1 $0x0  }
0x14: {  	s2 =	sld [smem:$0x3F97];
	s0 =	simm.s32 @p1 $0x1  }
0x15: {  	[smem:$0x3FB4] =	sst s0;
	s0 =	simm.s32 @!p2 $0x0  }
0x16: {  	s3 =	sld [smem:$0x3FDB];
	s0 =	simm.s32 @p2 $0x1  }
0x17: {  	s4 =	simm.s32 $0x1BF5;
	[smem:$0x3FB6] =	sst s0  }
0x18: {  	s0 =	sld [smem:$0x3F99];
	_ =	swait.ge [sflag:s4], $0x0  }
0x19: {  	s7 =	sld [smem:$0x3F9A]  }
0x1a: {  	s8 =	sadd.s32 $0xFFFFE003, lr  }
0x1b: {  	s9 =	sadd.s32 $0xFFFFFEF7, lr;
	s5 =	simm.s32 $0xFFFFFFFF;
	p2 =	slt.u32 s8, $0xFFFFF086  }
0x1c: {  	p1 =	slt.u32 s9, $0xF7A;
	s5 =	simm.s32 @!p2 $0x0  }
0x1d: {  	s5 =	simm.s32 @p1 $0x1;
	p0 =	seq.s32 s7, s2  }
0x1e: {  	s7 =	smul.u32 @!p0 $0xF7A, s2;
	p2 =	seq.s32 @!p0 s5, $0x0  }
0x1f: {  	s9 =	smul.u32 $0xF7A, s1;
	s8 =	simm.s32 @!p0 $0x1BF5;
	p2 =	por !p2, p0  }
0x20: {  	[sflag:s8] =	ssyncset.s32 @!p0 $0xFFFFF086;
	s6 =	sadd.s32 @!p0 s3, s7;
	s7 =	simm.s32 @!p0 $0x108  }
0x21: {  	s3 =	sadd.s32 s3, s9;
	s6 =	sadd.s32 @!p0 $0x88, s6;
	s7 =	simm.s32 @p2 $0x1082  }
0x22: {  	[simem:s7], [sflag:s8] =	dma.local @!p0 [hbm:s6], $0xF7A  }
0x23: {  	s9 =	sor.u32 $0xD0000000, s2;
	s6 =	simm.s32 $0x108;
	_ =	swait.ge @!p0 [sflag:s8], $0x0  }
0x24: {  	s3 =	sadd.s32 $0x88, s3;
	s6 =	simm.s32 @!p1 $0x1082;
	[sflag:s4] =	ssyncset.s32 $0xFFFFF086  }
0x25: {  	[simem:s6], [sflag:s4] =	dma.local [hbm:s3], $0xF7A  }
0x26: {  	[smem:$0x3F9A] =	sst s1;
	(tag) =	ssettag s2;
	_ =	strace s9  }
0x27: {  	s1 =	sld [smem:$0x3FAA]  }
0x28: {  	s2 =	sld [smem:$0x3FAB]  }
0x29: {  	s4 =	sld [smem:$0x3FAD]  }
0x2a: {  	p0 =	seq.s32 s5, $0x0;
	s5 =	sld [smem:$0x3FAE]  }
0x2b: {  	s6 =	sld [smem:$0x3FAF]  }
0x2c: {  	s7 =	sld [smem:$0x3FB0]  }
0x2d: {  	s3 =	simm.s32 $0x108;
	s8 =	sld [smem:$0x3FB1]  }
0x2e: {  	s3 =	simm.s32 @!p0 $0x1082;
	s9 =	sld [smem:$0x3FB2]  }
0x2f: {  	lr =	sadd.s32 s0, s3;
	s0 =	sld [smem:$0x3FA9]  }
0x30: {  	s3 =	sld [smem:$0x3FAC]  }
0x31: {  	[smem:$0x3FB5] =	sst s10  }
0x32: {  	s10 =	sld [smem:$0x3FB3];
	_ =	sdelay $0x3  }
0x33: {  	p0 =	seq.s32 s10, $0x1;
	s10 =	sld [smem:$0x3FB5];
	_ =	sdelay $0x3  }
0x34: {  	[smem:$0x3FB5] =	sst s10  }
0x35: {  	s10 =	sld [smem:$0x3FB4];
	_ =	sdelay $0x3  }
0x36: {  	p1 =	seq.s32 s10, $0x1;
	s10 =	sld [smem:$0x3FB5];
	_ =	sdelay $0x3  }
0x37: {  	[smem:$0x3FB5] =	sst s10  }
0x38: {  	s10 =	sld [smem:$0x3FB6]  }
0x39: {  	_ = 	snop;
	(pc) =	sbr.ind lr, $3  }
0x3a: {  	_ = 	snop  }
0x3b: {  	_ = 	snop  }
0x3c: {  	p2 =	seq.s32 s10, $0x1;
	s10 =	sld [smem:$0x3FB5]  }
0x3d: {  	_ =	shalt  }
0x3e: {  	_ =	shalt  }
0x3f: {  	_ =	shalt  }
0x40: {  	_ =	shalt  }
0x41: {  	_ =	shalt  }
0x42: {  	_ =	shalt  }
0x43: {  	_ =	shalt  }
0x44: {  	_ =	shalt  }
0x45: {  	_ =	shalt  }
0x46: {  	_ =	shalt  }
0x47: {  	_ =	shalt  }
0x48: {  	_ =	shalt  }
0x49: {  	_ =	shalt  }
0x4a: {  	_ =	shalt  }
0x4b: {  	_ =	shalt  }
0x4c: {  	_ =	shalt  }
0x4d: {  	_ =	shalt  }
0x4e: {  	_ =	shalt  }
0x4f: {  	_ =	shalt  }
0x50: {  	_ =	shalt  }
0x51: {  	_ =	shalt  }
0x52: {  	_ =	shalt  }
0x53: {  	_ =	shalt  }
0x54: {  	_ =	shalt  }
0x55: {  	_ =	shalt  }
0x56: {  	_ =	shalt  }
0x57: {  	_ =	shalt  }
0x58: {  	_ =	shalt  }
0x59: {  	_ =	shalt  }
0x5a: {  	_ =	shalt  }
0x5b: {  	_ =	shalt  }
0x5c: {  	_ =	shalt  }
0x5d: {  	_ =	shalt  }
0x5e: {  	_ =	shalt  }
0x5f: {  	_ =	shalt  }
0x60: {  	_ =	shalt  }
0x61: {  	_ =	shalt  }
0x62: {  	_ =	shalt  }
0x63: {  	_ =	shalt  }
0x64: {  	_ =	shalt  }
0x65: {  	_ =	shalt  }
0x66: {  	_ =	shalt  }
0x67: {  	_ =	shalt  }
0x68: {  	_ =	shalt  }
0x69: {  	_ =	shalt  }
0x6a: {  	_ =	shalt  }
0x6b: {  	_ =	shalt  }
0x6c: {  	_ =	shalt  }
0x6d: {  	_ =	shalt  }
0x6e: {  	_ =	shalt  }
0x6f: {  	_ =	shalt  }
0x70: {  	_ =	shalt  }
0x71: {  	_ =	shalt  }
0x72: {  	_ =	shalt  }
0x73: {  	_ =	shalt  }
0x74: {  	_ =	shalt  }
0x75: {  	_ =	shalt  }
0x76: {  	_ =	shalt  }
0x77: {  	_ =	shalt  }
0x78: {  	_ =	shalt  }
0x79: {  	_ =	shalt  }
0x7a: {  	_ =	shalt  }
0x7b: {  	_ =	shalt  }
0x7c: {  	_ =	shalt  }
0x7d: {  	_ =	shalt  }
0x7e: {  	_ =	shalt  }
0x7f: {  	_ =	shalt  }
0x80: {  	_ =	shalt  }
0x81: {  	_ =	shalt  }
0x82: {  	_ =	shalt  }
0x83: {  	_ =	shalt  }
0x84: {  	_ =	shalt  }
0x85: {  	_ =	shalt  }
0x86: {  	_ =	shalt  }
0x87: {  	_ =	shalt  }
.Lfunc_end0:
.L_simem_size_0:
called_computation.3_lowered:
.L_overlay_start_0:
0x88: {  	s2 =	sld [smem:$0x3FD9]  }
0x89: {  	s3 =	sld [smem:$0x3FFE];
	_ =	sdelay $0x1  }
0x8a: {  	s1 =	srdreg.scid  }
0x8b: {  	s0 =	sand.u32 $0x1, s1  }
0x8c: {  	s17 =	sshll.u32 s0, $0xA;
	s2 =	sadd.s32 s3, s2  }
0x8d: {  	s2 =	sadd.s32 s2, s17  }
0x8e: {  	[smem:$0x3FC1] =	sst s2  }
0x8f: {  	_ = 	snop  }
0x90: {  	s2 =	sld [smem:$0x3FD0];
	(tm) =	ssettm $0x1  }
0x91: {  	s18 =	sld [smem:$0x3FFB];
	_ =	sdelay $0x3  }
0x92: {  	_ =	strace s18  }
0x93: {  	s3 =	sld [smem:$0x3FFC];
	_ =	sdelay $0x3  }
0x94: {  	_ =	strace s3  }
0x95: {  	s3 =	sld [smem:$0x3FFD];
	_ =	sdelay $0x3  }
0x96: {  	_ =	strace s3  }
0x97: {  	_ =	strace $0x8FFFFFFF  }
0x98: {  	s19 =	sld [smem:$0x3FDB];
	_ =	sdelay $0x1  }
0x99: {  	s4 =	simm.s32 $_scs_section_size  }
0x9a: {  	s5 =	simm.s32 $_size__tile_overlayer_lowered;
	s6 =	simm.s32 $_tile_overlayer_lowered  }
0x9b: {  	s22 =	simm.s32 $0x1BFF;
	s21 =	sshll.u32 s6, $0x1;
	s3 =	sadd.s32 s4, s19  }
0x9c: {  	s7 =	simm.s32 $0x0;
	s20 =	sshll.u32 s5, $0x1;
	s5 =	sadd.s32 s21, s3  }
0x9d: {  	[timem:s7], [sflag:s22] =	dma.local [hbm:s5], s20  }
0x9e: {  	_ =	swait.ge [sflag:s22], s20  }
0x9f: {  	s4 =	ssub.s32 $0x0, s20;
	[sflag:s22] =	ssyncset.done $0x0  }
0xa0: {  	[sflag:s22] =	ssyncadd.s32 s4;
	_ =	sdelay $0x1  }
0xa1: {  	s23 =	simm.s32 $0x1B8B  }
0xa2: {  	_ =	swait.ge [sflag:s23], $0x1  }
0xa3: {  	[sflag:s23] =	ssyncset.done $0x0  }
0xa4: {  	s25 =	simm.s32 $0x1B8E;
	s24 =	sld [smem:$0x3FFE];
	[sflag:s23] =	ssyncadd.s32 $0xFFFFFFFF  }
0xa5: {  	s26 =	simm.s32 $execute0_lowered;
	[smem:$0x3FD2] =	sst s25  }
0xa6: {  	s5 =	sshll.u32 s26, $0x1;
	_ =	strace $0x8000004F;
	[dreg:$0x1] =	wrdreg $0xFFFFFFFF  }
0xa7: {  	s28 =	simm.s32 $_size_execute0_lowered;
	s3 =	sadd.s32 s3, s5;
	[dreg:$0x0] =	wrdreg $0x0  }
0xa8: {  	s5 =	sshll.u32 s28, $0x1;
	[dreg:$0x2] =	wrdreg s3  }
0xa9: {  	[dreg:$0x3] =	wrdreg s5  }
0xaa: {  	[dreg:$0x4] =	wrdreg $0xC0  }
0xab: {  	_ =	task [dreg:s7], $0x5FFFF  }
0xac: {  	[dreg:$0x1] =	wrdreg $0xFFFFFFFF  }
0xad: {  	[dreg:$0x0] =	wrdreg $0x60  }
0xae: {  	[dreg:$0x2] =	wrdreg s24  }
0xaf: {  	[dreg:$0x3] =	wrdreg s2  }
0xb0: {  	[dreg:$0x4] =	wrdreg $0x9  }
0xb1: {  	_ =	task.clear_ibuf [dreg:s7], $0x5FFFF;
	_ =	strace $0x9000004F  }
0xb2: {  	s29 =	simm.s32 $0x9;
	_ =	strace $0x80000051  }
0xb3: {  	_ =	swait.ge [sflag:s29], $0x1  }
0xb4: {  	[sflag:s29] =	ssyncadd.s32 $0xFFFFFFFF  }
0xb5: {  	_ =	strace $0x90000051  }
0xb6: {  	_ =	sfence  }
0xb7: {  	s30 =	sld [smem:$0x0];
	_ =	sdelay $0x2  }
0xb8: {  	s31 =	sshll.u32 s1, $0xD;
	s1 =	sshrl.u32 s1, $0x2  }
0xb9: {  	s3 =	sand.u32 $0x4000, s31;
	s1 =	sadd.s32 s1, s30  }
0xba: {  	s0 =	sor.u32 s3, s0;
	s1 =	sshll.u32 s1, $0x11  }
0xbb: {  	s0 =	sor.u32 s1, s0  }
0xbc: {  	s0 =	sadd.s32 $0x8F2B, s0  }
0xbd: {  	[sflag:s0] =	ssyncadd.remote.s32 $0x1  }
0xbe: {  	_ =	sfence.sel $0xFFFF  }
0xbf: {  	[dreg:$0x0] =	wrdreg $0xFFFFFFFF;
	(pc) =	sbr.abs _section_cstart, $3  }
0xc0: {  	[dreg:$0x1] =	wrdreg $0xFFFFFFFF  }
0xc1: {  	_ =	task.clear_ibuf [dreg:s7], $0x2FFFF;
	_ =	strace $0x9FFFFFFF  }
0xc2: {  	(tm) =	ssettm $0x7FFFFFFF  }
0xc3: {  	_ =	shalt  }
tec
execute0_lowered:
.L_overlay_start_1:
0x0: {  	(tag) =	ssettag $0x1  }
0x1: {  	s1 =	srdreg.scid  }
0x2: {  	s1 =	sand.u32 $0x1, s1  }
0x3: {  	p0 =	seq.s32 s1, $0x1  }
.Ltmp0:
0x4: {  	_ = 	snop;
	(pc) =	sbr.rel @p0 .LBB2_5-.Ltmp0, $4  }
0x5: {  	s14 =	rddreg [dreg:$0x0]  }
0x6: {  	s12 =	rddreg [dreg:$0x1];
	s2 =	simm.s32 $0x0  }
0x7: {  	[smem:$0x7FF] =	sst s2  }
0x8: {  	s0 =	rddreg [dreg:$0x2];
	_ =	strace $0x80000050;
	s1 =	stileid.u32  }
0x9: {  	s4 =	smul.u32 $0x310, s1;
	_ =	sdelay $0x1  }
0xa: {  	s13 =	sadd.s32 $0x2E00, s14;
	s3 =	sadd.s32 s12, s4  }
0xb: {  	[tilespmem:s2], [sflag:$0x5] =	stream.linear.gather [hbm4b:s3+s2], $0x80, $0x38;
	[tilespmem:$0x10200] =	vst v63  }
0xc: {  	s5 =	simm.s32 $0x100;
	s6 =	simm.s32 $0x5;
	s4 =	sadd.s32 s13, s4  }
0xd: {  	[tilespmem:s5], [sflag:$0x7] =	stream.linear.gather [hbm4b:s4+s2], $0x80, $0x38;
	[tilespmem:$0x10200] =	vst v63  }
0xe: {  	_ =	swait.ge [sflag:s6], $0x80  }
0xf: {  	[sflag:s6] =	ssyncset.done $0x0  }
0x10: {  	s7 =	simm.s32 $0x7;
	[sflag:s6] =	ssyncadd.s32 $0xFFFFFF80  }
0x11: {  	s9 =	smul.u32 $0x1880, s1;
	_ =	swait.ge [sflag:s7], $0x80  }
0x12: {  	s8 =	sadd.s32 $0x6000, s14;
	s10 =	simm.s32 $0x200;
	[sflag:s7] =	ssyncset.done $0x0  }
0x13: {  	s11 =	sshrl.u32 s9, $0x3;
	s9 =	simm.s32 $0x80;
	[sflag:s7] =	ssyncadd.s32 $0xFFFFFF80  }
0x14: {  	[tilespmem:s10], [sflag:$0x1] =	stream.indirect.gather [hbm4b:s8+s9], $0x80, s2, s9, $0xb8;
	[tilespmem:$0x10200] =	vst v63  }
0x15: {  	s16 =	smul.u32 $0xC4000, s1;
	s15 =	sadd.s32 $0x10, s11;
	s11 =	simm.s32 $0x8200  }
0x16: {  	[tilespmem:s11], [sflag:$0x3] =	stream.indirect.gather [hbm4b:s8+s9], $0x80, s5, s9, $0xb8;
	[tilespmem:$0x10200] =	vst v63  }
0x17: {  	s19 =	sadd.s32 $0x2D200, s14;
	s31 =	sadd.s32 $0x1B5200, s14;
	s30 =	sadd.s32 s12, s15  }
0x18: {  	[tilespmem:s9], [sflag:$0x6] =	stream.linear.gather [hbm4b:s30+s2], $0x80, $0x38;
	[tilespmem:$0x10200] =	vst v63  }
0x19: {  	s17 =	simm.s32 $0x4200;
	s13 =	sadd.s32 s13, s15;
	s12 =	simm.s32 $0x180  }
0x1a: {  	[tilespmem:s12], [sflag:$0x8] =	stream.linear.gather [hbm4b:s13+s2], $0x80, $0x38;
	[tilespmem:$0x10200] =	vst v63  }
0x1b: {  	s18 =	simm.s32 $0xC200;
	s21 =	smul.u32 $0x18800, s1;
	s13 =	simm.s32 $0x6  }
0x1c: {  	s23 =	simm.s32 $0x9;
	s24 =	simm.s32 $0x2;
	_ =	swait.ge [sflag:s13], $0x80  }
0x1d: {  	s25 =	simm.s32 $0x4;
	s26 =	simm.s32 $0x0;
	[sflag:s13] =	ssyncset.done $0x0  }
0x1e: {  	s16 =	sshrl.u32 s16, $0x3;
	s15 =	simm.s32 $0x8;
	[sflag:s13] =	ssyncadd.s32 $0xFFFFFF80  }
0x1f: {  	s22 =	sadd.s32 s21, s31;
	s20 =	sadd.s32 $0x18000, s16;
	_ =	swait.ge [sflag:s15], $0x80  }
0x20: {  	s21 =	sadd.s32 s21, s19;
	s16 =	sadd.s32 s19, s20;
	[sflag:s15] =	ssyncset.done $0x0  }
0x21: {  	s14 =	sadd.s32 s31, s20;
	s19 =	sadd.s32 $0x800, s22;
	[sflag:s15] =	ssyncadd.s32 $0xFFFFFF80  }
0x22: {  	[tilespmem:s17], [sflag:$0x2] =	stream.indirect.gather [hbm4b:s8+s9], $0x80, s9, s9, $0xb8;
	[tilespmem:$0x10200] =	vst v63  }
0x23: {  	s20 =	sadd.s32 $0x800, s21;
	s21 =	simm.s32 $0x1;
	s22 =	simm.s32 $0x3  }
0x24: {  	[tilespmem:s18], [sflag:$0x4] =	stream.indirect.gather [hbm4b:s8+s9], $0x80, s12, s9, $0xb8;
	[tilespmem:$0x10200] =	vst v63  }
.LBB2_2:
0x25: {  	_ =	swait.ge [sflag:s21], $0x4000  }
0x26: {  	[sflag:s21] =	ssyncset.done $0x0  }
0x27: {  	[sflag:s21] =	ssyncadd.s32 $0xFFFFC000  }
0x28: {  	_ =	swait.ge [sflag:s22], $0x4000  }
0x29: {  	[sflag:s22] =	ssyncset.done $0x0  }
0x2a: {  	s28 =	sadd.s32 $0xFFFFF800, s20;
	[sflag:s22] =	ssyncadd.s32 $0xFFFFC000  }
0x2b: {  	[hbm4b:s28+s2] =	stream.linear.scatter [tilespmem:s10], [sflag:$0x9], $0x4000, $0x38;
	[tilespmem:$0x10200] =	vst v63  }
0x2c: {  	_ =	swait.ge [sflag:s23], $0x4000  }
0x2d: {  	[sflag:s23] =	ssyncset.done $0x0  }
0x2e: {  	s28 =	sadd.s32 $0xFFFFF800, s19;
	[sflag:s23] =	ssyncadd.s32 $0xFFFFC000  }
0x2f: {  	[hbm4b:s28+s2] =	stream.linear.scatter [tilespmem:s11], [sflag:$0x9], $0x4000, $0x38;
	[tilespmem:$0x10200] =	vst v63  }
0x30: {  	_ =	swait.ge [sflag:s23], $0x4000  }
0x31: {  	s28 =	sadd.s32 s26, s3;
	[sflag:s23] =	ssyncset.done $0x0  }
0x32: {  	s29 =	sadd.s32 $0x20, s28;
	[sflag:s23] =	ssyncadd.s32 $0xFFFFC000  }
0x33: {  	[tilespmem:s2], [sflag:$0x5] =	stream.linear.gather [hbm4b:s29+s2], $0x80, $0x38;
	[tilespmem:$0x10200] =	vst v63  }
0x34: {  	s29 =	sadd.s32 s26, s4  }
0x35: {  	s30 =	sadd.s32 $0x20, s29  }
0x36: {  	[tilespmem:s5], [sflag:$0x7] =	stream.linear.gather [hbm4b:s30+s2], $0x80, $0x38;
	[tilespmem:$0x10200] =	vst v63  }
0x37: {  	_ =	swait.ge [sflag:s6], $0x80  }
0x38: {  	[sflag:s6] =	ssyncset.done $0x0  }
0x39: {  	[sflag:s6] =	ssyncadd.s32 $0xFFFFFF80  }
0x3a: {  	_ =	swait.ge [sflag:s7], $0x80  }
0x3b: {  	[sflag:s7] =	ssyncset.done $0x0  }
0x3c: {  	[sflag:s7] =	ssyncadd.s32 $0xFFFFFF80  }
0x3d: {  	[tilespmem:s10], [sflag:$0x1] =	stream.indirect.gather [hbm4b:s8+s9], $0x80, s2, s9, $0xb8;
	[tilespmem:$0x10200] =	vst v63  }
0x3e: {  	_ = 	snop  }
0x3f: {  	[tilespmem:s11], [sflag:$0x3] =	stream.indirect.gather [hbm4b:s8+s9], $0x80, s5, s9, $0xb8;
	[tilespmem:$0x10200] =	vst v63  }
0x40: {  	_ =	swait.ge [sflag:s24], $0x4000  }
0x41: {  	[sflag:s24] =	ssyncset.done $0x0  }
0x42: {  	[sflag:s24] =	ssyncadd.s32 $0xFFFFC000  }
0x43: {  	_ =	swait.ge [sflag:s25], $0x4000  }
0x44: {  	[sflag:s25] =	ssyncset.done $0x0  }
0x45: {  	[sflag:s25] =	ssyncadd.s32 $0xFFFFC000  }
0x46: {  	[hbm4b:s20+s2] =	stream.linear.scatter [tilespmem:s17], [sflag:$0x9], $0x4000, $0x38;
	[tilespmem:$0x10200] =	vst v63  }
0x47: {  	_ =	swait.ge [sflag:s23], $0x4000  }
0x48: {  	p0 =	seq.s32 s26, $0x2E0;
	[sflag:s23] =	ssyncset.done $0x0  }
.Ltmp1:
0x49: {  	[sflag:s23] =	ssyncadd.s32 $0xFFFFC000;
	(pc) =	sbr.rel @p0 .LBB2_4-.Ltmp1, $4  }
0x4a: {  	[hbm4b:s19+s2] =	stream.linear.scatter [tilespmem:s18], [sflag:$0x9], $0x4000, $0x38;
	[tilespmem:$0x10200] =	vst v63  }
0x4b: {  	_ =	swait.ge [sflag:s23], $0x4000  }
0x4c: {  	[sflag:s23] =	ssyncset.done $0x0  }
0x4d: {  	[sflag:s23] =	ssyncadd.s32 $0xFFFFC000  }
0x4e: {  	s28 =	sadd.s32 $0x30, s28  }
0x4f: {  	[tilespmem:s9], [sflag:$0x6] =	stream.linear.gather [hbm4b:s28+s2], $0x80, $0x38;
	[tilespmem:$0x10200] =	vst v63  }
0x50: {  	s31 =	sadd.s32 $0x30, s29  }
0x51: {  	[tilespmem:s12], [sflag:$0x8] =	stream.linear.gather [hbm4b:s31+s2], $0x80, $0x38;
	[tilespmem:$0x10200] =	vst v63  }
0x52: {  	_ =	swait.ge [sflag:s13], $0x80  }
0x53: {  	[sflag:s13] =	ssyncset.done $0x0  }
0x54: {  	[sflag:s13] =	ssyncadd.s32 $0xFFFFFF80  }
0x55: {  	_ =	swait.ge [sflag:s15], $0x80  }
.Ltmp2:
0x56: {  	[sflag:s15] =	ssyncset.done $0x0;
	(pc) =	sbr.rel .LBB2_2-.Ltmp2, $4  }
0x57: {  	[sflag:s15] =	ssyncadd.s32 $0xFFFFFF80  }
0x58: {  	[tilespmem:s17], [sflag:$0x2] =	stream.indirect.gather [hbm4b:s8+s9], $0x80, s9, s9, $0xb8;
	[tilespmem:$0x10200] =	vst v63  }
0x59: {  	s26 =	sadd.s32 $0x20, s26;
	s19 =	sadd.s32 $0x1000, s19;
	s20 =	sadd.s32 $0x1000, s20  }
0x5a: {  	[tilespmem:s18], [sflag:$0x4] =	stream.indirect.gather [hbm4b:s8+s9], $0x80, s12, s9, $0xb8;
	[tilespmem:$0x10200] =	vst v63  }
.LBB2_4:
0x5b: {  	s2 =	simm.s32 $0x1  }
0x5c: {  	_ =	swait.ge [sflag:s2], $0x4000  }
0x5d: {  	[sflag:s2] =	ssyncset.done $0x0  }
0x5e: {  	s29 =	simm.s32 $0x3;
	[sflag:s2] =	ssyncadd.s32 $0xFFFFC000  }
0x5f: {  	_ =	swait.ge [sflag:s29], $0x4000  }
0x60: {  	s30 =	simm.s32 $0x0;
	[sflag:s29] =	ssyncset.done $0x0  }
0x61: {  	s3 =	simm.s32 $0x200;
	s31 =	simm.s32 $0x9;
	[sflag:s29] =	ssyncadd.s32 $0xFFFFC000  }
0x62: {  	[hbm4b:s16+s30] =	stream.linear.scatter [tilespmem:s3], [sflag:$0x9], $0x4000, $0x38;
	[tilespmem:$0x10200] =	vst v63  }
0x63: {  	_ =	swait.ge [sflag:s31], $0x4000  }
0x64: {  	[sflag:s31] =	ssyncset.done $0x0  }
0x65: {  	s4 =	simm.s32 $0x8200;
	[sflag:s31] =	ssyncadd.s32 $0xFFFFC000  }
0x66: {  	[hbm4b:s14+s30] =	stream.linear.scatter [tilespmem:s4], [sflag:$0x9], $0x4000, $0x38;
	[tilespmem:$0x10200] =	vst v63  }
0x67: {  	_ =	swait.ge [sflag:s31], $0x4000  }
0x68: {  	[sflag:s31] =	ssyncset.done $0x0  }
0x69: {  	[sflag:s31] =	ssyncadd.s32 $0xFFFFC000  }
.LBB2_5:
0x6a: {  	_ =	sfence.sel $0x180000  }
0x6b: {  	[bflag:$0x0] =	sbarrier.arrive $0xFFFF  }
0x6c: {  	p0 =	sne.s32 s1, $0x0;
	_ =	strace $0x90000050  }
0x6d: {  	s0 =	sadd.s32 @!p0 $0x100000, s0;
	[bflag:$0x2] =	sbarrier.arrive $0xFFFF  }
0x6e: {  	[sflag:s0] =	ssyncadd.tile.s32 @!p0 $0x1;
	_ =	shalt  }
.Lfunc_end2:
_tile_overlayer_lowered:
.L_overlay_start_2:
0x6f: {  	(tag) =	ssettag $0x2  }
0x70: {  	s0 =	rddreg [dreg:$0x0];
	s2 =	stileid.u32  }
0x71: {  	s1 =	rddreg [dreg:$0x1];
	p0 =	sne.s32 s2, $0x0  }
0x72: {  	s3 =	rddreg [dreg:$0x2];
	[bflag:$0x3] =	sbarrier.arrive $0xFFFF;
	s2 =	simm.s32 @!p0 $0x1C09  }
0x73: {  	[timem:s3], [sflag:s2] =	dma.local @!p0 [hbm:s0], s1  }
0x74: {  	s0 =	simm.s32 @!p0 $0x9  }
0x75: {  	_ =	swait.ge @!p0 [sflag:s0], s1  }
0x76: {  	s1 =	ssub.s32 @!p0 $0x0, s1;
	[sflag:s0] =	ssyncset.done @!p0 $0x0  }
0x77: {  	[sflag:s0] =	ssyncadd.s32 @!p0 s1  }
0x78: {  	[bflag:$0x3] =	sbarrier.arrive $0xFFFF  }
0x79: {  	_ =	shalt  }

</sc_bundles>
